<compile_context>
chip_gen: v7x
topology: tpu7x:2x2x1
jax: 0.10.2.dev20260603
libtpu: 0.0.44.dev20260713+nightly
codegen_flags: <defaults>
</compile_context>

<pallas_src>
import functools

import jax
import jax.numpy as jnp
from jax import lax
from jax.experimental import pallas as pl
from jax.experimental.pallas import tpu as pltpu, tpu_sc as plsc

N = 10000
NP = 10240
E = 320000
D_IN = 128
HID = 64
HEADS = 2
F = HEADS * HID
NUM_CLASSES = 10
D_EDGE = 16
NUM_GRAPHS = 64

BN = 2048
BE = 2560
CH = 3200

_SC_PARAMS = pltpu.CompilerParams(needs_layout_passes=False)
_EPS = 1e-16


@functools.lru_cache(maxsize=1)
def _sc_mesh():
    return plsc.VectorSubcoreMesh(core_axis_name="c", subcore_axis_name="s")


def _zero_1d(ref):
    def zb(i, _):
        ref[pl.ds(i * 16, 16)] = jnp.zeros((16,), jnp.float32)
        return 0
    lax.fori_loop(0, NP // 16, zb, 0)


def _sc_aux_body(dst_hbm, ealT_hbm, aux_out, acc, dstb, ealb):
    c = lax.axis_index("c")
    s = lax.axis_index("s")

    @pl.when(s < 6)
    def _():
        _zero_1d(acc)
        half = E // 2
        base0 = c * half

        def chunk(ci, _):
            b = base0 + ci * CH
            pltpu.sync_copy(dst_hbm.at[pl.ds(b, CH)], dstb)

            @pl.when(s > 0)
            def _():
                pltpu.sync_copy(ealT_hbm.at[s - 1, 0, pl.ds(b, CH)], ealb)

            def vec(vi, _):
                o = vi * 16
                dv = dstb[pl.ds(o, 16)]

                @pl.when(s == 0)
                def _():
                    plsc.addupdate_scatter(acc, [dv],
                                           jnp.ones((16,), jnp.float32))

                @pl.when(s > 0)
                def _():
                    plsc.addupdate_scatter(acc, [dv], ealb[pl.ds(o, 16)])

                return 0

            lax.fori_loop(0, CH // 16, vec, 0)
            return 0

        lax.fori_loop(0, half // CH, chunk, 0)
        pltpu.sync_copy(acc, aux_out.at[c * 6 + s, 0])


def _sc_layer_body(h4_hbm, saT, daT, ealT, src_hbm, dst_hbm, num4, den_out,
                   h_flat, num_flat, sa_v, da_v, den_v,
                   srcb0, dstb0, ealb0, srcb1, dstb1, ealb1, sem0, sem1):
    c = lax.axis_index("c")
    s = lax.axis_index("s")
    t = c * 16 + s

    pltpu.sync_copy(h4_hbm.at[t, 0], h_flat)
    pltpu.sync_copy(saT.at[c, 0], sa_v)
    pltpu.sync_copy(daT.at[c, 0], da_v)

    def zb(i, _):
        num_flat[pl.ds(i * 16, 16)] = jnp.zeros((16,), jnp.float32)
        return 0
    lax.fori_loop(0, 4 * N // 16, zb, 0)

    def zd(i, _):
        den_v[pl.ds(i * 16, 16)] = jnp.zeros((16,), jnp.float32)
        return 0
    lax.fori_loop(0, N // 16, zd, 0)

    def issue(ci, sb, db, eb, sem):
        b = ci * CH
        pltpu.async_copy(src_hbm.at[pl.ds(b, CH)], sb, sem)
        pltpu.async_copy(dst_hbm.at[pl.ds(b, CH)], db, sem)
        pltpu.async_copy(ealT.at[c, 0, pl.ds(b, CH)], eb, sem)

    def drain(sb, db, eb, sem):
        pltpu.make_async_copy(src_hbm.at[pl.ds(0, CH)], sb, sem).wait()
        pltpu.make_async_copy(dst_hbm.at[pl.ds(0, CH)], db, sem).wait()
        pltpu.make_async_copy(ealT.at[c, 0, pl.ds(0, CH)], eb, sem).wait()

    def process(sb, db, eb):
        def vec(vi, _):
            o = vi * 16
            sv = sb[pl.ds(o, 16)]
            dv = db[pl.ds(o, 16)]
            al = (plsc.load_gather(sa_v, [sv])
                  + plsc.load_gather(da_v, [dv])
                  + eb[pl.ds(o, 16)])
            al = jnp.where(al >= 0.0, al, 0.2 * al)
            ex = jnp.exp(al)
            for f in range(4):
                hv = plsc.load_gather(h_flat, [sv + (f * N)])
                plsc.addupdate_scatter(num_flat, [dv + (f * N)], hv * ex)
            plsc.addupdate_scatter(den_v, [dv], ex)
            return 0

        lax.fori_loop(0, CH // 16, vec, 0)

    npair = E // CH // 2
    issue(0, srcb0, dstb0, ealb0, sem0)

    def pair(i, _):
        issue(2 * i + 1, srcb1, dstb1, ealb1, sem1)
        drain(srcb0, dstb0, ealb0, sem0)
        process(srcb0, dstb0, ealb0)

        @pl.when(i < npair - 1)
        def _():
            issue(2 * i + 2, srcb0, dstb0, ealb0, sem0)

        drain(srcb1, dstb1, ealb1, sem1)
        process(srcb1, dstb1, ealb1)
        return 0

    lax.fori_loop(0, npair, pair, 0)

    pltpu.sync_copy(num_flat, num4.at[t, 0])

    @pl.when(s == 0)
    def _():
        pltpu.sync_copy(den_v, den_out.at[c, 0])


def _sc_layer3_body(hT, saT, daT, ealT, src_hbm, dst_hbm, num_out, den_out,
               h_v, acc, sa_v, da_v, srcb, dstb, ealb):
    c = lax.axis_index("c")
    s = lax.axis_index("s")

    @pl.when(s <= NUM_CLASSES)
    def _():
        feat = jnp.minimum(s, NUM_CLASSES - 1)
        is_den = s == NUM_CLASSES
        pltpu.sync_copy(hT.at[feat, 0], h_v)
        pltpu.sync_copy(saT.at[0, 0], sa_v)
        pltpu.sync_copy(daT.at[0, 0], da_v)
        _zero_1d(acc)
        half = E // 2
        base0 = c * half

        def chunk(ci, _):
            b = base0 + ci * CH
            pltpu.sync_copy(src_hbm.at[pl.ds(b, CH)], srcb)
            pltpu.sync_copy(dst_hbm.at[pl.ds(b, CH)], dstb)
            pltpu.sync_copy(ealT.at[0, 0, pl.ds(b, CH)], ealb)

            def vec(vi, _):
                o = vi * 16
                sv = srcb[pl.ds(o, 16)]
                dv = dstb[pl.ds(o, 16)]
                al = (plsc.load_gather(sa_v, [sv])
                      + plsc.load_gather(da_v, [dv])
                      + ealb[pl.ds(o, 16)])
                al = jnp.where(al >= 0.0, al, 0.2 * al)
                ex = jnp.exp(al)
                hv = plsc.load_gather(h_v, [sv])
                val = jnp.where(is_den, ex, hv * ex)
                plsc.addupdate_scatter(acc, [dv], val)
                return 0

            lax.fori_loop(0, CH // 16, vec, 0)
            return 0

        lax.fori_loop(0, half // CH, chunk, 0)

        @pl.when(is_den)
        def _():
            pltpu.sync_copy(acc, den_out.at[c, 0])

        @pl.when(jnp.logical_not(is_den))
        def _():
            pltpu.sync_copy(acc, num_out.at[c * NUM_CLASSES + s, 0])




_NPF = jnp.float32


@functools.lru_cache(maxsize=1)
def _sc_aux():
    return pl.kernel(
        _sc_aux_body,
        out_type=jax.ShapeDtypeStruct((12, 1, NP), jnp.float32),
        mesh=_sc_mesh(),
        compiler_params=_SC_PARAMS,
        scratch_types=[
            pltpu.VMEM((NP,), jnp.float32),
            pltpu.VMEM((CH,), jnp.int32),
            pltpu.VMEM((CH,), jnp.float32),
        ],
    )


@functools.lru_cache(maxsize=1)
def _sc_layer():
    return pl.kernel(
        _sc_layer_body,
        out_type=[
            jax.ShapeDtypeStruct((32, 1, 4 * N), jnp.float32),
            jax.ShapeDtypeStruct((HEADS, 1, N), jnp.float32),
        ],
        mesh=_sc_mesh(),
        compiler_params=_SC_PARAMS,
        scratch_types=(
            [pltpu.VMEM((4 * N,), jnp.float32)] * 2
            + [pltpu.VMEM((N,), jnp.float32)] * 3
            + [pltpu.VMEM((CH,), jnp.int32), pltpu.VMEM((CH,), jnp.int32),
               pltpu.VMEM((CH,), jnp.float32)] * 2
            + [pltpu.SemaphoreType.DMA] * 2
        ),
    )


@functools.lru_cache(maxsize=1)
def _sc_layer3():
    return pl.kernel(
        _sc_layer3_body,
        out_type=[
            jax.ShapeDtypeStruct((2 * NUM_CLASSES, 1, NP), jnp.float32),
            jax.ShapeDtypeStruct((2, 1, NP), jnp.float32),
        ],
        mesh=_sc_mesh(),
        compiler_params=_SC_PARAMS,
        scratch_types=(
            [pltpu.VMEM((NP,), jnp.float32)] * 4
            + [pltpu.VMEM((CH,), jnp.int32)] * 2
            + [pltpu.VMEM((CH,), jnp.float32)]
        ),
    )


def _tc_prep1(x_p, W1, as1_2d, ad1_2d):
    def body(x_ref, w_ref, as_ref, ad_ref, hT_ref, sa_ref, da_ref):
        xb = x_ref[...]
        hT = lax.dot_general(w_ref[...], xb, (((0,), (1,)), ((), ())),
                             preferred_element_type=jnp.float32)
        hT_ref[...] = hT
        h3 = hT.reshape(HEADS, HID, BN)
        sa_ref[...] = (h3 * as_ref[...][:, :, None]).sum(axis=1)
        da_ref[...] = (h3 * ad_ref[...][:, :, None]).sum(axis=1)

    return pl.pallas_call(
        body,
        grid=(NP // BN,),
        in_specs=[
            pl.BlockSpec((BN, D_IN), lambda i: (i, 0)),
            pl.BlockSpec((D_IN, F), lambda i: (0, 0)),
            pl.BlockSpec((HEADS, HID), lambda i: (0, 0)),
            pl.BlockSpec((HEADS, HID), lambda i: (0, 0)),
        ],
        out_specs=[
            pl.BlockSpec((F, BN), lambda i: (0, i)),
            pl.BlockSpec((HEADS, BN), lambda i: (0, i)),
            pl.BlockSpec((HEADS, BN), lambda i: (0, i)),
        ],
        out_shape=[
            jax.ShapeDtypeStruct((F, NP), jnp.float32),
            jax.ShapeDtypeStruct((HEADS, NP), jnp.float32),
            jax.ShapeDtypeStruct((HEADS, NP), jnp.float32),
        ],
    )(x_p, W1, as1_2d, ad1_2d)


def _tc_edge_alpha(edge_attr, We1, ae1f, We2, ae2f, We3, ae3f):
    def body(ea_ref, we1_ref, ae1_ref, we2_ref, ae2_ref, we3_ref, ae3_ref,
             out_ref):
        def head_cols(we, aef):
            m = we * aef
            return (m[:, :HID].sum(axis=1, keepdims=True),
                    m[:, HID:].sum(axis=1, keepdims=True))

        v10, v11 = head_cols(we1_ref[...], ae1_ref[...])
        v20, v21 = head_cols(we2_ref[...], ae2_ref[...])
        v3 = (we3_ref[...] * ae3_ref[...]).sum(axis=1, keepdims=True)
        vcat = jnp.concatenate([v10, v11, v20, v21, v3], axis=1)
        out_ref[...] = lax.dot_general(
            vcat, ea_ref[...], (((0,), (1,)), ((), ())),
            preferred_element_type=jnp.float32)

    return pl.pallas_call(
        body,
        grid=(E // BE,),
        in_specs=[
            pl.BlockSpec((BE, D_EDGE), lambda i: (i, 0)),
            pl.BlockSpec((D_EDGE, F), lambda i: (0, 0)),
            pl.BlockSpec((1, F), lambda i: (0, 0)),
            pl.BlockSpec((D_EDGE, F), lambda i: (0, 0)),
            pl.BlockSpec((1, F), lambda i: (0, 0)),
            pl.BlockSpec((D_EDGE, NUM_CLASSES), lambda i: (0, 0)),
            pl.BlockSpec((1, NUM_CLASSES), lambda i: (0, 0)),
        ],
        out_specs=pl.BlockSpec((5, BE), lambda i: (0, i)),
        out_shape=jax.ShapeDtypeStruct((5, E), jnp.float32),
    )(edge_attr, We1, ae1f, We2, ae2f, We3, ae3f)


def _tc_epilogue(row_off, out_hc, numT, den, hT, saT, daT, aux_part, b_col,
                 Wn, asn, adn):
    H2, C2 = asn.shape

    def body(num_ref, den_ref, h_ref, sa_ref, da_ref, aux_ref, b_ref,
             w_ref, as_ref, ad_ref, hn_ref, san_ref, dan_ref):
        aux = aux_ref[...]
        auxs = aux[0] + aux[1]
        deg = jnp.maximum(auxs[0:1], 1.0)
        ealoop = auxs[1 + row_off:1 + row_off + HEADS] / deg
        asf = sa_ref[...] + da_ref[...] + ealoop
        asf = jnp.where(asf >= 0.0, asf, 0.2 * asf)
        exs = jnp.exp(asf)
        den_t = den_ref[...] + exs + _EPS
        h = h_ref[...].reshape(HEADS, HID, BN)
        num = num_ref[...].reshape(HEADS, HID, BN)
        out = (num + exs[:, None, :] * h) / den_t[:, None, :]
        out = out.reshape(F, BN) + b_ref[...]
        out = jnp.maximum(out, 0.0)
        hn = lax.dot_general(w_ref[...], out, (((0,), (0,)), ((), ())),
                             preferred_element_type=jnp.float32)
        hn_ref[...] = hn
        hn3 = hn.reshape(H2, C2, BN)
        san_ref[...] = (hn3 * as_ref[...][:, :, None]).sum(axis=1)
        dan_ref[...] = (hn3 * ad_ref[...][:, :, None]).sum(axis=1)

    return pl.pallas_call(
        body,
        grid=(NP // BN,),
        in_specs=[
            pl.BlockSpec((F, BN), lambda i: (0, i)),
            pl.BlockSpec((HEADS, BN), lambda i: (0, i)),
            pl.BlockSpec((F, BN), lambda i: (0, i)),
            pl.BlockSpec((HEADS, BN), lambda i: (0, i)),
            pl.BlockSpec((HEADS, BN), lambda i: (0, i)),
            pl.BlockSpec((2, 6, BN), lambda i: (0, 0, i)),
            pl.BlockSpec((F, 1), lambda i: (0, 0)),
            pl.BlockSpec((F, out_hc), lambda i: (0, 0)),
            pl.BlockSpec((H2, C2), lambda i: (0, 0)),
            pl.BlockSpec((H2, C2), lambda i: (0, 0)),
        ],
        out_specs=[
            pl.BlockSpec((out_hc, BN), lambda i: (0, i)),
            pl.BlockSpec((H2, BN), lambda i: (0, i)),
            pl.BlockSpec((H2, BN), lambda i: (0, i)),
        ],
        out_shape=[
            jax.ShapeDtypeStruct((out_hc, NP), jnp.float32),
            jax.ShapeDtypeStruct((H2, NP), jnp.float32),
            jax.ShapeDtypeStruct((H2, NP), jnp.float32),
        ],
    )(numT, den, hT, saT, daT, aux_part, b_col, Wn, asn, adn)


def _tc_final(num_part, den_part, h3T, sa3T, da3T, aux_part, b3_col, batch_p):
    nblk = NP // BN

    def body(num_ref, den_ref, h_ref, sa_ref, da_ref, aux_ref, b_ref,
             batch_ref, out_ref, pooled_acc, cnt_acc):
        i = pl.program_id(0)

        @pl.when(i == 0)
        def _():
            pooled_acc[...] = jnp.zeros_like(pooled_acc)
            cnt_acc[...] = jnp.zeros_like(cnt_acc)

        aux = aux_ref[...]
        auxs = aux[0] + aux[1]
        deg = jnp.maximum(auxs[0:1], 1.0)
        ealoop = auxs[5:6] / deg
        asf = sa_ref[...] + da_ref[...] + ealoop
        asf = jnp.where(asf >= 0.0, asf, 0.2 * asf)
        exs = jnp.exp(asf)
        num = num_ref[...][0] + num_ref[...][1]
        den = den_ref[...][0] + den_ref[...][1] + exs + _EPS
        out3 = (num + exs * h_ref[...]) / den + b_ref[...]

        gids = lax.broadcasted_iota(jnp.int32, (NUM_GRAPHS, BN), 0)
        mask = (batch_ref[...] == gids).astype(jnp.float32)
        pooled_acc[...] += lax.dot_general(
            mask, out3, (((1,), (1,)), ((), ())),
            preferred_element_type=jnp.float32)
        cnt_acc[...] += lax.dot_general(
            mask, jnp.ones_like(out3), (((1,), (1,)), ((), ())),
            preferred_element_type=jnp.float32)

        @pl.when(i == nblk - 1)
        def _():
            p = pooled_acc[...] / jnp.maximum(cnt_acc[...], 1.0)
            m = jnp.max(p, axis=1, keepdims=True)
            z = p - m
            lse = jnp.log(jnp.sum(jnp.exp(z), axis=1, keepdims=True))
            out_ref[...] = z - lse

    return pl.pallas_call(
        body,
        grid=(nblk,),
        in_specs=[
            pl.BlockSpec((2, NUM_CLASSES, BN), lambda i: (0, 0, i)),
            pl.BlockSpec((2, 1, BN), lambda i: (0, 0, i)),
            pl.BlockSpec((NUM_CLASSES, BN), lambda i: (0, i)),
            pl.BlockSpec((1, BN), lambda i: (0, i)),
            pl.BlockSpec((1, BN), lambda i: (0, i)),
            pl.BlockSpec((2, 6, BN), lambda i: (0, 0, i)),
            pl.BlockSpec((NUM_CLASSES, 1), lambda i: (0, 0)),
            pl.BlockSpec((1, BN), lambda i: (0, i)),
        ],
        out_specs=pl.BlockSpec((NUM_GRAPHS, NUM_CLASSES), lambda i: (0, 0)),
        out_shape=jax.ShapeDtypeStruct((NUM_GRAPHS, NUM_CLASSES), jnp.float32),
        scratch_shapes=[
            pltpu.VMEM((NUM_GRAPHS, NUM_CLASSES), jnp.float32),
            pltpu.VMEM((NUM_GRAPHS, NUM_CLASSES), jnp.float32),
        ],
    )(num_part, den_part, h3T, sa3T, da3T, aux_part, b3_col, batch_p)


def kernel(x, edge_index, edge_attr, batch,
           W1, as1, ad1, We1, ae1, b1,
           W2, as2, ad2, We2, ae2, b2,
           W3, as3, ad3, We3, ae3, b3):
    src = edge_index[0]
    dst = edge_index[1]
    x_p = jnp.pad(x, ((0, NP - N), (0, 0)))
    batch_p = jnp.pad(batch, (0, NP - N),
                      constant_values=NUM_GRAPHS).reshape(1, NP).astype(jnp.int32)

    as1_2d, ad1_2d = as1.reshape(HEADS, HID), ad1.reshape(HEADS, HID)
    as2_2d, ad2_2d = as2.reshape(HEADS, HID), ad2.reshape(HEADS, HID)
    as3_2d, ad3_2d = as3.reshape(1, NUM_CLASSES), ad3.reshape(1, NUM_CLASSES)
    ae1f, ae2f = ae1.reshape(1, F), ae2.reshape(1, F)
    ae3f = ae3.reshape(1, NUM_CLASSES)
    b1c, b2c = b1.reshape(F, 1), b2.reshape(F, 1)
    b3c = b3.reshape(NUM_CLASSES, 1)

    ealphaT = _tc_edge_alpha(edge_attr, We1, ae1f, We2, ae2f, We3, ae3f)
    eal5 = ealphaT.reshape(5, 1, E)
    aux12 = _sc_aux()(dst, eal5)
    aux_part = aux12.reshape(2, 6, NP)

    h1T, sa1T, da1T = _tc_prep1(x_p, W1, as1_2d, ad1_2d)
    num1_4, den1_3 = _sc_layer()(h1T[:, :N].reshape(32, 1, 4 * N),
                                 sa1T[:, :N].reshape(HEADS, 1, N),
                                 da1T[:, :N].reshape(HEADS, 1, N),
                                 eal5[0:2], src, dst)
    num1T = jnp.pad(num1_4.reshape(F, N), ((0, 0), (0, NP - N)))
    den1 = jnp.pad(den1_3.reshape(HEADS, N), ((0, 0), (0, NP - N)))
    h2T, sa2T, da2T = _tc_epilogue(0, F, num1T, den1, h1T, sa1T, da1T,
                                   aux_part, b1c, W2, as2_2d, ad2_2d)
    num2_4, den2_3 = _sc_layer()(h2T[:, :N].reshape(32, 1, 4 * N),
                                 sa2T[:, :N].reshape(HEADS, 1, N),
                                 da2T[:, :N].reshape(HEADS, 1, N),
                                 eal5[2:4], src, dst)
    num2T = jnp.pad(num2_4.reshape(F, N), ((0, 0), (0, NP - N)))
    den2 = jnp.pad(den2_3.reshape(HEADS, N), ((0, 0), (0, NP - N)))
    h3T, sa3T, da3T = _tc_epilogue(2, NUM_CLASSES, num2T, den2, h2T, sa2T,
                                   da2T, aux_part, b2c, W3, as3_2d, ad3_2d)
    num3_20, den3p = _sc_layer3()(h3T.reshape(NUM_CLASSES, 1, NP),
                                  sa3T.reshape(1, 1, NP),
                                  da3T.reshape(1, 1, NP),
                                  eal5[4:5], src, dst)
    num3p = num3_20.reshape(2, NUM_CLASSES, NP)
    return _tc_final(num3p, den3p, h3T, sa3T, da3T, aux_part, b3c, batch_p)

# --- scband reference (transcript-rebuilt; emitter-appended) ---
"""Pipeline reference for scband-gatclassifier-53111565582469 (READ-ONLY COPY).

The authoritative reference and input builder live on the scoring server;
editing this copy changes nothing except your own understanding.
"""

import jax, jax.numpy as jnp
import numpy as np

N = 10000
E = 320000
D_IN = 128
HID = 64
HEADS = 2
NUM_CLASSES = 10
D_EDGE = 16
NUM_GRAPHS = 64


def _p(key, shape):
    return jax.random.normal(key, shape, dtype=jnp.float32) * 0.1


def setup_inputs(seed: int = 0) -> dict:
    key = jax.random.key(seed)
    ks = jax.random.split(key, 32)
    inp = {}
    inp["x"] = jax.random.normal(ks[0], (N, D_IN), dtype=jnp.float32)
    inp["edge_index"] = jax.random.randint(ks[1], (2, E), 0, N)
    inp["edge_attr"] = jax.random.normal(ks[2], (E, D_EDGE), dtype=jnp.float32)
    inp["batch"] = jnp.sort(jax.random.randint(ks[3], (N,), 0, NUM_GRAPHS))
    # layer 1: in=D_IN, out=HID, heads=HEADS, concat=True
    inp["W1"] = _p(ks[4], (D_IN, HEADS * HID))
    inp["as1"] = _p(ks[5], (1, HEADS, HID))
    inp["ad1"] = _p(ks[6], (1, HEADS, HID))
    inp["We1"] = _p(ks[7], (D_EDGE, HEADS * HID))
    inp["ae1"] = _p(ks[8], (1, HEADS, HID))
    inp["b1"] = jnp.zeros((HEADS * HID,), jnp.float32)
    # layer 2: in=HEADS*HID, out=HID, heads=HEADS, concat=True
    inp["W2"] = _p(ks[9], (HEADS * HID, HEADS * HID))
    inp["as2"] = _p(ks[10], (1, HEADS, HID))
    inp["ad2"] = _p(ks[11], (1, HEADS, HID))
    inp["We2"] = _p(ks[12], (D_EDGE, HEADS * HID))
    inp["ae2"] = _p(ks[13], (1, HEADS, HID))
    inp["b2"] = jnp.zeros((HEADS * HID,), jnp.float32)
    # layer 3: in=HEADS*HID, out=NUM_CLASSES, heads=1, concat=False
    inp["W3"] = _p(ks[14], (HEADS * HID, NUM_CLASSES))
    inp["as3"] = _p(ks[15], (1, 1, NUM_CLASSES))
    inp["ad3"] = _p(ks[16], (1, 1, NUM_CLASSES))
    inp["We3"] = _p(ks[17], (D_EDGE, NUM_CLASSES))
    inp["ae3"] = _p(ks[18], (1, 1, NUM_CLASSES))
    inp["b3"] = jnp.zeros((NUM_CLASSES,), jnp.float32)
    return inp


def gat_conv(x, src, dst, ea, W, a_s, a_d, We, a_e, b, heads, out_ch, concat):
    # PyG GATConv with edge_dim, add_self_loops=True, fill_value='mean', negative_slope=0.2
    n = x.shape[0]
    deg = jnp.zeros((n,), x.dtype).at[dst].add(1.0)
    loop_attr = jnp.zeros((n, ea.shape[1]), ea.dtype).at[dst].add(ea) / jnp.clip(deg, 1.0)[:, None]
    s = jnp.concatenate([src, jnp.arange(n, dtype=src.dtype)])
    d = jnp.concatenate([dst, jnp.arange(n, dtype=dst.dtype)])
    eaf = jnp.concatenate([ea, loop_attr], axis=0)
    h = (x @ W).reshape(n, heads, out_ch)
    he = (eaf @ We).reshape(-1, heads, out_ch)
    alpha = (h * a_s).sum(-1)[s] + (h * a_d).sum(-1)[d] + (he * a_e).sum(-1)
    alpha = jax.nn.leaky_relu(alpha, 0.2)
    amax = jax.ops.segment_max(alpha, d, num_segments=n)
    ex = jnp.exp(alpha - amax[d])
    denom = jax.ops.segment_sum(ex, d, num_segments=n)
    coef = ex / (denom[d] + 1e-16)
    out = jax.ops.segment_sum(h[s] * coef[..., None], d, num_segments=n)
    if concat:
        out = out.reshape(n, heads * out_ch)
    else:
        out = out.mean(axis=1)
    return out + b


def reference(x, edge_index, edge_attr, batch,
              W1, as1, ad1, We1, ae1, b1,
              W2, as2, ad2, We2, ae2, b2,
              W3, as3, ad3, We3, ae3, b3):
    src, dst = edge_index[0], edge_index[1]
    h = jax.nn.relu(gat_conv(x, src, dst, edge_attr, W1, as1, ad1, We1, ae1, b1, HEADS, HID, True))
    # dropout is identity in eval mode
    h = jax.nn.relu(gat_conv(h, src, dst, edge_attr, W2, as2, ad2, We2, ae2, b2, HEADS, HID, True))
    h = gat_conv(h, src, dst, edge_attr, W3, as3, ad3, We3, ae3, b3, 1, NUM_CLASSES, False)
    pooled = jax.ops.segment_sum(h, batch, num_segments=NUM_GRAPHS)
    cnt = jax.ops.segment_sum(jnp.ones((h.shape[0],), h.dtype), batch, num_segments=NUM_GRAPHS)
    pooled = pooled / jnp.clip(cnt, 1.0)[:, None]
    return jax.nn.log_softmax(pooled, axis=1)

if __name__ == "__main__":
    import jax
    _d = setup_inputs()
    print(jax.jit(kernel)(*tuple(_d.values())))

</pallas_src>

<mosaic_0001>
#map = affine_map<(d0, d1) -> (0)>
#map1 = affine_map<(d0, d1) -> (0, 0, 0)>
module attributes {stable_mosaic.version = 14 : i64} {
  func.func @_sc_aux_body(%arg0: i32, %arg1: i32, %arg2: memref<320000xi32, #tpu.memory_space<hbm>>, %arg3: memref<5x1x320000xf32, #tpu.memory_space<hbm>>, %arg4: memref<12x1x10240xf32, #tpu.memory_space<hbm>>, %arg5: memref<10240xf32, #tpu.memory_space<vmem>>, %arg6: memref<3200xi32, #tpu.memory_space<vmem>>, %arg7: memref<3200xf32, #tpu.memory_space<vmem>>) attributes {dimension_semantics = [#tpu.dimension_semantics<core_parallel>, #tpu.dimension_semantics<subcore_parallel>], iteration_bounds = array<i64: 2, 16>, scalar_prefetch = 0 : i64, scratch_operands = 3 : i64, tpu.core_type = #tpu.core_type<sc_vector_subcore>, window_params = [{transform_indices = #map}, {transform_indices = #map1}, {transform_indices = #map1}]} {
    %lt3A = arith.constant 6 : i32
    %lt3A_0 = arith.cmpi slt, %arg1, %lt3A : i32
    %convert_element_type3A = arith.extui %lt3A_0 : i1 to i32
    %cond3A = arith.constant 0 : i32
    %cond3A_1 = arith.cmpi ne, %convert_element_type3A, %cond3A : i32
    scf.if %cond3A_1 {
      %scan3A = arith.constant 0 : i32
      %scan3A_2 = arith.constant 0 : i32
      %scan3A_3 = arith.constant 640 : i32
      %scan3A_4 = arith.addi %scan3A_2, %scan3A_3 : i32
      %scan3A_5 = arith.constant 1 : i32
      %scan3A_6 = scf.for %scan3A_18 = %scan3A_2 to %scan3A_4 step %scan3A_5 iter_args(%scan3A_19 = %scan3A) -> (i32)  : i32 {
        %broadcast_in_dim3A = arith.constant 0.000000e+00 : f32
        %broadcast_in_dim3A_20 = vector.broadcast %broadcast_in_dim3A : f32 to vector<16xf32>
        %mul3A_21 = arith.constant 16 : i32
        %mul3A_22 = arith.muli %scan3A_18, %mul3A_21 : i32
        %swap3A = arith.index_cast %mul3A_22 : i32 to index
        %swap3A_23 = tpu.vector_load %arg5[%swap3A] {strides = array<i32>} : memref<10240xf32, #tpu.memory_space<vmem>>, vector<16xf32>,
        tpu.vector_store %arg5[%swap3A], %broadcast_in_dim3A_20 {strides = array<i32>} : memref<10240xf32, #tpu.memory_space<vmem>>, vector<16xf32>,
        %scan3A_24 = arith.constant 0 : i32
        scf.yield %scan3A_24 : i32
      }
      %scan3A_7 = arith.constant 640 : i32
      %mul3A = arith.constant 160000 : i32
      %mul3A_8 = arith.muli %arg0, %mul3A : i32
      %scan3A_9 = arith.constant 0 : i32
      %scan3A_10 = arith.constant 0 : i32
      %scan3A_11 = arith.constant 50 : i32
      %scan3A_12 = arith.addi %scan3A_10, %scan3A_11 : i32
      %scan3A_13 = arith.constant 1 : i32
      %scan3A_14 = scf.for %scan3A_18 = %scan3A_10 to %scan3A_12 step %scan3A_13 iter_args(%scan3A_19 = %scan3A_9) -> (i32)  : i32 {
        %mul3A_20 = arith.constant 3200 : i32
        %mul3A_21 = arith.muli %scan3A_18, %mul3A_20 : i32
        %add3A_22 = arith.addi %mul3A_8, %mul3A_21 : i32
        "tpu.region"() ({
          %run_scoped3A_35 = tpu.sem_alloc : memref<!tpu.dma_semaphore, #tpu.memory_space<semaphore_mem>>
          %dma_start3A = tpu.memref_slice %arg2[%add3A_22] : memref<320000xi32, #tpu.memory_space<hbm>> -> memref<3200xi32, #tpu.memory_space<hbm>>
          %dma_start3A_36 = tpu.memref_slice %arg2[%add3A_22] : memref<320000xi32, #tpu.memory_space<hbm>> -> memref<3200xi32, #tpu.memory_space<hbm>>
          tpu.enqueue_dma source(%dma_start3A_36 : memref<3200xi32, #tpu.memory_space<hbm>>) target(%arg6 : memref<3200xi32, #tpu.memory_space<vmem>>) target_semaphore(%run_scoped3A_35 : memref<!tpu.dma_semaphore, #tpu.memory_space<semaphore_mem>>)
          %dma_wait3A = tpu.memref_slice %arg2[%add3A_22] : memref<320000xi32, #tpu.memory_space<hbm>> -> memref<3200xi32, #tpu.memory_space<hbm>>
          %dma_wait3A_37 = tpu.memref_slice %arg2[%add3A_22] : memref<320000xi32, #tpu.memory_space<hbm>> -> memref<3200xi32, #tpu.memory_space<hbm>>
          tpu.wait_dma2 semaphore(%run_scoped3A_35 : memref<!tpu.dma_semaphore, #tpu.memory_space<semaphore_mem>>) src(%dma_wait3A_37 : memref<3200xi32, #tpu.memory_space<hbm>>) dst(%arg6 : memref<3200xi32, #tpu.memory_space<vmem>>)
          tpu.yield
        }) : () -> ()
        %gt3A = arith.constant 0 : i32
        %gt3A_23 = arith.cmpi sgt, %arg1, %gt3A : i32
        %convert_element_type3A_24 = arith.extui %gt3A_23 : i1 to i32
        %cond3A_25 = arith.constant 0 : i32
        %cond3A_26 = arith.cmpi ne, %convert_element_type3A_24, %cond3A_25 : i32
        scf.if %cond3A_26 {
          %sub3A = arith.constant 1 : i32
          %sub3A_35 = arith.subi %arg1, %sub3A : i32
          %run_scoped3A_36 = arith.constant 0 : i32
          "tpu.region"() ({
            %run_scoped3A_37 = tpu.sem_alloc : memref<!tpu.dma_semaphore, #tpu.memory_space<semaphore_mem>>
            %dma_start3A = tpu.memref_slice %arg3[%sub3A_35, %run_scoped3A_36, %add3A_22] : memref<5x1x320000xf32, #tpu.memory_space<hbm>> -> memref<1x1x3200xf32, #tpu.memory_space<hbm>>
            %dma_start3A_38 = tpu.memref_squeeze %dma_start3A : memref<1x1x3200xf32, #tpu.memory_space<hbm>> -> memref<3200xf32, #tpu.memory_space<hbm>>
            %dma_start3A_39 = tpu.memref_slice %arg3[%sub3A_35, %run_scoped3A_36, %add3A_22] : memref<5x1x320000xf32, #tpu.memory_space<hbm>> -> memref<1x1x3200xf32, #tpu.memory_space<hbm>>
            %dma_start3A_40 = tpu.memref_squeeze %dma_start3A_39 : memref<1x1x3200xf32, #tpu.memory_space<hbm>> -> memref<3200xf32, #tpu.memory_space<hbm>>
            tpu.enqueue_dma source(%dma_start3A_40 : memref<3200xf32, #tpu.memory_space<hbm>>) target(%arg7 : memref<3200xf32, #tpu.memory_space<vmem>>) target_semaphore(%run_scoped3A_37 : memref<!tpu.dma_semaphore, #tpu.memory_space<semaphore_mem>>)
            %dma_wait3A = tpu.memref_slice %arg3[%sub3A_35, %run_scoped3A_36, %add3A_22] : memref<5x1x320000xf32, #tpu.memory_space<hbm>> -> memref<1x1x3200xf32, #tpu.memory_space<hbm>>
            %dma_wait3A_41 = tpu.memref_squeeze %dma_wait3A : memref<1x1x3200xf32, #tpu.memory_space<hbm>> -> memref<3200xf32, #tpu.memory_space<hbm>>
            %dma_wait3A_42 = tpu.memref_slice %arg3[%sub3A_35, %run_scoped3A_36, %add3A_22] : memref<5x1x320000xf32, #tpu.memory_space<hbm>> -> memref<1x1x3200xf32, #tpu.memory_space<hbm>>
            %dma_wait3A_43 = tpu.memref_squeeze %dma_wait3A_42 : memref<1x1x3200xf32, #tpu.memory_space<hbm>> -> memref<3200xf32, #tpu.memory_space<hbm>>
            tpu.wait_dma2 semaphore(%run_scoped3A_37 : memref<!tpu.dma_semaphore, #tpu.memory_space<semaphore_mem>>) src(%dma_wait3A_43 : memref<3200xf32, #tpu.memory_space<hbm>>) dst(%arg7 : memref<3200xf32, #tpu.memory_space<vmem>>)
            tpu.yield
          }) : () -> ()
        } else {
        }
        %scan3A_27 = arith.constant 0 : i32
        %scan3A_28 = arith.constant 0 : i32
        %scan3A_29 = arith.constant 200 : i32
        %scan3A_30 = arith.addi %scan3A_28, %scan3A_29 : i32
        %scan3A_31 = arith.constant 1 : i32
        %scan3A_32 = scf.for %scan3A_35 = %scan3A_28 to %scan3A_30 step %scan3A_31 iter_args(%scan3A_36 = %scan3A_27) -> (i32)  : i32 {
          %mul3A_37 = arith.constant 16 : i32
          %mul3A_38 = arith.muli %scan3A_35, %mul3A_37 : i32
          %get3A = arith.index_cast %mul3A_38 : i32 to index
          %get3A_39 = tpu.vector_load %arg6[%get3A] {strides = array<i32>} : memref<3200xi32, #tpu.memory_space<vmem>>, vector<16xi32>,
          %eq3A = arith.constant 0 : i32
          %eq3A_40 = arith.cmpi eq, %arg1, %eq3A : i32
          %convert_element_type3A_41 = arith.extui %eq3A_40 : i1 to i32
          %cond3A_42 = arith.constant 0 : i32
          %cond3A_43 = arith.cmpi ne, %convert_element_type3A_41, %cond3A_42 : i32
          scf.if %cond3A_43 {
            %broadcast_in_dim3A = arith.constant 1.000000e+00 : f32
            %broadcast_in_dim3A_50 = vector.broadcast %broadcast_in_dim3A : f32 to vector<16xf32>
            tpu.vector_store_idx %arg5[%get3A_39], %broadcast_in_dim3A_50 {add = true} : memref<10240xf32, #tpu.memory_space<vmem>>[vector<16xi32>], vector<16xf32>,
          } else {
          }
          %gt3A_44 = arith.constant 0 : i32
          %gt3A_45 = arith.cmpi sgt, %arg1, %gt3A_44 : i32
          %convert_element_type3A_46 = arith.extui %gt3A_45 : i1 to i32
          %cond3A_47 = arith.constant 0 : i32
          %cond3A_48 = arith.cmpi ne, %convert_element_type3A_46, %cond3A_47 : i32
          scf.if %cond3A_48 {
            %get3A_50 = arith.index_cast %mul3A_38 : i32 to index
            %get3A_51 = tpu.vector_load %arg7[%get3A_50] {strides = array<i32>} : memref<3200xf32, #tpu.memory_space<vmem>>, vector<16xf32>,
            tpu.vector_store_idx %arg5[%get3A_39], %get3A_51 {add = true} : memref<10240xf32, #tpu.memory_space<vmem>>[vector<16xi32>], vector<16xf32>,
          } else {
          }
          %scan3A_49 = arith.constant 0 : i32
          scf.yield %scan3A_49 : i32
        }
        %scan3A_33 = arith.constant 200 : i32
        %scan3A_34 = arith.constant 0 : i32
        scf.yield %scan3A_34 : i32
      }
      %scan3A_15 = arith.constant 50 : i32
      %mul3A_16 = arith.constant 6 : i32
      %mul3A_17 = arith.muli %arg0, %mul3A_16 : i32
      %add3A = arith.addi %mul3A_17, %arg1 : i32
      %run_scoped3A = arith.constant 0 : i32
      "tpu.region"() ({
        %run_scoped3A_18 = tpu.sem_alloc : memref<!tpu.dma_semaphore, #tpu.memory_space<semaphore_mem>>
        %dma_start3A = arith.constant 0 : i32
        %dma_start3A_19 = tpu.memref_slice %arg4[%add3A, %run_scoped3A, %dma_start3A] : memref<12x1x10240xf32, #tpu.memory_space<hbm>> -> memref<1x1x10240xf32, #tpu.memory_space<hbm>>
        %dma_start3A_20 = tpu.memref_squeeze %dma_start3A_19 : memref<1x1x10240xf32, #tpu.memory_space<hbm>> -> memref<10240xf32, #tpu.memory_space<hbm>>
        %dma_start3A_21 = arith.constant 0 : i32
        %dma_start3A_22 = tpu.memref_slice %arg4[%add3A, %run_scoped3A, %dma_start3A_21] : memref<12x1x10240xf32, #tpu.memory_space<hbm>> -> memref<1x1x10240xf32, #tpu.memory_space<hbm>>
        %dma_start3A_23 = tpu.memref_squeeze %dma_start3A_22 : memref<1x1x10240xf32, #tpu.memory_space<hbm>> -> memref<10240xf32, #tpu.memory_space<hbm>>
        tpu.enqueue_dma source(%arg5 : memref<10240xf32, #tpu.memory_space<vmem>>) target(%dma_start3A_23 : memref<10240xf32, #tpu.memory_space<hbm>>) target_semaphore(%run_scoped3A_18 : memref<!tpu.dma_semaphore, #tpu.memory_space<semaphore_mem>>)
        %dma_wait3A = arith.constant 0 : i32
        %dma_wait3A_24 = tpu.memref_slice %arg4[%add3A, %run_scoped3A, %dma_wait3A] : memref<12x1x10240xf32, #tpu.memory_space<hbm>> -> memref<1x1x10240xf32, #tpu.memory_space<hbm>>
        %dma_wait3A_25 = tpu.memref_squeeze %dma_wait3A_24 : memref<1x1x10240xf32, #tpu.memory_space<hbm>> -> memref<10240xf32, #tpu.memory_space<hbm>>
        %dma_wait3A_26 = arith.constant 0 : i32
        %dma_wait3A_27 = tpu.memref_slice %arg4[%add3A, %run_scoped3A, %dma_wait3A_26] : memref<12x1x10240xf32, #tpu.memory_space<hbm>> -> memref<1x1x10240xf32, #tpu.memory_space<hbm>>
        %dma_wait3A_28 = tpu.memref_squeeze %dma_wait3A_27 : memref<1x1x10240xf32, #tpu.memory_space<hbm>> -> memref<10240xf32, #tpu.memory_space<hbm>>
        tpu.wait_dma2 semaphore(%run_scoped3A_18 : memref<!tpu.dma_semaphore, #tpu.memory_space<semaphore_mem>>) src(%arg5 : memref<10240xf32, #tpu.memory_space<vmem>>) dst(%dma_wait3A_28 : memref<10240xf32, #tpu.memory_space<hbm>>)
        tpu.yield
      }) : () -> ()
    } else {
    }
    return
  }
}

#map = affine_map<(d0, d1) -> (0, 0, 0)>
#map1 = affine_map<(d0, d1) -> (0)>
module attributes {stable_mosaic.version = 14 : i64} {
  func.func @_sc_layer_body(%arg0: i32, %arg1: i32, %arg2: memref<32x1x40000xf32, #tpu.memory_space<hbm>>, %arg3: memref<2x1x10000xf32, #tpu.memory_space<hbm>>, %arg4: memref<2x1x10000xf32, #tpu.memory_space<hbm>>, %arg5: memref<2x1x320000xf32, #tpu.memory_space<hbm>>, %arg6: memref<320000xi32, #tpu.memory_space<hbm>>, %arg7: memref<320000xi32, #tpu.memory_space<hbm>>, %arg8: memref<32x1x40000xf32, #tpu.memory_space<hbm>>, %arg9: memref<2x1x10000xf32, #tpu.memory_space<hbm>>, %arg10: memref<40000xf32, #tpu.memory_space<vmem>>, %arg11: memref<40000xf32, #tpu.memory_space<vmem>>, %arg12: memref<10000xf32, #tpu.memory_space<vmem>>, %arg13: memref<10000xf32, #tpu.memory_space<vmem>>, %arg14: memref<10000xf32, #tpu.memory_space<vmem>>, %arg15: memref<3200xi32, #tpu.memory_space<vmem>>, %arg16: memref<3200xi32, #tpu.memory_space<vmem>>, %arg17: memref<3200xf32, #tpu.memory_space<vmem>>, %arg18: memref<3200xi32, #tpu.memory_space<vmem>>, %arg19: memref<3200xi32, #tpu.memory_space<vmem>>, %arg20: memref<3200xf32, #tpu.memory_space<vmem>>, %arg21: memref<!tpu.dma_semaphore, #tpu.memory_space<semaphore_mem>>, %arg22: memref<!tpu.dma_semaphore, #tpu.memory_space<semaphore_mem>>) attributes {dimension_semantics = [#tpu.dimension_semantics<core_parallel>, #tpu.dimension_semantics<subcore_parallel>], iteration_bounds = array<i64: 2, 16>, scalar_prefetch = 0 : i64, scratch_operands = 13 : i64, tpu.core_type = #tpu.core_type<sc_vector_subcore>, window_params = [{transform_indices = #map}, {transform_indices = #map}, {transform_indices = #map}, {transform_indices = #map}, {transform_indices = #map1}, {transform_indices = #map1}, {transform_indices = #map}, {transform_indices = #map}]} {
    %mul3A = arith.constant 16 : i32
    %mul3A_0 = arith.muli %arg0, %mul3A : i32
    %add3A = arith.addi %mul3A_0, %arg1 : i32
    %run_scoped3A = arith.constant 0 : i32
    "tpu.region"() ({
      %run_scoped3A_40 = tpu.sem_alloc : memref<!tpu.dma_semaphore, #tpu.memory_space<semaphore_mem>>
      %dma_start3A_41 = arith.constant 0 : i32
      %dma_start3A_42 = tpu.memref_slice %arg2[%add3A, %run_scoped3A, %dma_start3A_41] : memref<32x1x40000xf32, #tpu.memory_space<hbm>> -> memref<1x1x40000xf32, #tpu.memory_space<hbm>>
      %dma_start3A_43 = tpu.memref_squeeze %dma_start3A_42 : memref<1x1x40000xf32, #tpu.memory_space<hbm>> -> memref<40000xf32, #tpu.memory_space<hbm>>
      %dma_start3A_44 = arith.constant 0 : i32
      %dma_start3A_45 = tpu.memref_slice %arg2[%add3A, %run_scoped3A, %dma_start3A_44] : memref<32x1x40000xf32, #tpu.memory_space<hbm>> -> memref<1x1x40000xf32, #tpu.memory_space<hbm>>
      %dma_start3A_46 = tpu.memref_squeeze %dma_start3A_45 : memref<1x1x40000xf32, #tpu.memory_space<hbm>> -> memref<40000xf32, #tpu.memory_space<hbm>>
      tpu.enqueue_dma source(%dma_start3A_46 : memref<40000xf32, #tpu.memory_space<hbm>>) target(%arg10 : memref<40000xf32, #tpu.memory_space<vmem>>) target_semaphore(%run_scoped3A_40 : memref<!tpu.dma_semaphore, #tpu.memory_space<semaphore_mem>>)
      %dma_wait3A = arith.constant 0 : i32
      %dma_wait3A_47 = tpu.memref_slice %arg2[%add3A, %run_scoped3A, %dma_wait3A] : memref<32x1x40000xf32, #tpu.memory_space<hbm>> -> memref<1x1x40000xf32, #tpu.memory_space<hbm>>
      %dma_wait3A_48 = tpu.memref_squeeze %dma_wait3A_47 : memref<1x1x40000xf32, #tpu.memory_space<hbm>> -> memref<40000xf32, #tpu.memory_space<hbm>>
      %dma_wait3A_49 = arith.constant 0 : i32
      %dma_wait3A_50 = tpu.memref_slice %arg2[%add3A, %run_scoped3A, %dma_wait3A_49] : memref<32x1x40000xf32, #tpu.memory_space<hbm>> -> memref<1x1x40000xf32, #tpu.memory_space<hbm>>
      %dma_wait3A_51 = tpu.memref_squeeze %dma_wait3A_50 : memref<1x1x40000xf32, #tpu.memory_space<hbm>> -> memref<40000xf32, #tpu.memory_space<hbm>>
      tpu.wait_dma2 semaphore(%run_scoped3A_40 : memref<!tpu.dma_semaphore, #tpu.memory_space<semaphore_mem>>) src(%dma_wait3A_51 : memref<40000xf32, #tpu.memory_space<hbm>>) dst(%arg10 : memref<40000xf32, #tpu.memory_space<vmem>>)
      tpu.yield
    }) : () -> ()
    %run_scoped3A_1 = arith.constant 0 : i32
    "tpu.region"() ({
      %run_scoped3A_40 = tpu.sem_alloc : memref<!tpu.dma_semaphore, #tpu.memory_space<semaphore_mem>>
      %dma_start3A_41 = arith.constant 0 : i32
      %dma_start3A_42 = tpu.memref_slice %arg3[%arg0, %run_scoped3A_1, %dma_start3A_41] : memref<2x1x10000xf32, #tpu.memory_space<hbm>> -> memref<1x1x10000xf32, #tpu.memory_space<hbm>>
      %dma_start3A_43 = tpu.memref_squeeze %dma_start3A_42 : memref<1x1x10000xf32, #tpu.memory_space<hbm>> -> memref<10000xf32, #tpu.memory_space<hbm>>
      %dma_start3A_44 = arith.constant 0 : i32
      %dma_start3A_45 = tpu.memref_slice %arg3[%arg0, %run_scoped3A_1, %dma_start3A_44] : memref<2x1x10000xf32, #tpu.memory_space<hbm>> -> memref<1x1x10000xf32, #tpu.memory_space<hbm>>
      %dma_start3A_46 = tpu.memref_squeeze %dma_start3A_45 : memref<1x1x10000xf32, #tpu.memory_space<hbm>> -> memref<10000xf32, #tpu.memory_space<hbm>>
      tpu.enqueue_dma source(%dma_start3A_46 : memref<10000xf32, #tpu.memory_space<hbm>>) target(%arg12 : memref<10000xf32, #tpu.memory_space<vmem>>) target_semaphore(%run_scoped3A_40 : memref<!tpu.dma_semaphore, #tpu.memory_space<semaphore_mem>>)
      %dma_wait3A = arith.constant 0 : i32
      %dma_wait3A_47 = tpu.memref_slice %arg3[%arg0, %run_scoped3A_1, %dma_wait3A] : memref<2x1x10000xf32, #tpu.memory_space<hbm>> -> memref<1x1x10000xf32, #tpu.memory_space<hbm>>
      %dma_wait3A_48 = tpu.memref_squeeze %dma_wait3A_47 : memref<1x1x10000xf32, #tpu.memory_space<hbm>> -> memref<10000xf32, #tpu.memory_space<hbm>>
      %dma_wait3A_49 = arith.constant 0 : i32
      %dma_wait3A_50 = tpu.memref_slice %arg3[%arg0, %run_scoped3A_1, %dma_wait3A_49] : memref<2x1x10000xf32, #tpu.memory_space<hbm>> -> memref<1x1x10000xf32, #tpu.memory_space<hbm>>
      %dma_wait3A_51 = tpu.memref_squeeze %dma_wait3A_50 : memref<1x1x10000xf32, #tpu.memory_space<hbm>> -> memref<10000xf32, #tpu.memory_space<hbm>>
      tpu.wait_dma2 semaphore(%run_scoped3A_40 : memref<!tpu.dma_semaphore, #tpu.memory_space<semaphore_mem>>) src(%dma_wait3A_51 : memref<10000xf32, #tpu.memory_space<hbm>>) dst(%arg12 : memref<10000xf32, #tpu.memory_space<vmem>>)
      tpu.yield
    }) : () -> ()
    %run_scoped3A_2 = arith.constant 0 : i32
    "tpu.region"() ({
      %run_scoped3A_40 = tpu.sem_alloc : memref<!tpu.dma_semaphore, #tpu.memory_space<semaphore_mem>>
      %dma_start3A_41 = arith.constant 0 : i32
      %dma_start3A_42 = tpu.memref_slice %arg4[%arg0, %run_scoped3A_2, %dma_start3A_41] : memref<2x1x10000xf32, #tpu.memory_space<hbm>> -> memref<1x1x10000xf32, #tpu.memory_space<hbm>>
      %dma_start3A_43 = tpu.memref_squeeze %dma_start3A_42 : memref<1x1x10000xf32, #tpu.memory_space<hbm>> -> memref<10000xf32, #tpu.memory_space<hbm>>
      %dma_start3A_44 = arith.constant 0 : i32
      %dma_start3A_45 = tpu.memref_slice %arg4[%arg0, %run_scoped3A_2, %dma_start3A_44] : memref<2x1x10000xf32, #tpu.memory_space<hbm>> -> memref<1x1x10000xf32, #tpu.memory_space<hbm>>
      %dma_start3A_46 = tpu.memref_squeeze %dma_start3A_45 : memref<1x1x10000xf32, #tpu.memory_space<hbm>> -> memref<10000xf32, #tpu.memory_space<hbm>>
      tpu.enqueue_dma source(%dma_start3A_46 : memref<10000xf32, #tpu.memory_space<hbm>>) target(%arg13 : memref<10000xf32, #tpu.memory_space<vmem>>) target_semaphore(%run_scoped3A_40 : memref<!tpu.dma_semaphore, #tpu.memory_space<semaphore_mem>>)
      %dma_wait3A = arith.constant 0 : i32
      %dma_wait3A_47 = tpu.memref_slice %arg4[%arg0, %run_scoped3A_2, %dma_wait3A] : memref<2x1x10000xf32, #tpu.memory_space<hbm>> -> memref<1x1x10000xf32, #tpu.memory_space<hbm>>
      %dma_wait3A_48 = tpu.memref_squeeze %dma_wait3A_47 : memref<1x1x10000xf32, #tpu.memory_space<hbm>> -> memref<10000xf32, #tpu.memory_space<hbm>>
      %dma_wait3A_49 = arith.constant 0 : i32
      %dma_wait3A_50 = tpu.memref_slice %arg4[%arg0, %run_scoped3A_2, %dma_wait3A_49] : memref<2x1x10000xf32, #tpu.memory_space<hbm>> -> memref<1x1x10000xf32, #tpu.memory_space<hbm>>
      %dma_wait3A_51 = tpu.memref_squeeze %dma_wait3A_50 : memref<1x1x10000xf32, #tpu.memory_space<hbm>> -> memref<10000xf32, #tpu.memory_space<hbm>>
      tpu.wait_dma2 semaphore(%run_scoped3A_40 : memref<!tpu.dma_semaphore, #tpu.memory_space<semaphore_mem>>) src(%dma_wait3A_51 : memref<10000xf32, #tpu.memory_space<hbm>>) dst(%arg13 : memref<10000xf32, #tpu.memory_space<vmem>>)
      tpu.yield
    }) : () -> ()
    %scan3A = arith.constant 0 : i32
    %scan3A_3 = arith.constant 0 : i32
    %scan3A_4 = arith.constant 2500 : i32
    %scan3A_5 = arith.addi %scan3A_3, %scan3A_4 : i32
    %scan3A_6 = arith.constant 1 : i32
    %scan3A_7 = scf.for %scan3A_40 = %scan3A_3 to %scan3A_5 step %scan3A_6 iter_args(%scan3A_41 = %scan3A) -> (i32)  : i32 {
      %broadcast_in_dim3A = arith.constant 0.000000e+00 : f32
      %broadcast_in_dim3A_42 = vector.broadcast %broadcast_in_dim3A : f32 to vector<16xf32>
      %mul3A_43 = arith.constant 16 : i32
      %mul3A_44 = arith.muli %scan3A_40, %mul3A_43 : i32
      %swap3A = arith.index_cast %mul3A_44 : i32 to index
      %swap3A_45 = tpu.vector_load %arg11[%swap3A] {strides = array<i32>} : memref<40000xf32, #tpu.memory_space<vmem>>, vector<16xf32>,
      tpu.vector_store %arg11[%swap3A], %broadcast_in_dim3A_42 {strides = array<i32>} : memref<40000xf32, #tpu.memory_space<vmem>>, vector<16xf32>,
      %scan3A_46 = arith.constant 0 : i32
      scf.yield %scan3A_46 : i32
    }
    %scan3A_8 = arith.constant 2500 : i32
    %scan3A_9 = arith.constant 0 : i32
    %scan3A_10 = arith.constant 0 : i32
    %scan3A_11 = arith.constant 625 : i32
    %scan3A_12 = arith.addi %scan3A_10, %scan3A_11 : i32
    %scan3A_13 = arith.constant 1 : i32
    %scan3A_14 = scf.for %scan3A_40 = %scan3A_10 to %scan3A_12 step %scan3A_13 iter_args(%scan3A_41 = %scan3A_9) -> (i32)  : i32 {
      %broadcast_in_dim3A = arith.constant 0.000000e+00 : f32
      %broadcast_in_dim3A_42 = vector.broadcast %broadcast_in_dim3A : f32 to vector<16xf32>
      %mul3A_43 = arith.constant 16 : i32
      %mul3A_44 = arith.muli %scan3A_40, %mul3A_43 : i32
      %swap3A = arith.index_cast %mul3A_44 : i32 to index
      %swap3A_45 = tpu.vector_load %arg14[%swap3A] {strides = array<i32>} : memref<10000xf32, #tpu.memory_space<vmem>>, vector<16xf32>,
      tpu.vector_store %arg14[%swap3A], %broadcast_in_dim3A_42 {strides = array<i32>} : memref<10000xf32, #tpu.memory_space<vmem>>, vector<16xf32>,
      %scan3A_46 = arith.constant 0 : i32
      scf.yield %scan3A_46 : i32
    }
    %scan3A_15 = arith.constant 625 : i32
    %dma_start3A = arith.constant 0 : i32
    %dma_start3A_16 = tpu.memref_slice %arg6[%dma_start3A] : memref<320000xi32, #tpu.memory_space<hbm>> -> memref<3200xi32, #tpu.memory_space<hbm>>
    %dma_start3A_17 = arith.constant 0 : i32
    %dma_start3A_18 = tpu.memref_slice %arg6[%dma_start3A_17] : memref<320000xi32, #tpu.memory_space<hbm>> -> memref<3200xi32, #tpu.memory_space<hbm>>
    tpu.enqueue_dma source(%dma_start3A_18 : memref<3200xi32, #tpu.memory_space<hbm>>) target(%arg15 : memref<3200xi32, #tpu.memory_space<vmem>>) target_semaphore(%arg21 : memref<!tpu.dma_semaphore, #tpu.memory_space<semaphore_mem>>)
    %dma_start3A_19 = arith.constant 0 : i32
    %dma_start3A_20 = tpu.memref_slice %arg7[%dma_start3A_19] : memref<320000xi32, #tpu.memory_space<hbm>> -> memref<3200xi32, #tpu.memory_space<hbm>>
    %dma_start3A_21 = arith.constant 0 : i32
    %dma_start3A_22 = tpu.memref_slice %arg7[%dma_start3A_21] : memref<320000xi32, #tpu.memory_space<hbm>> -> memref<3200xi32, #tpu.memory_space<hbm>>
    tpu.enqueue_dma source(%dma_start3A_22 : memref<3200xi32, #tpu.memory_space<hbm>>) target(%arg16 : memref<3200xi32, #tpu.memory_space<vmem>>) target_semaphore(%arg21 : memref<!tpu.dma_semaphore, #tpu.memory_space<semaphore_mem>>)
    %dma_start3A_23 = arith.constant 0 : i32
    %dma_start3A_24 = arith.constant 0 : i32
    %dma_start3A_25 = tpu.memref_slice %arg5[%arg0, %dma_start3A_23, %dma_start3A_24] : memref<2x1x320000xf32, #tpu.memory_space<hbm>> -> memref<1x1x3200xf32, #tpu.memory_space<hbm>>
    %dma_start3A_26 = tpu.memref_squeeze %dma_start3A_25 : memref<1x1x3200xf32, #tpu.memory_space<hbm>> -> memref<3200xf32, #tpu.memory_space<hbm>>
    %dma_start3A_27 = arith.constant 0 : i32
    %dma_start3A_28 = tpu.memref_slice %arg5[%arg0, %dma_start3A_23, %dma_start3A_27] : memref<2x1x320000xf32, #tpu.memory_space<hbm>> -> memref<1x1x3200xf32, #tpu.memory_space<hbm>>
    %dma_start3A_29 = tpu.memref_squeeze %dma_start3A_28 : memref<1x1x3200xf32, #tpu.memory_space<hbm>> -> memref<3200xf32, #tpu.memory_space<hbm>>
    tpu.enqueue_dma source(%dma_start3A_29 : memref<3200xf32, #tpu.memory_space<hbm>>) target(%arg17 : memref<3200xf32, #tpu.memory_space<vmem>>) target_semaphore(%arg21 : memref<!tpu.dma_semaphore, #tpu.memory_space<semaphore_mem>>)
    %scan3A_30 = arith.constant 0 : i32
    %scan3A_31 = arith.constant 0 : i32
    %scan3A_32 = arith.constant 50 : i32
    %scan3A_33 = arith.addi %scan3A_31, %scan3A_32 : i32
    %scan3A_34 = arith.constant 1 : i32
    %scan3A_35 = scf.for %scan3A_40 = %scan3A_31 to %scan3A_33 step %scan3A_34 iter_args(%scan3A_41 = %scan3A_30) -> (i32)  : i32 {
      %mul3A_42 = arith.constant 2 : i32
      %mul3A_43 = arith.muli %mul3A_42, %scan3A_40 : i32
      %add3A_44 = arith.constant 1 : i32
      %add3A_45 = arith.addi %mul3A_43, %add3A_44 : i32
      %mul3A_46 = arith.constant 3200 : i32
      %mul3A_47 = arith.muli %add3A_45, %mul3A_46 : i32
      %dma_start3A_48 = tpu.memref_slice %arg6[%mul3A_47] : memref<320000xi32, #tpu.memory_space<hbm>> -> memref<3200xi32, #tpu.memory_space<hbm>>
      %dma_start3A_49 = tpu.memref_slice %arg6[%mul3A_47] : memref<320000xi32, #tpu.memory_space<hbm>> -> memref<3200xi32, #tpu.memory_space<hbm>>
      tpu.enqueue_dma source(%dma_start3A_49 : memref<3200xi32, #tpu.memory_space<hbm>>) target(%arg18 : memref<3200xi32, #tpu.memory_space<vmem>>) target_semaphore(%arg22 : memref<!tpu.dma_semaphore, #tpu.memory_space<semaphore_mem>>)
      %dma_start3A_50 = tpu.memref_slice %arg7[%mul3A_47] : memref<320000xi32, #tpu.memory_space<hbm>> -> memref<3200xi32, #tpu.memory_space<hbm>>
      %dma_start3A_51 = tpu.memref_slice %arg7[%mul3A_47] : memref<320000xi32, #tpu.memory_space<hbm>> -> memref<3200xi32, #tpu.memory_space<hbm>>
      tpu.enqueue_dma source(%dma_start3A_51 : memref<3200xi32, #tpu.memory_space<hbm>>) target(%arg19 : memref<3200xi32, #tpu.memory_space<vmem>>) target_semaphore(%arg22 : memref<!tpu.dma_semaphore, #tpu.memory_space<semaphore_mem>>)
      %dma_start3A_52 = arith.constant 0 : i32
      %dma_start3A_53 = tpu.memref_slice %arg5[%arg0, %dma_start3A_52, %mul3A_47] : memref<2x1x320000xf32, #tpu.memory_space<hbm>> -> memref<1x1x3200xf32, #tpu.memory_space<hbm>>
      %dma_start3A_54 = tpu.memref_squeeze %dma_start3A_53 : memref<1x1x3200xf32, #tpu.memory_space<hbm>> -> memref<3200xf32, #tpu.memory_space<hbm>>
      %dma_start3A_55 = tpu.memref_slice %arg5[%arg0, %dma_start3A_52, %mul3A_47] : memref<2x1x320000xf32, #tpu.memory_space<hbm>> -> memref<1x1x3200xf32, #tpu.memory_space<hbm>>
      %dma_start3A_56 = tpu.memref_squeeze %dma_start3A_55 : memref<1x1x3200xf32, #tpu.memory_space<hbm>> -> memref<3200xf32, #tpu.memory_space<hbm>>
      tpu.enqueue_dma source(%dma_start3A_56 : memref<3200xf32, #tpu.memory_space<hbm>>) target(%arg20 : memref<3200xf32, #tpu.memory_space<vmem>>) target_semaphore(%arg22 : memref<!tpu.dma_semaphore, #tpu.memory_space<semaphore_mem>>)
      %dma_wait3A = arith.constant 0 : i32
      %dma_wait3A_57 = tpu.memref_slice %arg6[%dma_wait3A] : memref<320000xi32, #tpu.memory_space<hbm>> -> memref<3200xi32, #tpu.memory_space<hbm>>
      %dma_wait3A_58 = arith.constant 0 : i32
      %dma_wait3A_59 = tpu.memref_slice %arg6[%dma_wait3A_58] : memref<320000xi32, #tpu.memory_space<hbm>> -> memref<3200xi32, #tpu.memory_space<hbm>>
      tpu.wait_dma2 semaphore(%arg21 : memref<!tpu.dma_semaphore, #tpu.memory_space<semaphore_mem>>) src(%dma_wait3A_59 : memref<3200xi32, #tpu.memory_space<hbm>>) dst(%arg15 : memref<3200xi32, #tpu.memory_space<vmem>>)
      %dma_wait3A_60 = arith.constant 0 : i32
      %dma_wait3A_61 = tpu.memref_slice %arg7[%dma_wait3A_60] : memref<320000xi32, #tpu.memory_space<hbm>> -> memref<3200xi32, #tpu.memory_space<hbm>>
      %dma_wait3A_62 = arith.constant 0 : i32
      %dma_wait3A_63 = tpu.memref_slice %arg7[%dma_wait3A_62] : memref<320000xi32, #tpu.memory_space<hbm>> -> memref<3200xi32, #tpu.memory_space<hbm>>
      tpu.wait_dma2 semaphore(%arg21 : memref<!tpu.dma_semaphore, #tpu.memory_space<semaphore_mem>>) src(%dma_wait3A_63 : memref<3200xi32, #tpu.memory_space<hbm>>) dst(%arg16 : memref<3200xi32, #tpu.memory_space<vmem>>)
      %dma_wait3A_64 = arith.constant 0 : i32
      %dma_wait3A_65 = arith.constant 0 : i32
      %dma_wait3A_66 = tpu.memref_slice %arg5[%arg0, %dma_wait3A_64, %dma_wait3A_65] : memref<2x1x320000xf32, #tpu.memory_space<hbm>> -> memref<1x1x3200xf32, #tpu.memory_space<hbm>>
      %dma_wait3A_67 = tpu.memref_squeeze %dma_wait3A_66 : memref<1x1x3200xf32, #tpu.memory_space<hbm>> -> memref<3200xf32, #tpu.memory_space<hbm>>
      %dma_wait3A_68 = arith.constant 0 : i32
      %dma_wait3A_69 = tpu.memref_slice %arg5[%arg0, %dma_wait3A_64, %dma_wait3A_68] : memref<2x1x320000xf32, #tpu.memory_space<hbm>> -> memref<1x1x3200xf32, #tpu.memory_space<hbm>>
      %dma_wait3A_70 = tpu.memref_squeeze %dma_wait3A_69 : memref<1x1x3200xf32, #tpu.memory_space<hbm>> -> memref<3200xf32, #tpu.memory_space<hbm>>
      tpu.wait_dma2 semaphore(%arg21 : memref<!tpu.dma_semaphore, #tpu.memory_space<semaphore_mem>>) src(%dma_wait3A_70 : memref<3200xf32, #tpu.memory_space<hbm>>) dst(%arg17 : memref<3200xf32, #tpu.memory_space<vmem>>)
      %scan3A_71 = arith.constant 0 : i32
      %scan3A_72 = arith.constant 0 : i32
      %scan3A_73 = arith.constant 200 : i32
      %scan3A_74 = arith.addi %scan3A_72, %scan3A_73 : i32
      %scan3A_75 = arith.constant 1 : i32
      %scan3A_76 = scf.for %scan3A_105 = %scan3A_72 to %scan3A_74 step %scan3A_75 iter_args(%scan3A_106 = %scan3A_71) -> (i32)  : i32 {
        %mul3A_107 = arith.constant 16 : i32
        %mul3A_108 = arith.muli %scan3A_105, %mul3A_107 : i32
        %get3A = arith.index_cast %mul3A_108 : i32 to index
        %get3A_109 = tpu.vector_load %arg15[%get3A] {strides = array<i32>} : memref<3200xi32, #tpu.memory_space<vmem>>, vector<16xi32>,
        %get3A_110 = arith.index_cast %mul3A_108 : i32 to index
        %get3A_111 = tpu.vector_load %arg16[%get3A_110] {strides = array<i32>} : memref<3200xi32, #tpu.memory_space<vmem>>, vector<16xi32>,
        %gather3A = tpu.vector_load_idx %arg12[%get3A_109] : memref<10000xf32, #tpu.memory_space<vmem>>[vector<16xi32>], vector<16xf32>,
        %gather3A_112 = tpu.vector_load_idx %arg13[%get3A_111] : memref<10000xf32, #tpu.memory_space<vmem>>[vector<16xi32>], vector<16xf32>,
        %add3A_113 = arith.addf %gather3A, %gather3A_112 : vector<16xf32>
        %get3A_114 = arith.index_cast %mul3A_108 : i32 to index
        %get3A_115 = tpu.vector_load %arg17[%get3A_114] {strides = array<i32>} : memref<3200xf32, #tpu.memory_space<vmem>>, vector<16xf32>,
        %add3A_116 = arith.addf %add3A_113, %get3A_115 : vector<16xf32>
        %ge3A = arith.constant 0.000000e+00 : f32
        %ge3A_117 = vector.broadcast %ge3A : f32 to vector<16xf32>
        %ge3A_118 = arith.cmpf oge, %add3A_116, %ge3A_117 : vector<16xf32>
        %mul3A_119 = arith.constant 2.000000e-01 : f32
        %mul3A_120 = vector.broadcast %mul3A_119 : f32 to vector<16xf32>
        %mul3A_121 = arith.mulf %mul3A_120, %add3A_116 : vector<16xf32>
        %select_n3A = arith.select %ge3A_118, %add3A_116, %mul3A_121 : vector<16xi1>, vector<16xf32>
        %exp3A = math.exp %select_n3A : vector<16xf32>
        %add3A_122 = arith.constant 0 : i32
        %add3A_123 = vector.broadcast %add3A_122 : i32 to vector<16xi32>
        %add3A_124 = arith.addi %get3A_109, %add3A_123 : vector<16xi32>
        %gather3A_125 = tpu.vector_load_idx %arg10[%add3A_124] : memref<40000xf32, #tpu.memory_space<vmem>>[vector<16xi32>], vector<16xf32>,
        %add3A_126 = arith.constant 0 : i32
        %add3A_127 = vector.broadcast %add3A_126 : i32 to vector<16xi32>
        %add3A_128 = arith.addi %get3A_111, %add3A_127 : vector<16xi32>
        %mul3A_129 = arith.mulf %gather3A_125, %exp3A : vector<16xf32>
        tpu.vector_store_idx %arg11[%add3A_128], %mul3A_129 {add = true} : memref<40000xf32, #tpu.memory_space<vmem>>[vector<16xi32>], vector<16xf32>,
        %add3A_130 = arith.constant 10000 : i32
        %add3A_131 = vector.broadcast %add3A_130 : i32 to vector<16xi32>
        %add3A_132 = arith.addi %get3A_109, %add3A_131 : vector<16xi32>
        %gather3A_133 = tpu.vector_load_idx %arg10[%add3A_132] : memref<40000xf32, #tpu.memory_space<vmem>>[vector<16xi32>], vector<16xf32>,
        %add3A_134 = arith.constant 10000 : i32
        %add3A_135 = vector.broadcast %add3A_134 : i32 to vector<16xi32>
        %add3A_136 = arith.addi %get3A_111, %add3A_135 : vector<16xi32>
        %mul3A_137 = arith.mulf %gather3A_133, %exp3A : vector<16xf32>
        tpu.vector_store_idx %arg11[%add3A_136], %mul3A_137 {add = true} : memref<40000xf32, #tpu.memory_space<vmem>>[vector<16xi32>], vector<16xf32>,
        %add3A_138 = arith.constant 20000 : i32
        %add3A_139 = vector.broadcast %add3A_138 : i32 to vector<16xi32>
        %add3A_140 = arith.addi %get3A_109, %add3A_139 : vector<16xi32>
        %gather3A_141 = tpu.vector_load_idx %arg10[%add3A_140] : memref<40000xf32, #tpu.memory_space<vmem>>[vector<16xi32>], vector<16xf32>,
        %add3A_142 = arith.constant 20000 : i32
        %add3A_143 = vector.broadcast %add3A_142 : i32 to vector<16xi32>
        %add3A_144 = arith.addi %get3A_111, %add3A_143 : vector<16xi32>
        %mul3A_145 = arith.mulf %gather3A_141, %exp3A : vector<16xf32>
        tpu.vector_store_idx %arg11[%add3A_144], %mul3A_145 {add = true} : memref<40000xf32, #tpu.memory_space<vmem>>[vector<16xi32>], vector<16xf32>,
        %add3A_146 = arith.constant 30000 : i32
        %add3A_147 = vector.broadcast %add3A_146 : i32 to vector<16xi32>
        %add3A_148 = arith.addi %get3A_109, %add3A_147 : vector<16xi32>
        %gather3A_149 = tpu.vector_load_idx %arg10[%add3A_148] : memref<40000xf32, #tpu.memory_space<vmem>>[vector<16xi32>], vector<16xf32>,
        %add3A_150 = arith.constant 30000 : i32
        %add3A_151 = vector.broadcast %add3A_150 : i32 to vector<16xi32>
        %add3A_152 = arith.addi %get3A_111, %add3A_151 : vector<16xi32>
        %mul3A_153 = arith.mulf %gather3A_149, %exp3A : vector<16xf32>
        tpu.vector_store_idx %arg11[%add3A_152], %mul3A_153 {add = true} : memref<40000xf32, #tpu.memory_space<vmem>>[vector<16xi32>], vector<16xf32>,
        tpu.vector_store_idx %arg14[%get3A_111], %exp3A {add = true} : memref<10000xf32, #tpu.memory_space<vmem>>[vector<16xi32>], vector<16xf32>,
        %scan3A_154 = arith.constant 0 : i32
        scf.yield %scan3A_154 : i32
      }
      %scan3A_77 = arith.constant 200 : i32
      %lt3A = arith.constant 49 : i32
      %lt3A_78 = arith.cmpi slt, %scan3A_40, %lt3A : i32
      %convert_element_type3A_79 = arith.extui %lt3A_78 : i1 to i32
      %cond3A_80 = arith.constant 0 : i32
      %cond3A_81 = arith.cmpi ne, %convert_element_type3A_79, %cond3A_80 : i32
      scf.if %cond3A_81 {
        %mul3A_105 = arith.constant 2 : i32
        %mul3A_106 = arith.muli %mul3A_105, %scan3A_40 : i32
        %add3A_107 = arith.constant 2 : i32
        %add3A_108 = arith.addi %mul3A_106, %add3A_107 : i32
        %mul3A_109 = arith.constant 3200 : i32
        %mul3A_110 = arith.muli %add3A_108, %mul3A_109 : i32
        %dma_start3A_111 = tpu.memref_slice %arg6[%mul3A_110] : memref<320000xi32, #tpu.memory_space<hbm>> -> memref<3200xi32, #tpu.memory_space<hbm>>
        %dma_start3A_112 = tpu.memref_slice %arg6[%mul3A_110] : memref<320000xi32, #tpu.memory_space<hbm>> -> memref<3200xi32, #tpu.memory_space<hbm>>
        tpu.enqueue_dma source(%dma_start3A_112 : memref<3200xi32, #tpu.memory_space<hbm>>) target(%arg15 : memref<3200xi32, #tpu.memory_space<vmem>>) target_semaphore(%arg21 : memref<!tpu.dma_semaphore, #tpu.memory_space<semaphore_mem>>)
        %dma_start3A_113 = tpu.memref_slice %arg7[%mul3A_110] : memref<320000xi32, #tpu.memory_space<hbm>> -> memref<3200xi32, #tpu.memory_space<hbm>>
        %dma_start3A_114 = tpu.memref_slice %arg7[%mul3A_110] : memref<320000xi32, #tpu.memory_space<hbm>> -> memref<3200xi32, #tpu.memory_space<hbm>>
        tpu.enqueue_dma source(%dma_start3A_114 : memref<3200xi32, #tpu.memory_space<hbm>>) target(%arg16 : memref<3200xi32, #tpu.memory_space<vmem>>) target_semaphore(%arg21 : memref<!tpu.dma_semaphore, #tpu.memory_space<semaphore_mem>>)
        %dma_start3A_115 = arith.constant 0 : i32
        %dma_start3A_116 = tpu.memref_slice %arg5[%arg0, %dma_start3A_115, %mul3A_110] : memref<2x1x320000xf32, #tpu.memory_space<hbm>> -> memref<1x1x3200xf32, #tpu.memory_space<hbm>>
        %dma_start3A_117 = tpu.memref_squeeze %dma_start3A_116 : memref<1x1x3200xf32, #tpu.memory_space<hbm>> -> memref<3200xf32, #tpu.memory_space<hbm>>
        %dma_start3A_118 = tpu.memref_slice %arg5[%arg0, %dma_start3A_115, %mul3A_110] : memref<2x1x320000xf32, #tpu.memory_space<hbm>> -> memref<1x1x3200xf32, #tpu.memory_space<hbm>>
        %dma_start3A_119 = tpu.memref_squeeze %dma_start3A_118 : memref<1x1x3200xf32, #tpu.memory_space<hbm>> -> memref<3200xf32, #tpu.memory_space<hbm>>
        tpu.enqueue_dma source(%dma_start3A_119 : memref<3200xf32, #tpu.memory_space<hbm>>) target(%arg17 : memref<3200xf32, #tpu.memory_space<vmem>>) target_semaphore(%arg21 : memref<!tpu.dma_semaphore, #tpu.memory_space<semaphore_mem>>)
      } else {
      }
      %dma_wait3A_82 = arith.constant 0 : i32
      %dma_wait3A_83 = tpu.memref_slice %arg6[%dma_wait3A_82] : memref<320000xi32, #tpu.memory_space<hbm>> -> memref<3200xi32, #tpu.memory_space<hbm>>
      %dma_wait3A_84 = arith.constant 0 : i32
      %dma_wait3A_85 = tpu.memref_slice %arg6[%dma_wait3A_84] : memref<320000xi32, #tpu.memory_space<hbm>> -> memref<3200xi32, #tpu.memory_space<hbm>>
      tpu.wait_dma2 semaphore(%arg22 : memref<!tpu.dma_semaphore, #tpu.memory_space<semaphore_mem>>) src(%dma_wait3A_85 : memref<3200xi32, #tpu.memory_space<hbm>>) dst(%arg18 : memref<3200xi32, #tpu.memory_space<vmem>>)
      %dma_wait3A_86 = arith.constant 0 : i32
      %dma_wait3A_87 = tpu.memref_slice %arg7[%dma_wait3A_86] : memref<320000xi32, #tpu.memory_space<hbm>> -> memref<3200xi32, #tpu.memory_space<hbm>>
      %dma_wait3A_88 = arith.constant 0 : i32
      %dma_wait3A_89 = tpu.memref_slice %arg7[%dma_wait3A_88] : memref<320000xi32, #tpu.memory_space<hbm>> -> memref<3200xi32, #tpu.memory_space<hbm>>
      tpu.wait_dma2 semaphore(%arg22 : memref<!tpu.dma_semaphore, #tpu.memory_space<semaphore_mem>>) src(%dma_wait3A_89 : memref<3200xi32, #tpu.memory_space<hbm>>) dst(%arg19 : memref<3200xi32, #tpu.memory_space<vmem>>)
      %dma_wait3A_90 = arith.constant 0 : i32
      %dma_wait3A_91 = arith.constant 0 : i32
      %dma_wait3A_92 = tpu.memref_slice %arg5[%arg0, %dma_wait3A_90, %dma_wait3A_91] : memref<2x1x320000xf32, #tpu.memory_space<hbm>> -> memref<1x1x3200xf32, #tpu.memory_space<hbm>>
      %dma_wait3A_93 = tpu.memref_squeeze %dma_wait3A_92 : memref<1x1x3200xf32, #tpu.memory_space<hbm>> -> memref<3200xf32, #tpu.memory_space<hbm>>
      %dma_wait3A_94 = arith.constant 0 : i32
      %dma_wait3A_95 = tpu.memref_slice %arg5[%arg0, %dma_wait3A_90, %dma_wait3A_94] : memref<2x1x320000xf32, #tpu.memory_space<hbm>> -> memref<1x1x3200xf32, #tpu.memory_space<hbm>>
      %dma_wait3A_96 = tpu.memref_squeeze %dma_wait3A_95 : memref<1x1x3200xf32, #tpu.memory_space<hbm>> -> memref<3200xf32, #tpu.memory_space<hbm>>
      tpu.wait_dma2 semaphore(%arg22 : memref<!tpu.dma_semaphore, #tpu.memory_space<semaphore_mem>>) src(%dma_wait3A_96 : memref<3200xf32, #tpu.memory_space<hbm>>) dst(%arg20 : memref<3200xf32, #tpu.memory_space<vmem>>)
      %scan3A_97 = arith.constant 0 : i32
      %scan3A_98 = arith.constant 0 : i32
      %scan3A_99 = arith.constant 200 : i32
      %scan3A_100 = arith.addi %scan3A_98, %scan3A_99 : i32
      %scan3A_101 = arith.constant 1 : i32
      %scan3A_102 = scf.for %scan3A_105 = %scan3A_98 to %scan3A_100 step %scan3A_101 iter_args(%scan3A_106 = %scan3A_97) -> (i32)  : i32 {
        %mul3A_107 = arith.constant 16 : i32
        %mul3A_108 = arith.muli %scan3A_105, %mul3A_107 : i32
        %get3A = arith.index_cast %mul3A_108 : i32 to index
        %get3A_109 = tpu.vector_load %arg18[%get3A] {strides = array<i32>} : memref<3200xi32, #tpu.memory_space<vmem>>, vector<16xi32>,
        %get3A_110 = arith.index_cast %mul3A_108 : i32 to index
        %get3A_111 = tpu.vector_load %arg19[%get3A_110] {strides = array<i32>} : memref<3200xi32, #tpu.memory_space<vmem>>, vector<16xi32>,
        %gather3A = tpu.vector_load_idx %arg12[%get3A_109] : memref<10000xf32, #tpu.memory_space<vmem>>[vector<16xi32>], vector<16xf32>,
        %gather3A_112 = tpu.vector_load_idx %arg13[%get3A_111] : memref<10000xf32, #tpu.memory_space<vmem>>[vector<16xi32>], vector<16xf32>,
        %add3A_113 = arith.addf %gather3A, %gather3A_112 : vector<16xf32>
        %get3A_114 = arith.index_cast %mul3A_108 : i32 to index
        %get3A_115 = tpu.vector_load %arg20[%get3A_114] {strides = array<i32>} : memref<3200xf32, #tpu.memory_space<vmem>>, vector<16xf32>,
        %add3A_116 = arith.addf %add3A_113, %get3A_115 : vector<16xf32>
        %ge3A = arith.constant 0.000000e+00 : f32
        %ge3A_117 = vector.broadcast %ge3A : f32 to vector<16xf32>
        %ge3A_118 = arith.cmpf oge, %add3A_116, %ge3A_117 : vector<16xf32>
        %mul3A_119 = arith.constant 2.000000e-01 : f32
        %mul3A_120 = vector.broadcast %mul3A_119 : f32 to vector<16xf32>
        %mul3A_121 = arith.mulf %mul3A_120, %add3A_116 : vector<16xf32>
        %select_n3A = arith.select %ge3A_118, %add3A_116, %mul3A_121 : vector<16xi1>, vector<16xf32>
        %exp3A = math.exp %select_n3A : vector<16xf32>
        %add3A_122 = arith.constant 0 : i32
        %add3A_123 = vector.broadcast %add3A_122 : i32 to vector<16xi32>
        %add3A_124 = arith.addi %get3A_109, %add3A_123 : vector<16xi32>
        %gather3A_125 = tpu.vector_load_idx %arg10[%add3A_124] : memref<40000xf32, #tpu.memory_space<vmem>>[vector<16xi32>], vector<16xf32>,
        %add3A_126 = arith.constant 0 : i32
        %add3A_127 = vector.broadcast %add3A_126 : i32 to vector<16xi32>
        %add3A_128 = arith.addi %get3A_111, %add3A_127 : vector<16xi32>
        %mul3A_129 = arith.mulf %gather3A_125, %exp3A : vector<16xf32>
        tpu.vector_store_idx %arg11[%add3A_128], %mul3A_129 {add = true} : memref<40000xf32, #tpu.memory_space<vmem>>[vector<16xi32>], vector<16xf32>,
        %add3A_130 = arith.constant 10000 : i32
        %add3A_131 = vector.broadcast %add3A_130 : i32 to vector<16xi32>
        %add3A_132 = arith.addi %get3A_109, %add3A_131 : vector<16xi32>
        %gather3A_133 = tpu.vector_load_idx %arg10[%add3A_132] : memref<40000xf32, #tpu.memory_space<vmem>>[vector<16xi32>], vector<16xf32>,
        %add3A_134 = arith.constant 10000 : i32
        %add3A_135 = vector.broadcast %add3A_134 : i32 to vector<16xi32>
        %add3A_136 = arith.addi %get3A_111, %add3A_135 : vector<16xi32>
        %mul3A_137 = arith.mulf %gather3A_133, %exp3A : vector<16xf32>
        tpu.vector_store_idx %arg11[%add3A_136], %mul3A_137 {add = true} : memref<40000xf32, #tpu.memory_space<vmem>>[vector<16xi32>], vector<16xf32>,
        %add3A_138 = arith.constant 20000 : i32
        %add3A_139 = vector.broadcast %add3A_138 : i32 to vector<16xi32>
        %add3A_140 = arith.addi %get3A_109, %add3A_139 : vector<16xi32>
        %gather3A_141 = tpu.vector_load_idx %arg10[%add3A_140] : memref<40000xf32, #tpu.memory_space<vmem>>[vector<16xi32>], vector<16xf32>,
        %add3A_142 = arith.constant 20000 : i32
        %add3A_143 = vector.broadcast %add3A_142 : i32 to vector<16xi32>
        %add3A_144 = arith.addi %get3A_111, %add3A_143 : vector<16xi32>
        %mul3A_145 = arith.mulf %gather3A_141, %exp3A : vector<16xf32>
        tpu.vector_store_idx %arg11[%add3A_144], %mul3A_145 {add = true} : memref<40000xf32, #tpu.memory_space<vmem>>[vector<16xi32>], vector<16xf32>,
        %add3A_146 = arith.constant 30000 : i32
        %add3A_147 = vector.broadcast %add3A_146 : i32 to vector<16xi32>
        %add3A_148 = arith.addi %get3A_109, %add3A_147 : vector<16xi32>
        %gather3A_149 = tpu.vector_load_idx %arg10[%add3A_148] : memref<40000xf32, #tpu.memory_space<vmem>>[vector<16xi32>], vector<16xf32>,
        %add3A_150 = arith.constant 30000 : i32
        %add3A_151 = vector.broadcast %add3A_150 : i32 to vector<16xi32>
        %add3A_152 = arith.addi %get3A_111, %add3A_151 : vector<16xi32>
        %mul3A_153 = arith.mulf %gather3A_149, %exp3A : vector<16xf32>
        tpu.vector_store_idx %arg11[%add3A_152], %mul3A_153 {add = true} : memref<40000xf32, #tpu.memory_space<vmem>>[vector<16xi32>], vector<16xf32>,
        tpu.vector_store_idx %arg14[%get3A_111], %exp3A {add = true} : memref<10000xf32, #tpu.memory_space<vmem>>[vector<16xi32>], vector<16xf32>,
        %scan3A_154 = arith.constant 0 : i32
        scf.yield %scan3A_154 : i32
      }
      %scan3A_103 = arith.constant 200 : i32
      %scan3A_104 = arith.constant 0 : i32
      scf.yield %scan3A_104 : i32
    }
    %scan3A_36 = arith.constant 50 : i32
    %run_scoped3A_37 = arith.constant 0 : i32
    "tpu.region"() ({
      %run_scoped3A_40 = tpu.sem_alloc : memref<!tpu.dma_semaphore, #tpu.memory_space<semaphore_mem>>
      %dma_start3A_41 = arith.constant 0 : i32
      %dma_start3A_42 = tpu.memref_slice %arg8[%add3A, %run_scoped3A_37, %dma_start3A_41] : memref<32x1x40000xf32, #tpu.memory_space<hbm>> -> memref<1x1x40000xf32, #tpu.memory_space<hbm>>
      %dma_start3A_43 = tpu.memref_squeeze %dma_start3A_42 : memref<1x1x40000xf32, #tpu.memory_space<hbm>> -> memref<40000xf32, #tpu.memory_space<hbm>>
      %dma_start3A_44 = arith.constant 0 : i32
      %dma_start3A_45 = tpu.memref_slice %arg8[%add3A, %run_scoped3A_37, %dma_start3A_44] : memref<32x1x40000xf32, #tpu.memory_space<hbm>> -> memref<1x1x40000xf32, #tpu.memory_space<hbm>>
      %dma_start3A_46 = tpu.memref_squeeze %dma_start3A_45 : memref<1x1x40000xf32, #tpu.memory_space<hbm>> -> memref<40000xf32, #tpu.memory_space<hbm>>
      tpu.enqueue_dma source(%arg11 : memref<40000xf32, #tpu.memory_space<vmem>>) target(%dma_start3A_46 : memref<40000xf32, #tpu.memory_space<hbm>>) target_semaphore(%run_scoped3A_40 : memref<!tpu.dma_semaphore, #tpu.memory_space<semaphore_mem>>)
      %dma_wait3A = arith.constant 0 : i32
      %dma_wait3A_47 = tpu.memref_slice %arg8[%add3A, %run_scoped3A_37, %dma_wait3A] : memref<32x1x40000xf32, #tpu.memory_space<hbm>> -> memref<1x1x40000xf32, #tpu.memory_space<hbm>>
      %dma_wait3A_48 = tpu.memref_squeeze %dma_wait3A_47 : memref<1x1x40000xf32, #tpu.memory_space<hbm>> -> memref<40000xf32, #tpu.memory_space<hbm>>
      %dma_wait3A_49 = arith.constant 0 : i32
      %dma_wait3A_50 = tpu.memref_slice %arg8[%add3A, %run_scoped3A_37, %dma_wait3A_49] : memref<32x1x40000xf32, #tpu.memory_space<hbm>> -> memref<1x1x40000xf32, #tpu.memory_space<hbm>>
      %dma_wait3A_51 = tpu.memref_squeeze %dma_wait3A_50 : memref<1x1x40000xf32, #tpu.memory_space<hbm>> -> memref<40000xf32, #tpu.memory_space<hbm>>
      tpu.wait_dma2 semaphore(%run_scoped3A_40 : memref<!tpu.dma_semaphore, #tpu.memory_space<semaphore_mem>>) src(%arg11 : memref<40000xf32, #tpu.memory_space<vmem>>) dst(%dma_wait3A_51 : memref<40000xf32, #tpu.memory_space<hbm>>)
      tpu.yield
    }) : () -> ()
    %eq3A = arith.constant 0 : i32
    %eq3A_38 = arith.cmpi eq, %arg1, %eq3A : i32
    %convert_element_type3A = arith.extui %eq3A_38 : i1 to i32
    %cond3A = arith.constant 0 : i32
    %cond3A_39 = arith.cmpi ne, %convert_element_type3A, %cond3A : i32
    scf.if %cond3A_39 {
      %run_scoped3A_40 = arith.constant 0 : i32
      "tpu.region"() ({
        %run_scoped3A_41 = tpu.sem_alloc : memref<!tpu.dma_semaphore, #tpu.memory_space<semaphore_mem>>
        %dma_start3A_42 = arith.constant 0 : i32
        %dma_start3A_43 = tpu.memref_slice %arg9[%arg0, %run_scoped3A_40, %dma_start3A_42] : memref<2x1x10000xf32, #tpu.memory_space<hbm>> -> memref<1x1x10000xf32, #tpu.memory_space<hbm>>
        %dma_start3A_44 = tpu.memref_squeeze %dma_start3A_43 : memref<1x1x10000xf32, #tpu.memory_space<hbm>> -> memref<10000xf32, #tpu.memory_space<hbm>>
        %dma_start3A_45 = arith.constant 0 : i32
        %dma_start3A_46 = tpu.memref_slice %arg9[%arg0, %run_scoped3A_40, %dma_start3A_45] : memref<2x1x10000xf32, #tpu.memory_space<hbm>> -> memref<1x1x10000xf32, #tpu.memory_space<hbm>>
        %dma_start3A_47 = tpu.memref_squeeze %dma_start3A_46 : memref<1x1x10000xf32, #tpu.memory_space<hbm>> -> memref<10000xf32, #tpu.memory_space<hbm>>
        tpu.enqueue_dma source(%arg14 : memref<10000xf32, #tpu.memory_space<vmem>>) target(%dma_start3A_47 : memref<10000xf32, #tpu.memory_space<hbm>>) target_semaphore(%run_scoped3A_41 : memref<!tpu.dma_semaphore, #tpu.memory_space<semaphore_mem>>)
        %dma_wait3A = arith.constant 0 : i32
        %dma_wait3A_48 = tpu.memref_slice %arg9[%arg0, %run_scoped3A_40, %dma_wait3A] : memref<2x1x10000xf32, #tpu.memory_space<hbm>> -> memref<1x1x10000xf32, #tpu.memory_space<hbm>>
        %dma_wait3A_49 = tpu.memref_squeeze %dma_wait3A_48 : memref<1x1x10000xf32, #tpu.memory_space<hbm>> -> memref<10000xf32, #tpu.memory_space<hbm>>
        %dma_wait3A_50 = arith.constant 0 : i32
        %dma_wait3A_51 = tpu.memref_slice %arg9[%arg0, %run_scoped3A_40, %dma_wait3A_50] : memref<2x1x10000xf32, #tpu.memory_space<hbm>> -> memref<1x1x10000xf32, #tpu.memory_space<hbm>>
        %dma_wait3A_52 = tpu.memref_squeeze %dma_wait3A_51 : memref<1x1x10000xf32, #tpu.memory_space<hbm>> -> memref<10000xf32, #tpu.memory_space<hbm>>
        tpu.wait_dma2 semaphore(%run_scoped3A_41 : memref<!tpu.dma_semaphore, #tpu.memory_space<semaphore_mem>>) src(%arg14 : memref<10000xf32, #tpu.memory_space<vmem>>) dst(%dma_wait3A_52 : memref<10000xf32, #tpu.memory_space<hbm>>)
        tpu.yield
      }) : () -> ()
    } else {
    }
    return
  }
}

#map = affine_map<(d0, d1) -> (0, 0, 0)>
#map1 = affine_map<(d0, d1) -> (0)>
module attributes {stable_mosaic.version = 14 : i64} {
  func.func @_sc_layer_body(%arg0: i32, %arg1: i32, %arg2: memref<32x1x40000xf32, #tpu.memory_space<hbm>>, %arg3: memref<2x1x10000xf32, #tpu.memory_space<hbm>>, %arg4: memref<2x1x10000xf32, #tpu.memory_space<hbm>>, %arg5: memref<2x1x320000xf32, #tpu.memory_space<hbm>>, %arg6: memref<320000xi32, #tpu.memory_space<hbm>>, %arg7: memref<320000xi32, #tpu.memory_space<hbm>>, %arg8: memref<32x1x40000xf32, #tpu.memory_space<hbm>>, %arg9: memref<2x1x10000xf32, #tpu.memory_space<hbm>>, %arg10: memref<40000xf32, #tpu.memory_space<vmem>>, %arg11: memref<40000xf32, #tpu.memory_space<vmem>>, %arg12: memref<10000xf32, #tpu.memory_space<vmem>>, %arg13: memref<10000xf32, #tpu.memory_space<vmem>>, %arg14: memref<10000xf32, #tpu.memory_space<vmem>>, %arg15: memref<3200xi32, #tpu.memory_space<vmem>>, %arg16: memref<3200xi32, #tpu.memory_space<vmem>>, %arg17: memref<3200xf32, #tpu.memory_space<vmem>>, %arg18: memref<3200xi32, #tpu.memory_space<vmem>>, %arg19: memref<3200xi32, #tpu.memory_space<vmem>>, %arg20: memref<3200xf32, #tpu.memory_space<vmem>>, %arg21: memref<!tpu.dma_semaphore, #tpu.memory_space<semaphore_mem>>, %arg22: memref<!tpu.dma_semaphore, #tpu.memory_space<semaphore_mem>>) attributes {dimension_semantics = [#tpu.dimension_semantics<core_parallel>, #tpu.dimension_semantics<subcore_parallel>], iteration_bounds = array<i64: 2, 16>, scalar_prefetch = 0 : i64, scratch_operands = 13 : i64, tpu.core_type = #tpu.core_type<sc_vector_subcore>, window_params = [{transform_indices = #map}, {transform_indices = #map}, {transform_indices = #map}, {transform_indices = #map}, {transform_indices = #map1}, {transform_indices = #map1}, {transform_indices = #map}, {transform_indices = #map}]} {
    %mul3A = arith.constant 16 : i32
    %mul3A_0 = arith.muli %arg0, %mul3A : i32
    %add3A = arith.addi %mul3A_0, %arg1 : i32
    %run_scoped3A = arith.constant 0 : i32
    "tpu.region"() ({
      %run_scoped3A_40 = tpu.sem_alloc : memref<!tpu.dma_semaphore, #tpu.memory_space<semaphore_mem>>
      %dma_start3A_41 = arith.constant 0 : i32
      %dma_start3A_42 = tpu.memref_slice %arg2[%add3A, %run_scoped3A, %dma_start3A_41] : memref<32x1x40000xf32, #tpu.memory_space<hbm>> -> memref<1x1x40000xf32, #tpu.memory_space<hbm>>
      %dma_start3A_43 = tpu.memref_squeeze %dma_start3A_42 : memref<1x1x40000xf32, #tpu.memory_space<hbm>> -> memref<40000xf32, #tpu.memory_space<hbm>>
      %dma_start3A_44 = arith.constant 0 : i32
      %dma_start3A_45 = tpu.memref_slice %arg2[%add3A, %run_scoped3A, %dma_start3A_44] : memref<32x1x40000xf32, #tpu.memory_space<hbm>> -> memref<1x1x40000xf32, #tpu.memory_space<hbm>>
      %dma_start3A_46 = tpu.memref_squeeze %dma_start3A_45 : memref<1x1x40000xf32, #tpu.memory_space<hbm>> -> memref<40000xf32, #tpu.memory_space<hbm>>
      tpu.enqueue_dma source(%dma_start3A_46 : memref<40000xf32, #tpu.memory_space<hbm>>) target(%arg10 : memref<40000xf32, #tpu.memory_space<vmem>>) target_semaphore(%run_scoped3A_40 : memref<!tpu.dma_semaphore, #tpu.memory_space<semaphore_mem>>)
      %dma_wait3A = arith.constant 0 : i32
      %dma_wait3A_47 = tpu.memref_slice %arg2[%add3A, %run_scoped3A, %dma_wait3A] : memref<32x1x40000xf32, #tpu.memory_space<hbm>> -> memref<1x1x40000xf32, #tpu.memory_space<hbm>>
      %dma_wait3A_48 = tpu.memref_squeeze %dma_wait3A_47 : memref<1x1x40000xf32, #tpu.memory_space<hbm>> -> memref<40000xf32, #tpu.memory_space<hbm>>
      %dma_wait3A_49 = arith.constant 0 : i32
      %dma_wait3A_50 = tpu.memref_slice %arg2[%add3A, %run_scoped3A, %dma_wait3A_49] : memref<32x1x40000xf32, #tpu.memory_space<hbm>> -> memref<1x1x40000xf32, #tpu.memory_space<hbm>>
      %dma_wait3A_51 = tpu.memref_squeeze %dma_wait3A_50 : memref<1x1x40000xf32, #tpu.memory_space<hbm>> -> memref<40000xf32, #tpu.memory_space<hbm>>
      tpu.wait_dma2 semaphore(%run_scoped3A_40 : memref<!tpu.dma_semaphore, #tpu.memory_space<semaphore_mem>>) src(%dma_wait3A_51 : memref<40000xf32, #tpu.memory_space<hbm>>) dst(%arg10 : memref<40000xf32, #tpu.memory_space<vmem>>)
      tpu.yield
    }) : () -> ()
    %run_scoped3A_1 = arith.constant 0 : i32
    "tpu.region"() ({
      %run_scoped3A_40 = tpu.sem_alloc : memref<!tpu.dma_semaphore, #tpu.memory_space<semaphore_mem>>
      %dma_start3A_41 = arith.constant 0 : i32
      %dma_start3A_42 = tpu.memref_slice %arg3[%arg0, %run_scoped3A_1, %dma_start3A_41] : memref<2x1x10000xf32, #tpu.memory_space<hbm>> -> memref<1x1x10000xf32, #tpu.memory_space<hbm>>
      %dma_start3A_43 = tpu.memref_squeeze %dma_start3A_42 : memref<1x1x10000xf32, #tpu.memory_space<hbm>> -> memref<10000xf32, #tpu.memory_space<hbm>>
      %dma_start3A_44 = arith.constant 0 : i32
      %dma_start3A_45 = tpu.memref_slice %arg3[%arg0, %run_scoped3A_1, %dma_start3A_44] : memref<2x1x10000xf32, #tpu.memory_space<hbm>> -> memref<1x1x10000xf32, #tpu.memory_space<hbm>>
      %dma_start3A_46 = tpu.memref_squeeze %dma_start3A_45 : memref<1x1x10000xf32, #tpu.memory_space<hbm>> -> memref<10000xf32, #tpu.memory_space<hbm>>
      tpu.enqueue_dma source(%dma_start3A_46 : memref<10000xf32, #tpu.memory_space<hbm>>) target(%arg12 : memref<10000xf32, #tpu.memory_space<vmem>>) target_semaphore(%run_scoped3A_40 : memref<!tpu.dma_semaphore, #tpu.memory_space<semaphore_mem>>)
      %dma_wait3A = arith.constant 0 : i32
      %dma_wait3A_47 = tpu.memref_slice %arg3[%arg0, %run_scoped3A_1, %dma_wait3A] : memref<2x1x10000xf32, #tpu.memory_space<hbm>> -> memref<1x1x10000xf32, #tpu.memory_space<hbm>>
      %dma_wait3A_48 = tpu.memref_squeeze %dma_wait3A_47 : memref<1x1x10000xf32, #tpu.memory_space<hbm>> -> memref<10000xf32, #tpu.memory_space<hbm>>
      %dma_wait3A_49 = arith.constant 0 : i32
      %dma_wait3A_50 = tpu.memref_slice %arg3[%arg0, %run_scoped3A_1, %dma_wait3A_49] : memref<2x1x10000xf32, #tpu.memory_space<hbm>> -> memref<1x1x10000xf32, #tpu.memory_space<hbm>>
      %dma_wait3A_51 = tpu.memref_squeeze %dma_wait3A_50 : memref<1x1x10000xf32, #tpu.memory_space<hbm>> -> memref<10000xf32, #tpu.memory_space<hbm>>
      tpu.wait_dma2 semaphore(%run_scoped3A_40 : memref<!tpu.dma_semaphore, #tpu.memory_space<semaphore_mem>>) src(%dma_wait3A_51 : memref<10000xf32, #tpu.memory_space<hbm>>) dst(%arg12 : memref<10000xf32, #tpu.memory_space<vmem>>)
      tpu.yield
    }) : () -> ()
    %run_scoped3A_2 = arith.constant 0 : i32
    "tpu.region"() ({
      %run_scoped3A_40 = tpu.sem_alloc : memref<!tpu.dma_semaphore, #tpu.memory_space<semaphore_mem>>
      %dma_start3A_41 = arith.constant 0 : i32
      %dma_start3A_42 = tpu.memref_slice %arg4[%arg0, %run_scoped3A_2, %dma_start3A_41] : memref<2x1x10000xf32, #tpu.memory_space<hbm>> -> memref<1x1x10000xf32, #tpu.memory_space<hbm>>
      %dma_start3A_43 = tpu.memref_squeeze %dma_start3A_42 : memref<1x1x10000xf32, #tpu.memory_space<hbm>> -> memref<10000xf32, #tpu.memory_space<hbm>>
      %dma_start3A_44 = arith.constant 0 : i32
      %dma_start3A_45 = tpu.memref_slice %arg4[%arg0, %run_scoped3A_2, %dma_start3A_44] : memref<2x1x10000xf32, #tpu.memory_space<hbm>> -> memref<1x1x10000xf32, #tpu.memory_space<hbm>>
      %dma_start3A_46 = tpu.memref_squeeze %dma_start3A_45 : memref<1x1x10000xf32, #tpu.memory_space<hbm>> -> memref<10000xf32, #tpu.memory_space<hbm>>
      tpu.enqueue_dma source(%dma_start3A_46 : memref<10000xf32, #tpu.memory_space<hbm>>) target(%arg13 : memref<10000xf32, #tpu.memory_space<vmem>>) target_semaphore(%run_scoped3A_40 : memref<!tpu.dma_semaphore, #tpu.memory_space<semaphore_mem>>)
      %dma_wait3A = arith.constant 0 : i32
      %dma_wait3A_47 = tpu.memref_slice %arg4[%arg0, %run_scoped3A_2, %dma_wait3A] : memref<2x1x10000xf32, #tpu.memory_space<hbm>> -> memref<1x1x10000xf32, #tpu.memory_space<hbm>>
      %dma_wait3A_48 = tpu.memref_squeeze %dma_wait3A_47 : memref<1x1x10000xf32, #tpu.memory_space<hbm>> -> memref<10000xf32, #tpu.memory_space<hbm>>
      %dma_wait3A_49 = arith.constant 0 : i32
      %dma_wait3A_50 = tpu.memref_slice %arg4[%arg0, %run_scoped3A_2, %dma_wait3A_49] : memref<2x1x10000xf32, #tpu.memory_space<hbm>> -> memref<1x1x10000xf32, #tpu.memory_space<hbm>>
      %dma_wait3A_51 = tpu.memref_squeeze %dma_wait3A_50 : memref<1x1x10000xf32, #tpu.memory_space<hbm>> -> memref<10000xf32, #tpu.memory_space<hbm>>
      tpu.wait_dma2 semaphore(%run_scoped3A_40 : memref<!tpu.dma_semaphore, #tpu.memory_space<semaphore_mem>>) src(%dma_wait3A_51 : memref<10000xf32, #tpu.memory_space<hbm>>) dst(%arg13 : memref<10000xf32, #tpu.memory_space<vmem>>)
      tpu.yield
    }) : () -> ()
    %scan3A = arith.constant 0 : i32
    %scan3A_3 = arith.constant 0 : i32
    %scan3A_4 = arith.constant 2500 : i32
    %scan3A_5 = arith.addi %scan3A_3, %scan3A_4 : i32
    %scan3A_6 = arith.constant 1 : i32
    %scan3A_7 = scf.for %scan3A_40 = %scan3A_3 to %scan3A_5 step %scan3A_6 iter_args(%scan3A_41 = %scan3A) -> (i32)  : i32 {
      %broadcast_in_dim3A = arith.constant 0.000000e+00 : f32
      %broadcast_in_dim3A_42 = vector.broadcast %broadcast_in_dim3A : f32 to vector<16xf32>
      %mul3A_43 = arith.constant 16 : i32
      %mul3A_44 = arith.muli %scan3A_40, %mul3A_43 : i32
      %swap3A = arith.index_cast %mul3A_44 : i32 to index
      %swap3A_45 = tpu.vector_load %arg11[%swap3A] {strides = array<i32>} : memref<40000xf32, #tpu.memory_space<vmem>>, vector<16xf32>,
      tpu.vector_store %arg11[%swap3A], %broadcast_in_dim3A_42 {strides = array<i32>} : memref<40000xf32, #tpu.memory_space<vmem>>, vector<16xf32>,
      %scan3A_46 = arith.constant 0 : i32
      scf.yield %scan3A_46 : i32
    }
    %scan3A_8 = arith.constant 2500 : i32
    %scan3A_9 = arith.constant 0 : i32
    %scan3A_10 = arith.constant 0 : i32
    %scan3A_11 = arith.constant 625 : i32
    %scan3A_12 = arith.addi %scan3A_10, %scan3A_11 : i32
    %scan3A_13 = arith.constant 1 : i32
    %scan3A_14 = scf.for %scan3A_40 = %scan3A_10 to %scan3A_12 step %scan3A_13 iter_args(%scan3A_41 = %scan3A_9) -> (i32)  : i32 {
      %broadcast_in_dim3A = arith.constant 0.000000e+00 : f32
      %broadcast_in_dim3A_42 = vector.broadcast %broadcast_in_dim3A : f32 to vector<16xf32>
      %mul3A_43 = arith.constant 16 : i32
      %mul3A_44 = arith.muli %scan3A_40, %mul3A_43 : i32
      %swap3A = arith.index_cast %mul3A_44 : i32 to index
      %swap3A_45 = tpu.vector_load %arg14[%swap3A] {strides = array<i32>} : memref<10000xf32, #tpu.memory_space<vmem>>, vector<16xf32>,
      tpu.vector_store %arg14[%swap3A], %broadcast_in_dim3A_42 {strides = array<i32>} : memref<10000xf32, #tpu.memory_space<vmem>>, vector<16xf32>,
      %scan3A_46 = arith.constant 0 : i32
      scf.yield %scan3A_46 : i32
    }
    %scan3A_15 = arith.constant 625 : i32
    %dma_start3A = arith.constant 0 : i32
    %dma_start3A_16 = tpu.memref_slice %arg6[%dma_start3A] : memref<320000xi32, #tpu.memory_space<hbm>> -> memref<3200xi32, #tpu.memory_space<hbm>>
    %dma_start3A_17 = arith.constant 0 : i32
    %dma_start3A_18 = tpu.memref_slice %arg6[%dma_start3A_17] : memref<320000xi32, #tpu.memory_space<hbm>> -> memref<3200xi32, #tpu.memory_space<hbm>>
    tpu.enqueue_dma source(%dma_start3A_18 : memref<3200xi32, #tpu.memory_space<hbm>>) target(%arg15 : memref<3200xi32, #tpu.memory_space<vmem>>) target_semaphore(%arg21 : memref<!tpu.dma_semaphore, #tpu.memory_space<semaphore_mem>>)
    %dma_start3A_19 = arith.constant 0 : i32
    %dma_start3A_20 = tpu.memref_slice %arg7[%dma_start3A_19] : memref<320000xi32, #tpu.memory_space<hbm>> -> memref<3200xi32, #tpu.memory_space<hbm>>
    %dma_start3A_21 = arith.constant 0 : i32
    %dma_start3A_22 = tpu.memref_slice %arg7[%dma_start3A_21] : memref<320000xi32, #tpu.memory_space<hbm>> -> memref<3200xi32, #tpu.memory_space<hbm>>
    tpu.enqueue_dma source(%dma_start3A_22 : memref<3200xi32, #tpu.memory_space<hbm>>) target(%arg16 : memref<3200xi32, #tpu.memory_space<vmem>>) target_semaphore(%arg21 : memref<!tpu.dma_semaphore, #tpu.memory_space<semaphore_mem>>)
    %dma_start3A_23 = arith.constant 0 : i32
    %dma_start3A_24 = arith.constant 0 : i32
    %dma_start3A_25 = tpu.memref_slice %arg5[%arg0, %dma_start3A_23, %dma_start3A_24] : memref<2x1x320000xf32, #tpu.memory_space<hbm>> -> memref<1x1x3200xf32, #tpu.memory_space<hbm>>
    %dma_start3A_26 = tpu.memref_squeeze %dma_start3A_25 : memref<1x1x3200xf32, #tpu.memory_space<hbm>> -> memref<3200xf32, #tpu.memory_space<hbm>>
    %dma_start3A_27 = arith.constant 0 : i32
    %dma_start3A_28 = tpu.memref_slice %arg5[%arg0, %dma_start3A_23, %dma_start3A_27] : memref<2x1x320000xf32, #tpu.memory_space<hbm>> -> memref<1x1x3200xf32, #tpu.memory_space<hbm>>
    %dma_start3A_29 = tpu.memref_squeeze %dma_start3A_28 : memref<1x1x3200xf32, #tpu.memory_space<hbm>> -> memref<3200xf32, #tpu.memory_space<hbm>>
    tpu.enqueue_dma source(%dma_start3A_29 : memref<3200xf32, #tpu.memory_space<hbm>>) target(%arg17 : memref<3200xf32, #tpu.memory_space<vmem>>) target_semaphore(%arg21 : memref<!tpu.dma_semaphore, #tpu.memory_space<semaphore_mem>>)
    %scan3A_30 = arith.constant 0 : i32
    %scan3A_31 = arith.constant 0 : i32
    %scan3A_32 = arith.constant 50 : i32
    %scan3A_33 = arith.addi %scan3A_31, %scan3A_32 : i32
    %scan3A_34 = arith.constant 1 : i32
    %scan3A_35 = scf.for %scan3A_40 = %scan3A_31 to %scan3A_33 step %scan3A_34 iter_args(%scan3A_41 = %scan3A_30) -> (i32)  : i32 {
      %mul3A_42 = arith.constant 2 : i32
      %mul3A_43 = arith.muli %mul3A_42, %scan3A_40 : i32
      %add3A_44 = arith.constant 1 : i32
      %add3A_45 = arith.addi %mul3A_43, %add3A_44 : i32
      %mul3A_46 = arith.constant 3200 : i32
      %mul3A_47 = arith.muli %add3A_45, %mul3A_46 : i32
      %dma_start3A_48 = tpu.memref_slice %arg6[%mul3A_47] : memref<320000xi32, #tpu.memory_space<hbm>> -> memref<3200xi32, #tpu.memory_space<hbm>>
      %dma_start3A_49 = tpu.memref_slice %arg6[%mul3A_47] : memref<320000xi32, #tpu.memory_space<hbm>> -> memref<3200xi32, #tpu.memory_space<hbm>>
      tpu.enqueue_dma source(%dma_start3A_49 : memref<3200xi32, #tpu.memory_space<hbm>>) target(%arg18 : memref<3200xi32, #tpu.memory_space<vmem>>) target_semaphore(%arg22 : memref<!tpu.dma_semaphore, #tpu.memory_space<semaphore_mem>>)
      %dma_start3A_50 = tpu.memref_slice %arg7[%mul3A_47] : memref<320000xi32, #tpu.memory_space<hbm>> -> memref<3200xi32, #tpu.memory_space<hbm>>
      %dma_start3A_51 = tpu.memref_slice %arg7[%mul3A_47] : memref<320000xi32, #tpu.memory_space<hbm>> -> memref<3200xi32, #tpu.memory_space<hbm>>
      tpu.enqueue_dma source(%dma_start3A_51 : memref<3200xi32, #tpu.memory_space<hbm>>) target(%arg19 : memref<3200xi32, #tpu.memory_space<vmem>>) target_semaphore(%arg22 : memref<!tpu.dma_semaphore, #tpu.memory_space<semaphore_mem>>)
      %dma_start3A_52 = arith.constant 0 : i32
      %dma_start3A_53 = tpu.memref_slice %arg5[%arg0, %dma_start3A_52, %mul3A_47] : memref<2x1x320000xf32, #tpu.memory_space<hbm>> -> memref<1x1x3200xf32, #tpu.memory_space<hbm>>
      %dma_start3A_54 = tpu.memref_squeeze %dma_start3A_53 : memref<1x1x3200xf32, #tpu.memory_space<hbm>> -> memref<3200xf32, #tpu.memory_space<hbm>>
      %dma_start3A_55 = tpu.memref_slice %arg5[%arg0, %dma_start3A_52, %mul3A_47] : memref<2x1x320000xf32, #tpu.memory_space<hbm>> -> memref<1x1x3200xf32, #tpu.memory_space<hbm>>
      %dma_start3A_56 = tpu.memref_squeeze %dma_start3A_55 : memref<1x1x3200xf32, #tpu.memory_space<hbm>> -> memref<3200xf32, #tpu.memory_space<hbm>>
      tpu.enqueue_dma source(%dma_start3A_56 : memref<3200xf32, #tpu.memory_space<hbm>>) target(%arg20 : memref<3200xf32, #tpu.memory_space<vmem>>) target_semaphore(%arg22 : memref<!tpu.dma_semaphore, #tpu.memory_space<semaphore_mem>>)
      %dma_wait3A = arith.constant 0 : i32
      %dma_wait3A_57 = tpu.memref_slice %arg6[%dma_wait3A] : memref<320000xi32, #tpu.memory_space<hbm>> -> memref<3200xi32, #tpu.memory_space<hbm>>
      %dma_wait3A_58 = arith.constant 0 : i32
      %dma_wait3A_59 = tpu.memref_slice %arg6[%dma_wait3A_58] : memref<320000xi32, #tpu.memory_space<hbm>> -> memref<3200xi32, #tpu.memory_space<hbm>>
      tpu.wait_dma2 semaphore(%arg21 : memref<!tpu.dma_semaphore, #tpu.memory_space<semaphore_mem>>) src(%dma_wait3A_59 : memref<3200xi32, #tpu.memory_space<hbm>>) dst(%arg15 : memref<3200xi32, #tpu.memory_space<vmem>>)
      %dma_wait3A_60 = arith.constant 0 : i32
      %dma_wait3A_61 = tpu.memref_slice %arg7[%dma_wait3A_60] : memref<320000xi32, #tpu.memory_space<hbm>> -> memref<3200xi32, #tpu.memory_space<hbm>>
      %dma_wait3A_62 = arith.constant 0 : i32
      %dma_wait3A_63 = tpu.memref_slice %arg7[%dma_wait3A_62] : memref<320000xi32, #tpu.memory_space<hbm>> -> memref<3200xi32, #tpu.memory_space<hbm>>
      tpu.wait_dma2 semaphore(%arg21 : memref<!tpu.dma_semaphore, #tpu.memory_space<semaphore_mem>>) src(%dma_wait3A_63 : memref<3200xi32, #tpu.memory_space<hbm>>) dst(%arg16 : memref<3200xi32, #tpu.memory_space<vmem>>)
      %dma_wait3A_64 = arith.constant 0 : i32
      %dma_wait3A_65 = arith.constant 0 : i32
      %dma_wait3A_66 = tpu.memref_slice %arg5[%arg0, %dma_wait3A_64, %dma_wait3A_65] : memref<2x1x320000xf32, #tpu.memory_space<hbm>> -> memref<1x1x3200xf32, #tpu.memory_space<hbm>>
      %dma_wait3A_67 = tpu.memref_squeeze %dma_wait3A_66 : memref<1x1x3200xf32, #tpu.memory_space<hbm>> -> memref<3200xf32, #tpu.memory_space<hbm>>
      %dma_wait3A_68 = arith.constant 0 : i32
      %dma_wait3A_69 = tpu.memref_slice %arg5[%arg0, %dma_wait3A_64, %dma_wait3A_68] : memref<2x1x320000xf32, #tpu.memory_space<hbm>> -> memref<1x1x3200xf32, #tpu.memory_space<hbm>>
      %dma_wait3A_70 = tpu.memref_squeeze %dma_wait3A_69 : memref<1x1x3200xf32, #tpu.memory_space<hbm>> -> memref<3200xf32, #tpu.memory_space<hbm>>
      tpu.wait_dma2 semaphore(%arg21 : memref<!tpu.dma_semaphore, #tpu.memory_space<semaphore_mem>>) src(%dma_wait3A_70 : memref<3200xf32, #tpu.memory_space<hbm>>) dst(%arg17 : memref<3200xf32, #tpu.memory_space<vmem>>)
      %scan3A_71 = arith.constant 0 : i32
      %scan3A_72 = arith.constant 0 : i32
      %scan3A_73 = arith.constant 200 : i32
      %scan3A_74 = arith.addi %scan3A_72, %scan3A_73 : i32
      %scan3A_75 = arith.constant 1 : i32
      %scan3A_76 = scf.for %scan3A_105 = %scan3A_72 to %scan3A_74 step %scan3A_75 iter_args(%scan3A_106 = %scan3A_71) -> (i32)  : i32 {
        %mul3A_107 = arith.constant 16 : i32
        %mul3A_108 = arith.muli %scan3A_105, %mul3A_107 : i32
        %get3A = arith.index_cast %mul3A_108 : i32 to index
        %get3A_109 = tpu.vector_load %arg15[%get3A] {strides = array<i32>} : memref<3200xi32, #tpu.memory_space<vmem>>, vector<16xi32>,
        %get3A_110 = arith.index_cast %mul3A_108 : i32 to index
        %get3A_111 = tpu.vector_load %arg16[%get3A_110] {strides = array<i32>} : memref<3200xi32, #tpu.memory_space<vmem>>, vector<16xi32>,
        %gather3A = tpu.vector_load_idx %arg12[%get3A_109] : memref<10000xf32, #tpu.memory_space<vmem>>[vector<16xi32>], vector<16xf32>,
        %gather3A_112 = tpu.vector_load_idx %arg13[%get3A_111] : memref<10000xf32, #tpu.memory_space<vmem>>[vector<16xi32>], vector<16xf32>,
        %add3A_113 = arith.addf %gather3A, %gather3A_112 : vector<16xf32>
        %get3A_114 = arith.index_cast %mul3A_108 : i32 to index
        %get3A_115 = tpu.vector_load %arg17[%get3A_114] {strides = array<i32>} : memref<3200xf32, #tpu.memory_space<vmem>>, vector<16xf32>,
        %add3A_116 = arith.addf %add3A_113, %get3A_115 : vector<16xf32>
        %ge3A = arith.constant 0.000000e+00 : f32
        %ge3A_117 = vector.broadcast %ge3A : f32 to vector<16xf32>
        %ge3A_118 = arith.cmpf oge, %add3A_116, %ge3A_117 : vector<16xf32>
        %mul3A_119 = arith.constant 2.000000e-01 : f32
        %mul3A_120 = vector.broadcast %mul3A_119 : f32 to vector<16xf32>
        %mul3A_121 = arith.mulf %mul3A_120, %add3A_116 : vector<16xf32>
        %select_n3A = arith.select %ge3A_118, %add3A_116, %mul3A_121 : vector<16xi1>, vector<16xf32>
        %exp3A = math.exp %select_n3A : vector<16xf32>
        %add3A_122 = arith.constant 0 : i32
        %add3A_123 = vector.broadcast %add3A_122 : i32 to vector<16xi32>
        %add3A_124 = arith.addi %get3A_109, %add3A_123 : vector<16xi32>
        %gather3A_125 = tpu.vector_load_idx %arg10[%add3A_124] : memref<40000xf32, #tpu.memory_space<vmem>>[vector<16xi32>], vector<16xf32>,
        %add3A_126 = arith.constant 0 : i32
        %add3A_127 = vector.broadcast %add3A_126 : i32 to vector<16xi32>
        %add3A_128 = arith.addi %get3A_111, %add3A_127 : vector<16xi32>
        %mul3A_129 = arith.mulf %gather3A_125, %exp3A : vector<16xf32>
        tpu.vector_store_idx %arg11[%add3A_128], %mul3A_129 {add = true} : memref<40000xf32, #tpu.memory_space<vmem>>[vector<16xi32>], vector<16xf32>,
        %add3A_130 = arith.constant 10000 : i32
        %add3A_131 = vector.broadcast %add3A_130 : i32 to vector<16xi32>
        %add3A_132 = arith.addi %get3A_109, %add3A_131 : vector<16xi32>
        %gather3A_133 = tpu.vector_load_idx %arg10[%add3A_132] : memref<40000xf32, #tpu.memory_space<vmem>>[vector<16xi32>], vector<16xf32>,
        %add3A_134 = arith.constant 10000 : i32
        %add3A_135 = vector.broadcast %add3A_134 : i32 to vector<16xi32>
        %add3A_136 = arith.addi %get3A_111, %add3A_135 : vector<16xi32>
        %mul3A_137 = arith.mulf %gather3A_133, %exp3A : vector<16xf32>
        tpu.vector_store_idx %arg11[%add3A_136], %mul3A_137 {add = true} : memref<40000xf32, #tpu.memory_space<vmem>>[vector<16xi32>], vector<16xf32>,
        %add3A_138 = arith.constant 20000 : i32
        %add3A_139 = vector.broadcast %add3A_138 : i32 to vector<16xi32>
        %add3A_140 = arith.addi %get3A_109, %add3A_139 : vector<16xi32>
        %gather3A_141 = tpu.vector_load_idx %arg10[%add3A_140] : memref<40000xf32, #tpu.memory_space<vmem>>[vector<16xi32>], vector<16xf32>,
        %add3A_142 = arith.constant 20000 : i32
        %add3A_143 = vector.broadcast %add3A_142 : i32 to vector<16xi32>
        %add3A_144 = arith.addi %get3A_111, %add3A_143 : vector<16xi32>
        %mul3A_145 = arith.mulf %gather3A_141, %exp3A : vector<16xf32>
        tpu.vector_store_idx %arg11[%add3A_144], %mul3A_145 {add = true} : memref<40000xf32, #tpu.memory_space<vmem>>[vector<16xi32>], vector<16xf32>,
        %add3A_146 = arith.constant 30000 : i32
        %add3A_147 = vector.broadcast %add3A_146 : i32 to vector<16xi32>
        %add3A_148 = arith.addi %get3A_109, %add3A_147 : vector<16xi32>
        %gather3A_149 = tpu.vector_load_idx %arg10[%add3A_148] : memref<40000xf32, #tpu.memory_space<vmem>>[vector<16xi32>], vector<16xf32>,
        %add3A_150 = arith.constant 30000 : i32
        %add3A_151 = vector.broadcast %add3A_150 : i32 to vector<16xi32>
        %add3A_152 = arith.addi %get3A_111, %add3A_151 : vector<16xi32>
        %mul3A_153 = arith.mulf %gather3A_149, %exp3A : vector<16xf32>
        tpu.vector_store_idx %arg11[%add3A_152], %mul3A_153 {add = true} : memref<40000xf32, #tpu.memory_space<vmem>>[vector<16xi32>], vector<16xf32>,
        tpu.vector_store_idx %arg14[%get3A_111], %exp3A {add = true} : memref<10000xf32, #tpu.memory_space<vmem>>[vector<16xi32>], vector<16xf32>,
        %scan3A_154 = arith.constant 0 : i32
        scf.yield %scan3A_154 : i32
      }
      %scan3A_77 = arith.constant 200 : i32
      %lt3A = arith.constant 49 : i32
      %lt3A_78 = arith.cmpi slt, %scan3A_40, %lt3A : i32
      %convert_element_type3A_79 = arith.extui %lt3A_78 : i1 to i32
      %cond3A_80 = arith.constant 0 : i32
      %cond3A_81 = arith.cmpi ne, %convert_element_type3A_79, %cond3A_80 : i32
      scf.if %cond3A_81 {
        %mul3A_105 = arith.constant 2 : i32
        %mul3A_106 = arith.muli %mul3A_105, %scan3A_40 : i32
        %add3A_107 = arith.constant 2 : i32
        %add3A_108 = arith.addi %mul3A_106, %add3A_107 : i32
        %mul3A_109 = arith.constant 3200 : i32
        %mul3A_110 = arith.muli %add3A_108, %mul3A_109 : i32
        %dma_start3A_111 = tpu.memref_slice %arg6[%mul3A_110] : memref<320000xi32, #tpu.memory_space<hbm>> -> memref<3200xi32, #tpu.memory_space<hbm>>
        %dma_start3A_112 = tpu.memref_slice %arg6[%mul3A_110] : memref<320000xi32, #tpu.memory_space<hbm>> -> memref<3200xi32, #tpu.memory_space<hbm>>
        tpu.enqueue_dma source(%dma_start3A_112 : memref<3200xi32, #tpu.memory_space<hbm>>) target(%arg15 : memref<3200xi32, #tpu.memory_space<vmem>>) target_semaphore(%arg21 : memref<!tpu.dma_semaphore, #tpu.memory_space<semaphore_mem>>)
        %dma_start3A_113 = tpu.memref_slice %arg7[%mul3A_110] : memref<320000xi32, #tpu.memory_space<hbm>> -> memref<3200xi32, #tpu.memory_space<hbm>>
        %dma_start3A_114 = tpu.memref_slice %arg7[%mul3A_110] : memref<320000xi32, #tpu.memory_space<hbm>> -> memref<3200xi32, #tpu.memory_space<hbm>>
        tpu.enqueue_dma source(%dma_start3A_114 : memref<3200xi32, #tpu.memory_space<hbm>>) target(%arg16 : memref<3200xi32, #tpu.memory_space<vmem>>) target_semaphore(%arg21 : memref<!tpu.dma_semaphore, #tpu.memory_space<semaphore_mem>>)
        %dma_start3A_115 = arith.constant 0 : i32
        %dma_start3A_116 = tpu.memref_slice %arg5[%arg0, %dma_start3A_115, %mul3A_110] : memref<2x1x320000xf32, #tpu.memory_space<hbm>> -> memref<1x1x3200xf32, #tpu.memory_space<hbm>>
        %dma_start3A_117 = tpu.memref_squeeze %dma_start3A_116 : memref<1x1x3200xf32, #tpu.memory_space<hbm>> -> memref<3200xf32, #tpu.memory_space<hbm>>
        %dma_start3A_118 = tpu.memref_slice %arg5[%arg0, %dma_start3A_115, %mul3A_110] : memref<2x1x320000xf32, #tpu.memory_space<hbm>> -> memref<1x1x3200xf32, #tpu.memory_space<hbm>>
        %dma_start3A_119 = tpu.memref_squeeze %dma_start3A_118 : memref<1x1x3200xf32, #tpu.memory_space<hbm>> -> memref<3200xf32, #tpu.memory_space<hbm>>
        tpu.enqueue_dma source(%dma_start3A_119 : memref<3200xf32, #tpu.memory_space<hbm>>) target(%arg17 : memref<3200xf32, #tpu.memory_space<vmem>>) target_semaphore(%arg21 : memref<!tpu.dma_semaphore, #tpu.memory_space<semaphore_mem>>)
      } else {
      }
      %dma_wait3A_82 = arith.constant 0 : i32
      %dma_wait3A_83 = tpu.memref_slice %arg6[%dma_wait3A_82] : memref<320000xi32, #tpu.memory_space<hbm>> -> memref<3200xi32, #tpu.memory_space<hbm>>
      %dma_wait3A_84 = arith.constant 0 : i32
      %dma_wait3A_85 = tpu.memref_slice %arg6[%dma_wait3A_84] : memref<320000xi32, #tpu.memory_space<hbm>> -> memref<3200xi32, #tpu.memory_space<hbm>>
      tpu.wait_dma2 semaphore(%arg22 : memref<!tpu.dma_semaphore, #tpu.memory_space<semaphore_mem>>) src(%dma_wait3A_85 : memref<3200xi32, #tpu.memory_space<hbm>>) dst(%arg18 : memref<3200xi32, #tpu.memory_space<vmem>>)
      %dma_wait3A_86 = arith.constant 0 : i32
      %dma_wait3A_87 = tpu.memref_slice %arg7[%dma_wait3A_86] : memref<320000xi32, #tpu.memory_space<hbm>> -> memref<3200xi32, #tpu.memory_space<hbm>>
      %dma_wait3A_88 = arith.constant 0 : i32
      %dma_wait3A_89 = tpu.memref_slice %arg7[%dma_wait3A_88] : memref<320000xi32, #tpu.memory_space<hbm>> -> memref<3200xi32, #tpu.memory_space<hbm>>
      tpu.wait_dma2 semaphore(%arg22 : memref<!tpu.dma_semaphore, #tpu.memory_space<semaphore_mem>>) src(%dma_wait3A_89 : memref<3200xi32, #tpu.memory_space<hbm>>) dst(%arg19 : memref<3200xi32, #tpu.memory_space<vmem>>)
      %dma_wait3A_90 = arith.constant 0 : i32
      %dma_wait3A_91 = arith.constant 0 : i32
      %dma_wait3A_92 = tpu.memref_slice %arg5[%arg0, %dma_wait3A_90, %dma_wait3A_91] : memref<2x1x320000xf32, #tpu.memory_space<hbm>> -> memref<1x1x3200xf32, #tpu.memory_space<hbm>>
      %dma_wait3A_93 = tpu.memref_squeeze %dma_wait3A_92 : memref<1x1x3200xf32, #tpu.memory_space<hbm>> -> memref<3200xf32, #tpu.memory_space<hbm>>
      %dma_wait3A_94 = arith.constant 0 : i32
      %dma_wait3A_95 = tpu.memref_slice %arg5[%arg0, %dma_wait3A_90, %dma_wait3A_94] : memref<2x1x320000xf32, #tpu.memory_space<hbm>> -> memref<1x1x3200xf32, #tpu.memory_space<hbm>>
      %dma_wait3A_96 = tpu.memref_squeeze %dma_wait3A_95 : memref<1x1x3200xf32, #tpu.memory_space<hbm>> -> memref<3200xf32, #tpu.memory_space<hbm>>
      tpu.wait_dma2 semaphore(%arg22 : memref<!tpu.dma_semaphore, #tpu.memory_space<semaphore_mem>>) src(%dma_wait3A_96 : memref<3200xf32, #tpu.memory_space<hbm>>) dst(%arg20 : memref<3200xf32, #tpu.memory_space<vmem>>)
      %scan3A_97 = arith.constant 0 : i32
      %scan3A_98 = arith.constant 0 : i32
      %scan3A_99 = arith.constant 200 : i32
      %scan3A_100 = arith.addi %scan3A_98, %scan3A_99 : i32
      %scan3A_101 = arith.constant 1 : i32
      %scan3A_102 = scf.for %scan3A_105 = %scan3A_98 to %scan3A_100 step %scan3A_101 iter_args(%scan3A_106 = %scan3A_97) -> (i32)  : i32 {
        %mul3A_107 = arith.constant 16 : i32
        %mul3A_108 = arith.muli %scan3A_105, %mul3A_107 : i32
        %get3A = arith.index_cast %mul3A_108 : i32 to index
        %get3A_109 = tpu.vector_load %arg18[%get3A] {strides = array<i32>} : memref<3200xi32, #tpu.memory_space<vmem>>, vector<16xi32>,
        %get3A_110 = arith.index_cast %mul3A_108 : i32 to index
        %get3A_111 = tpu.vector_load %arg19[%get3A_110] {strides = array<i32>} : memref<3200xi32, #tpu.memory_space<vmem>>, vector<16xi32>,
        %gather3A = tpu.vector_load_idx %arg12[%get3A_109] : memref<10000xf32, #tpu.memory_space<vmem>>[vector<16xi32>], vector<16xf32>,
        %gather3A_112 = tpu.vector_load_idx %arg13[%get3A_111] : memref<10000xf32, #tpu.memory_space<vmem>>[vector<16xi32>], vector<16xf32>,
        %add3A_113 = arith.addf %gather3A, %gather3A_112 : vector<16xf32>
        %get3A_114 = arith.index_cast %mul3A_108 : i32 to index
        %get3A_115 = tpu.vector_load %arg20[%get3A_114] {strides = array<i32>} : memref<3200xf32, #tpu.memory_space<vmem>>, vector<16xf32>,
        %add3A_116 = arith.addf %add3A_113, %get3A_115 : vector<16xf32>
        %ge3A = arith.constant 0.000000e+00 : f32
        %ge3A_117 = vector.broadcast %ge3A : f32 to vector<16xf32>
        %ge3A_118 = arith.cmpf oge, %add3A_116, %ge3A_117 : vector<16xf32>
        %mul3A_119 = arith.constant 2.000000e-01 : f32
        %mul3A_120 = vector.broadcast %mul3A_119 : f32 to vector<16xf32>
        %mul3A_121 = arith.mulf %mul3A_120, %add3A_116 : vector<16xf32>
        %select_n3A = arith.select %ge3A_118, %add3A_116, %mul3A_121 : vector<16xi1>, vector<16xf32>
        %exp3A = math.exp %select_n3A : vector<16xf32>
        %add3A_122 = arith.constant 0 : i32
        %add3A_123 = vector.broadcast %add3A_122 : i32 to vector<16xi32>
        %add3A_124 = arith.addi %get3A_109, %add3A_123 : vector<16xi32>
        %gather3A_125 = tpu.vector_load_idx %arg10[%add3A_124] : memref<40000xf32, #tpu.memory_space<vmem>>[vector<16xi32>], vector<16xf32>,
        %add3A_126 = arith.constant 0 : i32
        %add3A_127 = vector.broadcast %add3A_126 : i32 to vector<16xi32>
        %add3A_128 = arith.addi %get3A_111, %add3A_127 : vector<16xi32>
        %mul3A_129 = arith.mulf %gather3A_125, %exp3A : vector<16xf32>
        tpu.vector_store_idx %arg11[%add3A_128], %mul3A_129 {add = true} : memref<40000xf32, #tpu.memory_space<vmem>>[vector<16xi32>], vector<16xf32>,
        %add3A_130 = arith.constant 10000 : i32
        %add3A_131 = vector.broadcast %add3A_130 : i32 to vector<16xi32>
        %add3A_132 = arith.addi %get3A_109, %add3A_131 : vector<16xi32>
        %gather3A_133 = tpu.vector_load_idx %arg10[%add3A_132] : memref<40000xf32, #tpu.memory_space<vmem>>[vector<16xi32>], vector<16xf32>,
        %add3A_134 = arith.constant 10000 : i32
        %add3A_135 = vector.broadcast %add3A_134 : i32 to vector<16xi32>
        %add3A_136 = arith.addi %get3A_111, %add3A_135 : vector<16xi32>
        %mul3A_137 = arith.mulf %gather3A_133, %exp3A : vector<16xf32>
        tpu.vector_store_idx %arg11[%add3A_136], %mul3A_137 {add = true} : memref<40000xf32, #tpu.memory_space<vmem>>[vector<16xi32>], vector<16xf32>,
        %add3A_138 = arith.constant 20000 : i32
        %add3A_139 = vector.broadcast %add3A_138 : i32 to vector<16xi32>
        %add3A_140 = arith.addi %get3A_109, %add3A_139 : vector<16xi32>
        %gather3A_141 = tpu.vector_load_idx %arg10[%add3A_140] : memref<40000xf32, #tpu.memory_space<vmem>>[vector<16xi32>], vector<16xf32>,
        %add3A_142 = arith.constant 20000 : i32
        %add3A_143 = vector.broadcast %add3A_142 : i32 to vector<16xi32>
        %add3A_144 = arith.addi %get3A_111, %add3A_143 : vector<16xi32>
        %mul3A_145 = arith.mulf %gather3A_141, %exp3A : vector<16xf32>
        tpu.vector_store_idx %arg11[%add3A_144], %mul3A_145 {add = true} : memref<40000xf32, #tpu.memory_space<vmem>>[vector<16xi32>], vector<16xf32>,
        %add3A_146 = arith.constant 30000 : i32
        %add3A_147 = vector.broadcast %add3A_146 : i32 to vector<16xi32>
        %add3A_148 = arith.addi %get3A_109, %add3A_147 : vector<16xi32>
        %gather3A_149 = tpu.vector_load_idx %arg10[%add3A_148] : memref<40000xf32, #tpu.memory_space<vmem>>[vector<16xi32>], vector<16xf32>,
        %add3A_150 = arith.constant 30000 : i32
        %add3A_151 = vector.broadcast %add3A_150 : i32 to vector<16xi32>
        %add3A_152 = arith.addi %get3A_111, %add3A_151 : vector<16xi32>
        %mul3A_153 = arith.mulf %gather3A_149, %exp3A : vector<16xf32>
        tpu.vector_store_idx %arg11[%add3A_152], %mul3A_153 {add = true} : memref<40000xf32, #tpu.memory_space<vmem>>[vector<16xi32>], vector<16xf32>,
        tpu.vector_store_idx %arg14[%get3A_111], %exp3A {add = true} : memref<10000xf32, #tpu.memory_space<vmem>>[vector<16xi32>], vector<16xf32>,
        %scan3A_154 = arith.constant 0 : i32
        scf.yield %scan3A_154 : i32
      }
      %scan3A_103 = arith.constant 200 : i32
      %scan3A_104 = arith.constant 0 : i32
      scf.yield %scan3A_104 : i32
    }
    %scan3A_36 = arith.constant 50 : i32
    %run_scoped3A_37 = arith.constant 0 : i32
    "tpu.region"() ({
      %run_scoped3A_40 = tpu.sem_alloc : memref<!tpu.dma_semaphore, #tpu.memory_space<semaphore_mem>>
      %dma_start3A_41 = arith.constant 0 : i32
      %dma_start3A_42 = tpu.memref_slice %arg8[%add3A, %run_scoped3A_37, %dma_start3A_41] : memref<32x1x40000xf32, #tpu.memory_space<hbm>> -> memref<1x1x40000xf32, #tpu.memory_space<hbm>>
      %dma_start3A_43 = tpu.memref_squeeze %dma_start3A_42 : memref<1x1x40000xf32, #tpu.memory_space<hbm>> -> memref<40000xf32, #tpu.memory_space<hbm>>
      %dma_start3A_44 = arith.constant 0 : i32
      %dma_start3A_45 = tpu.memref_slice %arg8[%add3A, %run_scoped3A_37, %dma_start3A_44] : memref<32x1x40000xf32, #tpu.memory_space<hbm>> -> memref<1x1x40000xf32, #tpu.memory_space<hbm>>
      %dma_start3A_46 = tpu.memref_squeeze %dma_start3A_45 : memref<1x1x40000xf32, #tpu.memory_space<hbm>> -> memref<40000xf32, #tpu.memory_space<hbm>>
      tpu.enqueue_dma source(%arg11 : memref<40000xf32, #tpu.memory_space<vmem>>) target(%dma_start3A_46 : memref<40000xf32, #tpu.memory_space<hbm>>) target_semaphore(%run_scoped3A_40 : memref<!tpu.dma_semaphore, #tpu.memory_space<semaphore_mem>>)
      %dma_wait3A = arith.constant 0 : i32
      %dma_wait3A_47 = tpu.memref_slice %arg8[%add3A, %run_scoped3A_37, %dma_wait3A] : memref<32x1x40000xf32, #tpu.memory_space<hbm>> -> memref<1x1x40000xf32, #tpu.memory_space<hbm>>
      %dma_wait3A_48 = tpu.memref_squeeze %dma_wait3A_47 : memref<1x1x40000xf32, #tpu.memory_space<hbm>> -> memref<40000xf32, #tpu.memory_space<hbm>>
      %dma_wait3A_49 = arith.constant 0 : i32
      %dma_wait3A_50 = tpu.memref_slice %arg8[%add3A, %run_scoped3A_37, %dma_wait3A_49] : memref<32x1x40000xf32, #tpu.memory_space<hbm>> -> memref<1x1x40000xf32, #tpu.memory_space<hbm>>
      %dma_wait3A_51 = tpu.memref_squeeze %dma_wait3A_50 : memref<1x1x40000xf32, #tpu.memory_space<hbm>> -> memref<40000xf32, #tpu.memory_space<hbm>>
      tpu.wait_dma2 semaphore(%run_scoped3A_40 : memref<!tpu.dma_semaphore, #tpu.memory_space<semaphore_mem>>) src(%arg11 : memref<40000xf32, #tpu.memory_space<vmem>>) dst(%dma_wait3A_51 : memref<40000xf32, #tpu.memory_space<hbm>>)
      tpu.yield
    }) : () -> ()
    %eq3A = arith.constant 0 : i32
    %eq3A_38 = arith.cmpi eq, %arg1, %eq3A : i32
    %convert_element_type3A = arith.extui %eq3A_38 : i1 to i32
    %cond3A = arith.constant 0 : i32
    %cond3A_39 = arith.cmpi ne, %convert_element_type3A, %cond3A : i32
    scf.if %cond3A_39 {
      %run_scoped3A_40 = arith.constant 0 : i32
      "tpu.region"() ({
        %run_scoped3A_41 = tpu.sem_alloc : memref<!tpu.dma_semaphore, #tpu.memory_space<semaphore_mem>>
        %dma_start3A_42 = arith.constant 0 : i32
        %dma_start3A_43 = tpu.memref_slice %arg9[%arg0, %run_scoped3A_40, %dma_start3A_42] : memref<2x1x10000xf32, #tpu.memory_space<hbm>> -> memref<1x1x10000xf32, #tpu.memory_space<hbm>>
        %dma_start3A_44 = tpu.memref_squeeze %dma_start3A_43 : memref<1x1x10000xf32, #tpu.memory_space<hbm>> -> memref<10000xf32, #tpu.memory_space<hbm>>
        %dma_start3A_45 = arith.constant 0 : i32
        %dma_start3A_46 = tpu.memref_slice %arg9[%arg0, %run_scoped3A_40, %dma_start3A_45] : memref<2x1x10000xf32, #tpu.memory_space<hbm>> -> memref<1x1x10000xf32, #tpu.memory_space<hbm>>
        %dma_start3A_47 = tpu.memref_squeeze %dma_start3A_46 : memref<1x1x10000xf32, #tpu.memory_space<hbm>> -> memref<10000xf32, #tpu.memory_space<hbm>>
        tpu.enqueue_dma source(%arg14 : memref<10000xf32, #tpu.memory_space<vmem>>) target(%dma_start3A_47 : memref<10000xf32, #tpu.memory_space<hbm>>) target_semaphore(%run_scoped3A_41 : memref<!tpu.dma_semaphore, #tpu.memory_space<semaphore_mem>>)
        %dma_wait3A = arith.constant 0 : i32
        %dma_wait3A_48 = tpu.memref_slice %arg9[%arg0, %run_scoped3A_40, %dma_wait3A] : memref<2x1x10000xf32, #tpu.memory_space<hbm>> -> memref<1x1x10000xf32, #tpu.memory_space<hbm>>
        %dma_wait3A_49 = tpu.memref_squeeze %dma_wait3A_48 : memref<1x1x10000xf32, #tpu.memory_space<hbm>> -> memref<10000xf32, #tpu.memory_space<hbm>>
        %dma_wait3A_50 = arith.constant 0 : i32
        %dma_wait3A_51 = tpu.memref_slice %arg9[%arg0, %run_scoped3A_40, %dma_wait3A_50] : memref<2x1x10000xf32, #tpu.memory_space<hbm>> -> memref<1x1x10000xf32, #tpu.memory_space<hbm>>
        %dma_wait3A_52 = tpu.memref_squeeze %dma_wait3A_51 : memref<1x1x10000xf32, #tpu.memory_space<hbm>> -> memref<10000xf32, #tpu.memory_space<hbm>>
        tpu.wait_dma2 semaphore(%run_scoped3A_41 : memref<!tpu.dma_semaphore, #tpu.memory_space<semaphore_mem>>) src(%arg14 : memref<10000xf32, #tpu.memory_space<vmem>>) dst(%dma_wait3A_52 : memref<10000xf32, #tpu.memory_space<hbm>>)
        tpu.yield
      }) : () -> ()
    } else {
    }
    return
  }
}

#map = affine_map<(d0, d1) -> (0, 0, 0)>
#map1 = affine_map<(d0, d1) -> (0)>
module attributes {stable_mosaic.version = 14 : i64} {
  func.func @_sc_layer3_body(%arg0: i32, %arg1: i32, %arg2: memref<10x1x10240xf32, #tpu.memory_space<hbm>>, %arg3: memref<1x1x10240xf32, #tpu.memory_space<hbm>>, %arg4: memref<1x1x10240xf32, #tpu.memory_space<hbm>>, %arg5: memref<1x1x320000xf32, #tpu.memory_space<hbm>>, %arg6: memref<320000xi32, #tpu.memory_space<hbm>>, %arg7: memref<320000xi32, #tpu.memory_space<hbm>>, %arg8: memref<20x1x10240xf32, #tpu.memory_space<hbm>>, %arg9: memref<2x1x10240xf32, #tpu.memory_space<hbm>>, %arg10: memref<10240xf32, #tpu.memory_space<vmem>>, %arg11: memref<10240xf32, #tpu.memory_space<vmem>>, %arg12: memref<10240xf32, #tpu.memory_space<vmem>>, %arg13: memref<10240xf32, #tpu.memory_space<vmem>>, %arg14: memref<3200xi32, #tpu.memory_space<vmem>>, %arg15: memref<3200xi32, #tpu.memory_space<vmem>>, %arg16: memref<3200xf32, #tpu.memory_space<vmem>>) attributes {dimension_semantics = [#tpu.dimension_semantics<core_parallel>, #tpu.dimension_semantics<subcore_parallel>], iteration_bounds = array<i64: 2, 16>, scalar_prefetch = 0 : i64, scratch_operands = 7 : i64, tpu.core_type = #tpu.core_type<sc_vector_subcore>, window_params = [{transform_indices = #map}, {transform_indices = #map}, {transform_indices = #map}, {transform_indices = #map}, {transform_indices = #map1}, {transform_indices = #map1}, {transform_indices = #map}, {transform_indices = #map}]} {
    %le3A = arith.constant 10 : i32
    %le3A_0 = arith.cmpi sle, %arg1, %le3A : i32
    %convert_element_type3A = arith.extui %le3A_0 : i1 to i32
    %cond3A = arith.constant 0 : i32
    %cond3A_1 = arith.cmpi ne, %convert_element_type3A, %cond3A : i32
    scf.if %cond3A_1 {
      %min3A = arith.constant 9 : i32
      %min3A_2 = arith.minsi %arg1, %min3A : i32
      %eq3A = arith.constant 10 : i32
      %eq3A_3 = arith.cmpi eq, %arg1, %eq3A : i32
      %run_scoped3A = arith.constant 0 : i32
      "tpu.region"() ({
        %run_scoped3A_29 = tpu.sem_alloc : memref<!tpu.dma_semaphore, #tpu.memory_space<semaphore_mem>>
        %dma_start3A = arith.constant 0 : i32
        %dma_start3A_30 = tpu.memref_slice %arg2[%min3A_2, %run_scoped3A, %dma_start3A] : memref<10x1x10240xf32, #tpu.memory_space<hbm>> -> memref<1x1x10240xf32, #tpu.memory_space<hbm>>
        %dma_start3A_31 = tpu.memref_squeeze %dma_start3A_30 : memref<1x1x10240xf32, #tpu.memory_space<hbm>> -> memref<10240xf32, #tpu.memory_space<hbm>>
        %dma_start3A_32 = arith.constant 0 : i32
        %dma_start3A_33 = tpu.memref_slice %arg2[%min3A_2, %run_scoped3A, %dma_start3A_32] : memref<10x1x10240xf32, #tpu.memory_space<hbm>> -> memref<1x1x10240xf32, #tpu.memory_space<hbm>>
        %dma_start3A_34 = tpu.memref_squeeze %dma_start3A_33 : memref<1x1x10240xf32, #tpu.memory_space<hbm>> -> memref<10240xf32, #tpu.memory_space<hbm>>
        tpu.enqueue_dma source(%dma_start3A_34 : memref<10240xf32, #tpu.memory_space<hbm>>) target(%arg10 : memref<10240xf32, #tpu.memory_space<vmem>>) target_semaphore(%run_scoped3A_29 : memref<!tpu.dma_semaphore, #tpu.memory_space<semaphore_mem>>)
        %dma_wait3A = arith.constant 0 : i32
        %dma_wait3A_35 = tpu.memref_slice %arg2[%min3A_2, %run_scoped3A, %dma_wait3A] : memref<10x1x10240xf32, #tpu.memory_space<hbm>> -> memref<1x1x10240xf32, #tpu.memory_space<hbm>>
        %dma_wait3A_36 = tpu.memref_squeeze %dma_wait3A_35 : memref<1x1x10240xf32, #tpu.memory_space<hbm>> -> memref<10240xf32, #tpu.memory_space<hbm>>
        %dma_wait3A_37 = arith.constant 0 : i32
        %dma_wait3A_38 = tpu.memref_slice %arg2[%min3A_2, %run_scoped3A, %dma_wait3A_37] : memref<10x1x10240xf32, #tpu.memory_space<hbm>> -> memref<1x1x10240xf32, #tpu.memory_space<hbm>>
        %dma_wait3A_39 = tpu.memref_squeeze %dma_wait3A_38 : memref<1x1x10240xf32, #tpu.memory_space<hbm>> -> memref<10240xf32, #tpu.memory_space<hbm>>
        tpu.wait_dma2 semaphore(%run_scoped3A_29 : memref<!tpu.dma_semaphore, #tpu.memory_space<semaphore_mem>>) src(%dma_wait3A_39 : memref<10240xf32, #tpu.memory_space<hbm>>) dst(%arg10 : memref<10240xf32, #tpu.memory_space<vmem>>)
        tpu.yield
      }) : () -> ()
      %run_scoped3A_4 = arith.constant 0 : i32
      %run_scoped3A_5 = arith.constant 0 : i32
      "tpu.region"() ({
        %run_scoped3A_29 = tpu.sem_alloc : memref<!tpu.dma_semaphore, #tpu.memory_space<semaphore_mem>>
        %dma_start3A = arith.constant 0 : i32
        %dma_start3A_30 = tpu.memref_slice %arg3[%run_scoped3A_4, %run_scoped3A_5, %dma_start3A] : memref<1x1x10240xf32, #tpu.memory_space<hbm>> -> memref<1x1x10240xf32, #tpu.memory_space<hbm>>
        %dma_start3A_31 = tpu.memref_squeeze %dma_start3A_30 : memref<1x1x10240xf32, #tpu.memory_space<hbm>> -> memref<10240xf32, #tpu.memory_space<hbm>>
        %dma_start3A_32 = arith.constant 0 : i32
        %dma_start3A_33 = tpu.memref_slice %arg3[%run_scoped3A_4, %run_scoped3A_5, %dma_start3A_32] : memref<1x1x10240xf32, #tpu.memory_space<hbm>> -> memref<1x1x10240xf32, #tpu.memory_space<hbm>>
        %dma_start3A_34 = tpu.memref_squeeze %dma_start3A_33 : memref<1x1x10240xf32, #tpu.memory_space<hbm>> -> memref<10240xf32, #tpu.memory_space<hbm>>
        tpu.enqueue_dma source(%dma_start3A_34 : memref<10240xf32, #tpu.memory_space<hbm>>) target(%arg12 : memref<10240xf32, #tpu.memory_space<vmem>>) target_semaphore(%run_scoped3A_29 : memref<!tpu.dma_semaphore, #tpu.memory_space<semaphore_mem>>)
        %dma_wait3A = arith.constant 0 : i32
        %dma_wait3A_35 = tpu.memref_slice %arg3[%run_scoped3A_4, %run_scoped3A_5, %dma_wait3A] : memref<1x1x10240xf32, #tpu.memory_space<hbm>> -> memref<1x1x10240xf32, #tpu.memory_space<hbm>>
        %dma_wait3A_36 = tpu.memref_squeeze %dma_wait3A_35 : memref<1x1x10240xf32, #tpu.memory_space<hbm>> -> memref<10240xf32, #tpu.memory_space<hbm>>
        %dma_wait3A_37 = arith.constant 0 : i32
        %dma_wait3A_38 = tpu.memref_slice %arg3[%run_scoped3A_4, %run_scoped3A_5, %dma_wait3A_37] : memref<1x1x10240xf32, #tpu.memory_space<hbm>> -> memref<1x1x10240xf32, #tpu.memory_space<hbm>>
        %dma_wait3A_39 = tpu.memref_squeeze %dma_wait3A_38 : memref<1x1x10240xf32, #tpu.memory_space<hbm>> -> memref<10240xf32, #tpu.memory_space<hbm>>
        tpu.wait_dma2 semaphore(%run_scoped3A_29 : memref<!tpu.dma_semaphore, #tpu.memory_space<semaphore_mem>>) src(%dma_wait3A_39 : memref<10240xf32, #tpu.memory_space<hbm>>) dst(%arg12 : memref<10240xf32, #tpu.memory_space<vmem>>)
        tpu.yield
      }) : () -> ()
      %run_scoped3A_6 = arith.constant 0 : i32
      %run_scoped3A_7 = arith.constant 0 : i32
      "tpu.region"() ({
        %run_scoped3A_29 = tpu.sem_alloc : memref<!tpu.dma_semaphore, #tpu.memory_space<semaphore_mem>>
        %dma_start3A = arith.constant 0 : i32
        %dma_start3A_30 = tpu.memref_slice %arg4[%run_scoped3A_6, %run_scoped3A_7, %dma_start3A] : memref<1x1x10240xf32, #tpu.memory_space<hbm>> -> memref<1x1x10240xf32, #tpu.memory_space<hbm>>
        %dma_start3A_31 = tpu.memref_squeeze %dma_start3A_30 : memref<1x1x10240xf32, #tpu.memory_space<hbm>> -> memref<10240xf32, #tpu.memory_space<hbm>>
        %dma_start3A_32 = arith.constant 0 : i32
        %dma_start3A_33 = tpu.memref_slice %arg4[%run_scoped3A_6, %run_scoped3A_7, %dma_start3A_32] : memref<1x1x10240xf32, #tpu.memory_space<hbm>> -> memref<1x1x10240xf32, #tpu.memory_space<hbm>>
        %dma_start3A_34 = tpu.memref_squeeze %dma_start3A_33 : memref<1x1x10240xf32, #tpu.memory_space<hbm>> -> memref<10240xf32, #tpu.memory_space<hbm>>
        tpu.enqueue_dma source(%dma_start3A_34 : memref<10240xf32, #tpu.memory_space<hbm>>) target(%arg13 : memref<10240xf32, #tpu.memory_space<vmem>>) target_semaphore(%run_scoped3A_29 : memref<!tpu.dma_semaphore, #tpu.memory_space<semaphore_mem>>)
        %dma_wait3A = arith.constant 0 : i32
        %dma_wait3A_35 = tpu.memref_slice %arg4[%run_scoped3A_6, %run_scoped3A_7, %dma_wait3A] : memref<1x1x10240xf32, #tpu.memory_space<hbm>> -> memref<1x1x10240xf32, #tpu.memory_space<hbm>>
        %dma_wait3A_36 = tpu.memref_squeeze %dma_wait3A_35 : memref<1x1x10240xf32, #tpu.memory_space<hbm>> -> memref<10240xf32, #tpu.memory_space<hbm>>
        %dma_wait3A_37 = arith.constant 0 : i32
        %dma_wait3A_38 = tpu.memref_slice %arg4[%run_scoped3A_6, %run_scoped3A_7, %dma_wait3A_37] : memref<1x1x10240xf32, #tpu.memory_space<hbm>> -> memref<1x1x10240xf32, #tpu.memory_space<hbm>>
        %dma_wait3A_39 = tpu.memref_squeeze %dma_wait3A_38 : memref<1x1x10240xf32, #tpu.memory_space<hbm>> -> memref<10240xf32, #tpu.memory_space<hbm>>
        tpu.wait_dma2 semaphore(%run_scoped3A_29 : memref<!tpu.dma_semaphore, #tpu.memory_space<semaphore_mem>>) src(%dma_wait3A_39 : memref<10240xf32, #tpu.memory_space<hbm>>) dst(%arg13 : memref<10240xf32, #tpu.memory_space<vmem>>)
        tpu.yield
      }) : () -> ()
      %scan3A = arith.constant 0 : i32
      %scan3A_8 = arith.constant 0 : i32
      %scan3A_9 = arith.constant 640 : i32
      %scan3A_10 = arith.addi %scan3A_8, %scan3A_9 : i32
      %scan3A_11 = arith.constant 1 : i32
      %scan3A_12 = scf.for %scan3A_29 = %scan3A_8 to %scan3A_10 step %scan3A_11 iter_args(%scan3A_30 = %scan3A) -> (i32)  : i32 {
        %broadcast_in_dim3A = arith.constant 0.000000e+00 : f32
        %broadcast_in_dim3A_31 = vector.broadcast %broadcast_in_dim3A : f32 to vector<16xf32>
        %mul3A_32 = arith.constant 16 : i32
        %mul3A_33 = arith.muli %scan3A_29, %mul3A_32 : i32
        %swap3A = arith.index_cast %mul3A_33 : i32 to index
        %swap3A_34 = tpu.vector_load %arg11[%swap3A] {strides = array<i32>} : memref<10240xf32, #tpu.memory_space<vmem>>, vector<16xf32>,
        tpu.vector_store %arg11[%swap3A], %broadcast_in_dim3A_31 {strides = array<i32>} : memref<10240xf32, #tpu.memory_space<vmem>>, vector<16xf32>,
        %scan3A_35 = arith.constant 0 : i32
        scf.yield %scan3A_35 : i32
      }
      %scan3A_13 = arith.constant 640 : i32
      %mul3A = arith.constant 160000 : i32
      %mul3A_14 = arith.muli %arg0, %mul3A : i32
      %scan3A_15 = arith.constant 0 : i32
      %scan3A_16 = arith.constant 0 : i32
      %scan3A_17 = arith.constant 50 : i32
      %scan3A_18 = arith.addi %scan3A_16, %scan3A_17 : i32
      %scan3A_19 = arith.constant 1 : i32
      %scan3A_20 = scf.for %scan3A_29 = %scan3A_16 to %scan3A_18 step %scan3A_19 iter_args(%scan3A_30 = %scan3A_15) -> (i32)  : i32 {
        %mul3A_31 = arith.constant 3200 : i32
        %mul3A_32 = arith.muli %scan3A_29, %mul3A_31 : i32
        %add3A = arith.addi %mul3A_14, %mul3A_32 : i32
        "tpu.region"() ({
          %run_scoped3A_43 = tpu.sem_alloc : memref<!tpu.dma_semaphore, #tpu.memory_space<semaphore_mem>>
          %dma_start3A = tpu.memref_slice %arg6[%add3A] : memref<320000xi32, #tpu.memory_space<hbm>> -> memref<3200xi32, #tpu.memory_space<hbm>>
          %dma_start3A_44 = tpu.memref_slice %arg6[%add3A] : memref<320000xi32, #tpu.memory_space<hbm>> -> memref<3200xi32, #tpu.memory_space<hbm>>
          tpu.enqueue_dma source(%dma_start3A_44 : memref<3200xi32, #tpu.memory_space<hbm>>) target(%arg14 : memref<3200xi32, #tpu.memory_space<vmem>>) target_semaphore(%run_scoped3A_43 : memref<!tpu.dma_semaphore, #tpu.memory_space<semaphore_mem>>)
          %dma_wait3A = tpu.memref_slice %arg6[%add3A] : memref<320000xi32, #tpu.memory_space<hbm>> -> memref<3200xi32, #tpu.memory_space<hbm>>
          %dma_wait3A_45 = tpu.memref_slice %arg6[%add3A] : memref<320000xi32, #tpu.memory_space<hbm>> -> memref<3200xi32, #tpu.memory_space<hbm>>
          tpu.wait_dma2 semaphore(%run_scoped3A_43 : memref<!tpu.dma_semaphore, #tpu.memory_space<semaphore_mem>>) src(%dma_wait3A_45 : memref<3200xi32, #tpu.memory_space<hbm>>) dst(%arg14 : memref<3200xi32, #tpu.memory_space<vmem>>)
          tpu.yield
        }) : () -> ()
        "tpu.region"() ({
          %run_scoped3A_43 = tpu.sem_alloc : memref<!tpu.dma_semaphore, #tpu.memory_space<semaphore_mem>>
          %dma_start3A = tpu.memref_slice %arg7[%add3A] : memref<320000xi32, #tpu.memory_space<hbm>> -> memref<3200xi32, #tpu.memory_space<hbm>>
          %dma_start3A_44 = tpu.memref_slice %arg7[%add3A] : memref<320000xi32, #tpu.memory_space<hbm>> -> memref<3200xi32, #tpu.memory_space<hbm>>
          tpu.enqueue_dma source(%dma_start3A_44 : memref<3200xi32, #tpu.memory_space<hbm>>) target(%arg15 : memref<3200xi32, #tpu.memory_space<vmem>>) target_semaphore(%run_scoped3A_43 : memref<!tpu.dma_semaphore, #tpu.memory_space<semaphore_mem>>)
          %dma_wait3A = tpu.memref_slice %arg7[%add3A] : memref<320000xi32, #tpu.memory_space<hbm>> -> memref<3200xi32, #tpu.memory_space<hbm>>
          %dma_wait3A_45 = tpu.memref_slice %arg7[%add3A] : memref<320000xi32, #tpu.memory_space<hbm>> -> memref<3200xi32, #tpu.memory_space<hbm>>
          tpu.wait_dma2 semaphore(%run_scoped3A_43 : memref<!tpu.dma_semaphore, #tpu.memory_space<semaphore_mem>>) src(%dma_wait3A_45 : memref<3200xi32, #tpu.memory_space<hbm>>) dst(%arg15 : memref<3200xi32, #tpu.memory_space<vmem>>)
          tpu.yield
        }) : () -> ()
        %run_scoped3A_33 = arith.constant 0 : i32
        %run_scoped3A_34 = arith.constant 0 : i32
        "tpu.region"() ({
          %run_scoped3A_43 = tpu.sem_alloc : memref<!tpu.dma_semaphore, #tpu.memory_space<semaphore_mem>>
          %dma_start3A = tpu.memref_slice %arg5[%run_scoped3A_33, %run_scoped3A_34, %add3A] : memref<1x1x320000xf32, #tpu.memory_space<hbm>> -> memref<1x1x3200xf32, #tpu.memory_space<hbm>>
          %dma_start3A_44 = tpu.memref_squeeze %dma_start3A : memref<1x1x3200xf32, #tpu.memory_space<hbm>> -> memref<3200xf32, #tpu.memory_space<hbm>>
          %dma_start3A_45 = tpu.memref_slice %arg5[%run_scoped3A_33, %run_scoped3A_34, %add3A] : memref<1x1x320000xf32, #tpu.memory_space<hbm>> -> memref<1x1x3200xf32, #tpu.memory_space<hbm>>
          %dma_start3A_46 = tpu.memref_squeeze %dma_start3A_45 : memref<1x1x3200xf32, #tpu.memory_space<hbm>> -> memref<3200xf32, #tpu.memory_space<hbm>>
          tpu.enqueue_dma source(%dma_start3A_46 : memref<3200xf32, #tpu.memory_space<hbm>>) target(%arg16 : memref<3200xf32, #tpu.memory_space<vmem>>) target_semaphore(%run_scoped3A_43 : memref<!tpu.dma_semaphore, #tpu.memory_space<semaphore_mem>>)
          %dma_wait3A = tpu.memref_slice %arg5[%run_scoped3A_33, %run_scoped3A_34, %add3A] : memref<1x1x320000xf32, #tpu.memory_space<hbm>> -> memref<1x1x3200xf32, #tpu.memory_space<hbm>>
          %dma_wait3A_47 = tpu.memref_squeeze %dma_wait3A : memref<1x1x3200xf32, #tpu.memory_space<hbm>> -> memref<3200xf32, #tpu.memory_space<hbm>>
          %dma_wait3A_48 = tpu.memref_slice %arg5[%run_scoped3A_33, %run_scoped3A_34, %add3A] : memref<1x1x320000xf32, #tpu.memory_space<hbm>> -> memref<1x1x3200xf32, #tpu.memory_space<hbm>>
          %dma_wait3A_49 = tpu.memref_squeeze %dma_wait3A_48 : memref<1x1x3200xf32, #tpu.memory_space<hbm>> -> memref<3200xf32, #tpu.memory_space<hbm>>
          tpu.wait_dma2 semaphore(%run_scoped3A_43 : memref<!tpu.dma_semaphore, #tpu.memory_space<semaphore_mem>>) src(%dma_wait3A_49 : memref<3200xf32, #tpu.memory_space<hbm>>) dst(%arg16 : memref<3200xf32, #tpu.memory_space<vmem>>)
          tpu.yield
        }) : () -> ()
        %scan3A_35 = arith.constant 0 : i32
        %scan3A_36 = arith.constant 0 : i32
        %scan3A_37 = arith.constant 200 : i32
        %scan3A_38 = arith.addi %scan3A_36, %scan3A_37 : i32
        %scan3A_39 = arith.constant 1 : i32
        %scan3A_40 = scf.for %scan3A_43 = %scan3A_36 to %scan3A_38 step %scan3A_39 iter_args(%scan3A_44 = %scan3A_35) -> (i32)  : i32 {
          %mul3A_45 = arith.constant 16 : i32
          %mul3A_46 = arith.muli %scan3A_43, %mul3A_45 : i32
          %get3A = arith.index_cast %mul3A_46 : i32 to index
          %get3A_47 = tpu.vector_load %arg14[%get3A] {strides = array<i32>} : memref<3200xi32, #tpu.memory_space<vmem>>, vector<16xi32>,
          %get3A_48 = arith.index_cast %mul3A_46 : i32 to index
          %get3A_49 = tpu.vector_load %arg15[%get3A_48] {strides = array<i32>} : memref<3200xi32, #tpu.memory_space<vmem>>, vector<16xi32>,
          %gather3A = tpu.vector_load_idx %arg12[%get3A_47] : memref<10240xf32, #tpu.memory_space<vmem>>[vector<16xi32>], vector<16xf32>,
          %gather3A_50 = tpu.vector_load_idx %arg13[%get3A_49] : memref<10240xf32, #tpu.memory_space<vmem>>[vector<16xi32>], vector<16xf32>,
          %add3A_51 = arith.addf %gather3A, %gather3A_50 : vector<16xf32>
          %get3A_52 = arith.index_cast %mul3A_46 : i32 to index
          %get3A_53 = tpu.vector_load %arg16[%get3A_52] {strides = array<i32>} : memref<3200xf32, #tpu.memory_space<vmem>>, vector<16xf32>,
          %add3A_54 = arith.addf %add3A_51, %get3A_53 : vector<16xf32>
          %ge3A = arith.constant 0.000000e+00 : f32
          %ge3A_55 = vector.broadcast %ge3A : f32 to vector<16xf32>
          %ge3A_56 = arith.cmpf oge, %add3A_54, %ge3A_55 : vector<16xf32>
          %mul3A_57 = arith.constant 2.000000e-01 : f32
          %mul3A_58 = vector.broadcast %mul3A_57 : f32 to vector<16xf32>
          %mul3A_59 = arith.mulf %mul3A_58, %add3A_54 : vector<16xf32>
          %select_n3A = arith.select %ge3A_56, %add3A_54, %mul3A_59 : vector<16xi1>, vector<16xf32>
          %exp3A = math.exp %select_n3A : vector<16xf32>
          %gather3A_60 = tpu.vector_load_idx %arg10[%get3A_47] : memref<10240xf32, #tpu.memory_space<vmem>>[vector<16xi32>], vector<16xf32>,
          %mul3A_61 = arith.mulf %gather3A_60, %exp3A : vector<16xf32>
          %select_n3A_62 = arith.select %eq3A_3, %exp3A, %mul3A_61 : vector<16xf32>
          tpu.vector_store_idx %arg11[%get3A_49], %select_n3A_62 {add = true} : memref<10240xf32, #tpu.memory_space<vmem>>[vector<16xi32>], vector<16xf32>,
          %scan3A_63 = arith.constant 0 : i32
          scf.yield %scan3A_63 : i32
        }
        %scan3A_41 = arith.constant 200 : i32
        %scan3A_42 = arith.constant 0 : i32
        scf.yield %scan3A_42 : i32
      }
      %scan3A_21 = arith.constant 50 : i32
      %convert_element_type3A_22 = arith.extui %eq3A_3 : i1 to i32
      %cond3A_23 = arith.constant 0 : i32
      %cond3A_24 = arith.cmpi ne, %convert_element_type3A_22, %cond3A_23 : i32
      scf.if %cond3A_24 {
        %run_scoped3A_29 = arith.constant 0 : i32
        "tpu.region"() ({
          %run_scoped3A_30 = tpu.sem_alloc : memref<!tpu.dma_semaphore, #tpu.memory_space<semaphore_mem>>
          %dma_start3A = arith.constant 0 : i32
          %dma_start3A_31 = tpu.memref_slice %arg9[%arg0, %run_scoped3A_29, %dma_start3A] : memref<2x1x10240xf32, #tpu.memory_space<hbm>> -> memref<1x1x10240xf32, #tpu.memory_space<hbm>>
          %dma_start3A_32 = tpu.memref_squeeze %dma_start3A_31 : memref<1x1x10240xf32, #tpu.memory_space<hbm>> -> memref<10240xf32, #tpu.memory_space<hbm>>
          %dma_start3A_33 = arith.constant 0 : i32
          %dma_start3A_34 = tpu.memref_slice %arg9[%arg0, %run_scoped3A_29, %dma_start3A_33] : memref<2x1x10240xf32, #tpu.memory_space<hbm>> -> memref<1x1x10240xf32, #tpu.memory_space<hbm>>
          %dma_start3A_35 = tpu.memref_squeeze %dma_start3A_34 : memref<1x1x10240xf32, #tpu.memory_space<hbm>> -> memref<10240xf32, #tpu.memory_space<hbm>>
          tpu.enqueue_dma source(%arg11 : memref<10240xf32, #tpu.memory_space<vmem>>) target(%dma_start3A_35 : memref<10240xf32, #tpu.memory_space<hbm>>) target_semaphore(%run_scoped3A_30 : memref<!tpu.dma_semaphore, #tpu.memory_space<semaphore_mem>>)
          %dma_wait3A = arith.constant 0 : i32
          %dma_wait3A_36 = tpu.memref_slice %arg9[%arg0, %run_scoped3A_29, %dma_wait3A] : memref<2x1x10240xf32, #tpu.memory_space<hbm>> -> memref<1x1x10240xf32, #tpu.memory_space<hbm>>
          %dma_wait3A_37 = tpu.memref_squeeze %dma_wait3A_36 : memref<1x1x10240xf32, #tpu.memory_space<hbm>> -> memref<10240xf32, #tpu.memory_space<hbm>>
          %dma_wait3A_38 = arith.constant 0 : i32
          %dma_wait3A_39 = tpu.memref_slice %arg9[%arg0, %run_scoped3A_29, %dma_wait3A_38] : memref<2x1x10240xf32, #tpu.memory_space<hbm>> -> memref<1x1x10240xf32, #tpu.memory_space<hbm>>
          %dma_wait3A_40 = tpu.memref_squeeze %dma_wait3A_39 : memref<1x1x10240xf32, #tpu.memory_space<hbm>> -> memref<10240xf32, #tpu.memory_space<hbm>>
          tpu.wait_dma2 semaphore(%run_scoped3A_30 : memref<!tpu.dma_semaphore, #tpu.memory_space<semaphore_mem>>) src(%arg11 : memref<10240xf32, #tpu.memory_space<vmem>>) dst(%dma_wait3A_40 : memref<10240xf32, #tpu.memory_space<hbm>>)
          tpu.yield
        }) : () -> ()
      } else {
      }
      %not3A = arith.constant true
      %not3A_25 = arith.xori %eq3A_3, %not3A : i1
      %convert_element_type3A_26 = arith.extui %not3A_25 : i1 to i32
      %cond3A_27 = arith.constant 0 : i32
      %cond3A_28 = arith.cmpi ne, %convert_element_type3A_26, %cond3A_27 : i32
      scf.if %cond3A_28 {
        %mul3A_29 = arith.constant 10 : i32
        %mul3A_30 = arith.muli %arg0, %mul3A_29 : i32
        %add3A = arith.addi %mul3A_30, %arg1 : i32
        %run_scoped3A_31 = arith.constant 0 : i32
        "tpu.region"() ({
          %run_scoped3A_32 = tpu.sem_alloc : memref<!tpu.dma_semaphore, #tpu.memory_space<semaphore_mem>>
          %dma_start3A = arith.constant 0 : i32
          %dma_start3A_33 = tpu.memref_slice %arg8[%add3A, %run_scoped3A_31, %dma_start3A] : memref<20x1x10240xf32, #tpu.memory_space<hbm>> -> memref<1x1x10240xf32, #tpu.memory_space<hbm>>
          %dma_start3A_34 = tpu.memref_squeeze %dma_start3A_33 : memref<1x1x10240xf32, #tpu.memory_space<hbm>> -> memref<10240xf32, #tpu.memory_space<hbm>>
          %dma_start3A_35 = arith.constant 0 : i32
          %dma_start3A_36 = tpu.memref_slice %arg8[%add3A, %run_scoped3A_31, %dma_start3A_35] : memref<20x1x10240xf32, #tpu.memory_space<hbm>> -> memref<1x1x10240xf32, #tpu.memory_space<hbm>>
          %dma_start3A_37 = tpu.memref_squeeze %dma_start3A_36 : memref<1x1x10240xf32, #tpu.memory_space<hbm>> -> memref<10240xf32, #tpu.memory_space<hbm>>
          tpu.enqueue_dma source(%arg11 : memref<10240xf32, #tpu.memory_space<vmem>>) target(%dma_start3A_37 : memref<10240xf32, #tpu.memory_space<hbm>>) target_semaphore(%run_scoped3A_32 : memref<!tpu.dma_semaphore, #tpu.memory_space<semaphore_mem>>)
          %dma_wait3A = arith.constant 0 : i32
          %dma_wait3A_38 = tpu.memref_slice %arg8[%add3A, %run_scoped3A_31, %dma_wait3A] : memref<20x1x10240xf32, #tpu.memory_space<hbm>> -> memref<1x1x10240xf32, #tpu.memory_space<hbm>>
          %dma_wait3A_39 = tpu.memref_squeeze %dma_wait3A_38 : memref<1x1x10240xf32, #tpu.memory_space<hbm>> -> memref<10240xf32, #tpu.memory_space<hbm>>
          %dma_wait3A_40 = arith.constant 0 : i32
          %dma_wait3A_41 = tpu.memref_slice %arg8[%add3A, %run_scoped3A_31, %dma_wait3A_40] : memref<20x1x10240xf32, #tpu.memory_space<hbm>> -> memref<1x1x10240xf32, #tpu.memory_space<hbm>>
          %dma_wait3A_42 = tpu.memref_squeeze %dma_wait3A_41 : memref<1x1x10240xf32, #tpu.memory_space<hbm>> -> memref<10240xf32, #tpu.memory_space<hbm>>
          tpu.wait_dma2 semaphore(%run_scoped3A_32 : memref<!tpu.dma_semaphore, #tpu.memory_space<semaphore_mem>>) src(%arg11 : memref<10240xf32, #tpu.memory_space<vmem>>) dst(%dma_wait3A_42 : memref<10240xf32, #tpu.memory_space<hbm>>)
          tpu.yield
        }) : () -> ()
      } else {
      }
    } else {
    }
    return
  }
}

module attributes {stable_mosaic.version = 14 : i64} {
  func.func @body(%arg0: i32, %arg1: memref<2048x128xf32, #tpu.memory_space<vmem>>, %arg2: memref<128x128xf32, #tpu.memory_space<vmem>>, %arg3: memref<2x64xf32, #tpu.memory_space<vmem>>, %arg4: memref<2x64xf32, #tpu.memory_space<vmem>>, %arg5: memref<128x2048xf32, #tpu.memory_space<vmem>>, %arg6: memref<2x2048xf32, #tpu.memory_space<vmem>>, %arg7: memref<2x2048xf32, #tpu.memory_space<vmem>>) attributes {dimension_semantics = [#tpu.dimension_semantics<arbitrary>], iteration_bounds = array<i64: 5>, scalar_prefetch = 0 : i64, scratch_operands = 0 : i64, tpu.core_type = #tpu.core_type<tc>, window_params = [{transform_indices = @transform_0, window_bounds = array<i64: 2048, 128>}, {pipeline_mode = #tpu.pipeline_mode<synchronous>, transform_indices = @transform_1, window_bounds = array<i64: 128, 128>}, {pipeline_mode = #tpu.pipeline_mode<synchronous>, transform_indices = @transform_2, window_bounds = array<i64: 2, 64>}, {pipeline_mode = #tpu.pipeline_mode<synchronous>, transform_indices = @transform_3, window_bounds = array<i64: 2, 64>}, {transform_indices = @transform_4, window_bounds = array<i64: 128, 2048>}, {transform_indices = @transform_5, window_bounds = array<i64: 2, 2048>}, {transform_indices = @transform_6, window_bounds = array<i64: 2, 2048>}]} {
    %get3A = arith.constant 0 : index
    %get3A_0 = arith.constant 0 : index
    %get3A_1 = vector.load %arg1[%get3A, %get3A_0] : memref<2048x128xf32, #tpu.memory_space<vmem>>, vector<2048x128xf32>
    %get3A_2 = arith.constant 0 : index
    %get3A_3 = arith.constant 0 : index
    %get3A_4 = vector.load %arg2[%get3A_2, %get3A_3] : memref<128x128xf32, #tpu.memory_space<vmem>>, vector<128x128xf32>
    %dot_general3A = arith.constant dense<0.000000e+00> : vector<128x2048xf32>
    %dot_general3A_5 = tpu.matmul %get3A_4, %get3A_1, %dot_general3A {dimension_numbers = #tpu.dot_dimension_numbers<[0], [1], [1], [0], [0, 1, 1, 0], [], []>, transpose_lhs_hint = false} : vector<128x128xf32>, vector<2048x128xf32>, vector<128x2048xf32> -> vector<128x2048xf32>
    %swap3A = arith.constant 0 : index
    %swap3A_6 = arith.constant 0 : index
    %swap3A_7 = vector.load %arg5[%swap3A, %swap3A_6] : memref<128x2048xf32, #tpu.memory_space<vmem>>, vector<128x2048xf32>
    tpu.vector_store %arg5[%swap3A, %swap3A_6], %dot_general3A_5 {strides = array<i32>} : memref<128x2048xf32, #tpu.memory_space<vmem>>, vector<128x2048xf32>,
    %reshape3A = vector.shape_cast %dot_general3A_5 : vector<128x2048xf32> to vector<2x64x2048xf32>
    %get3A_8 = arith.constant 0 : index
    %get3A_9 = arith.constant 0 : index
    %get3A_10 = vector.load %arg3[%get3A_8, %get3A_9] : memref<2x64xf32, #tpu.memory_space<vmem>>, vector<2x64xf32>
    %broadcast_in_dim3A = vector.shape_cast %get3A_10 : vector<2x64xf32> to vector<2x64x1xf32>
    %mul3A = vector.broadcast %broadcast_in_dim3A : vector<2x64x1xf32> to vector<2x64x2048xf32>
    %mul3A_11 = arith.mulf %reshape3A, %mul3A : vector<2x64x2048xf32>
    %reduce_sum3A = arith.constant dense<0.000000e+00> : vector<2x2048xf32>
    %reduce_sum3A_12 = vector.multi_reduction <add>, %mul3A_11, %reduce_sum3A [1] : vector<2x64x2048xf32> to vector<2x2048xf32>
    %swap3A_13 = arith.constant 0 : index
    %swap3A_14 = arith.constant 0 : index
    %swap3A_15 = vector.load %arg6[%swap3A_13, %swap3A_14] : memref<2x2048xf32, #tpu.memory_space<vmem>>, vector<2x2048xf32>
    tpu.vector_store %arg6[%swap3A_13, %swap3A_14], %reduce_sum3A_12 {strides = array<i32>} : memref<2x2048xf32, #tpu.memory_space<vmem>>, vector<2x2048xf32>,
    %get3A_16 = arith.constant 0 : index
    %get3A_17 = arith.constant 0 : index
    %get3A_18 = vector.load %arg4[%get3A_16, %get3A_17] : memref<2x64xf32, #tpu.memory_space<vmem>>, vector<2x64xf32>
    %broadcast_in_dim3A_19 = vector.shape_cast %get3A_18 : vector<2x64xf32> to vector<2x64x1xf32>
    %mul3A_20 = vector.broadcast %broadcast_in_dim3A_19 : vector<2x64x1xf32> to vector<2x64x2048xf32>
    %mul3A_21 = arith.mulf %reshape3A, %mul3A_20 : vector<2x64x2048xf32>
    %reduce_sum3A_22 = arith.constant dense<0.000000e+00> : vector<2x2048xf32>
    %reduce_sum3A_23 = vector.multi_reduction <add>, %mul3A_21, %reduce_sum3A_22 [1] : vector<2x64x2048xf32> to vector<2x2048xf32>
    %swap3A_24 = arith.constant 0 : index
    %swap3A_25 = arith.constant 0 : index
    %swap3A_26 = vector.load %arg7[%swap3A_24, %swap3A_25] : memref<2x2048xf32, #tpu.memory_space<vmem>>, vector<2x2048xf32>
    tpu.vector_store %arg7[%swap3A_24, %swap3A_25], %reduce_sum3A_23 {strides = array<i32>} : memref<2x2048xf32, #tpu.memory_space<vmem>>, vector<2x2048xf32>,
    return
  }
  func.func @transform_0(%arg0: i32) -> (i32, i32) {
    %c0_i32 = arith.constant 0 : i32
    %c0_i32_0 = arith.constant 0 : i32
    return %arg0, %c0_i32 : i32, i32
  }
  func.func @transform_1(%arg0: i32) -> (i32, i32) {
    %c0_i32 = arith.constant 0 : i32
    %c0_i32_0 = arith.constant 0 : i32
    %c0_i32_1 = arith.constant 0 : i32
    return %c0_i32, %c0_i32_0 : i32, i32
  }
  func.func @transform_2(%arg0: i32) -> (i32, i32) {
    %c0_i32 = arith.constant 0 : i32
    %c0_i32_0 = arith.constant 0 : i32
    %c0_i32_1 = arith.constant 0 : i32
    return %c0_i32, %c0_i32_0 : i32, i32
  }
  func.func @transform_3(%arg0: i32) -> (i32, i32) {
    %c0_i32 = arith.constant 0 : i32
    %c0_i32_0 = arith.constant 0 : i32
    %c0_i32_1 = arith.constant 0 : i32
    return %c0_i32, %c0_i32_0 : i32, i32
  }
  func.func @transform_4(%arg0: i32) -> (i32, i32) {
    %c0_i32 = arith.constant 0 : i32
    %c0_i32_0 = arith.constant 0 : i32
    return %c0_i32, %arg0 : i32, i32
  }
  func.func @transform_5(%arg0: i32) -> (i32, i32) {
    %c0_i32 = arith.constant 0 : i32
    %c0_i32_0 = arith.constant 0 : i32
    return %c0_i32, %arg0 : i32, i32
  }
  func.func @transform_6(%arg0: i32) -> (i32, i32) {
    %c0_i32 = arith.constant 0 : i32
    %c0_i32_0 = arith.constant 0 : i32
    return %c0_i32, %arg0 : i32, i32
  }
}

module attributes {stable_mosaic.version = 14 : i64} {
  func.func @body(%arg0: i32, %arg1: memref<2560x16xf32, #tpu.memory_space<vmem>>, %arg2: memref<16x128xf32, #tpu.memory_space<vmem>>, %arg3: memref<1x128xf32, #tpu.memory_space<vmem>>, %arg4: memref<16x128xf32, #tpu.memory_space<vmem>>, %arg5: memref<1x128xf32, #tpu.memory_space<vmem>>, %arg6: memref<16x10xf32, #tpu.memory_space<vmem>>, %arg7: memref<1x10xf32, #tpu.memory_space<vmem>>, %arg8: memref<5x2560xf32, #tpu.memory_space<vmem>>) attributes {dimension_semantics = [#tpu.dimension_semantics<arbitrary>], iteration_bounds = array<i64: 125>, scalar_prefetch = 0 : i64, scratch_operands = 0 : i64, tpu.core_type = #tpu.core_type<tc>, window_params = [{transform_indices = @transform_0, window_bounds = array<i64: 2560, 16>}, {pipeline_mode = #tpu.pipeline_mode<synchronous>, transform_indices = @transform_1, window_bounds = array<i64: 16, 128>}, {pipeline_mode = #tpu.pipeline_mode<synchronous>, transform_indices = @transform_2, window_bounds = array<i64: 1, 128>}, {pipeline_mode = #tpu.pipeline_mode<synchronous>, transform_indices = @transform_3, window_bounds = array<i64: 16, 128>}, {pipeline_mode = #tpu.pipeline_mode<synchronous>, transform_indices = @transform_4, window_bounds = array<i64: 1, 128>}, {pipeline_mode = #tpu.pipeline_mode<synchronous>, transform_indices = @transform_5, window_bounds = array<i64: 16, 10>}, {pipeline_mode = #tpu.pipeline_mode<synchronous>, transform_indices = @transform_6, window_bounds = array<i64: 1, 10>}, {transform_indices = @transform_7, window_bounds = array<i64: 5, 2560>}]} {
    %get3A = arith.constant 0 : index
    %get3A_0 = arith.constant 0 : index
    %get3A_1 = vector.load %arg2[%get3A, %get3A_0] : memref<16x128xf32, #tpu.memory_space<vmem>>, vector<16x128xf32>
    %get3A_2 = arith.constant 0 : index
    %get3A_3 = arith.constant 0 : index
    %get3A_4 = vector.load %arg3[%get3A_2, %get3A_3] : memref<1x128xf32, #tpu.memory_space<vmem>>, vector<1x128xf32>
    %mul3A = vector.broadcast %get3A_4 : vector<1x128xf32> to vector<16x128xf32>
    %mul3A_5 = arith.mulf %get3A_1, %mul3A : vector<16x128xf32>
    %slice3A = vector.extract_strided_slice %mul3A_5 {offsets = [0, 0], sizes = [16, 64], strides = [1, 1]} : vector<16x128xf32> to vector<16x64xf32>
    %reduce_sum3A = arith.constant dense<0.000000e+00> : vector<16xf32>
    %reduce_sum3A_6 = vector.multi_reduction <add>, %slice3A, %reduce_sum3A [1] : vector<16x64xf32> to vector<16xf32>
    %broadcast_in_dim3A = vector.shape_cast %reduce_sum3A_6 : vector<16xf32> to vector<16x1xf32>
    %slice3A_7 = vector.extract_strided_slice %mul3A_5 {offsets = [0, 64], sizes = [16, 64], strides = [1, 1]} : vector<16x128xf32> to vector<16x64xf32>
    %reduce_sum3A_8 = arith.constant dense<0.000000e+00> : vector<16xf32>
    %reduce_sum3A_9 = vector.multi_reduction <add>, %slice3A_7, %reduce_sum3A_8 [1] : vector<16x64xf32> to vector<16xf32>
    %broadcast_in_dim3A_10 = vector.shape_cast %reduce_sum3A_9 : vector<16xf32> to vector<16x1xf32>
    %get3A_11 = arith.constant 0 : index
    %get3A_12 = arith.constant 0 : index
    %get3A_13 = vector.load %arg4[%get3A_11, %get3A_12] : memref<16x128xf32, #tpu.memory_space<vmem>>, vector<16x128xf32>
    %get3A_14 = arith.constant 0 : index
    %get3A_15 = arith.constant 0 : index
    %get3A_16 = vector.load %arg5[%get3A_14, %get3A_15] : memref<1x128xf32, #tpu.memory_space<vmem>>, vector<1x128xf32>
    %mul3A_17 = vector.broadcast %get3A_16 : vector<1x128xf32> to vector<16x128xf32>
    %mul3A_18 = arith.mulf %get3A_13, %mul3A_17 : vector<16x128xf32>
    %slice3A_19 = vector.extract_strided_slice %mul3A_18 {offsets = [0, 0], sizes = [16, 64], strides = [1, 1]} : vector<16x128xf32> to vector<16x64xf32>
    %reduce_sum3A_20 = arith.constant dense<0.000000e+00> : vector<16xf32>
    %reduce_sum3A_21 = vector.multi_reduction <add>, %slice3A_19, %reduce_sum3A_20 [1] : vector<16x64xf32> to vector<16xf32>
    %broadcast_in_dim3A_22 = vector.shape_cast %reduce_sum3A_21 : vector<16xf32> to vector<16x1xf32>
    %slice3A_23 = vector.extract_strided_slice %mul3A_18 {offsets = [0, 64], sizes = [16, 64], strides = [1, 1]} : vector<16x128xf32> to vector<16x64xf32>
    %reduce_sum3A_24 = arith.constant dense<0.000000e+00> : vector<16xf32>
    %reduce_sum3A_25 = vector.multi_reduction <add>, %slice3A_23, %reduce_sum3A_24 [1] : vector<16x64xf32> to vector<16xf32>
    %broadcast_in_dim3A_26 = vector.shape_cast %reduce_sum3A_25 : vector<16xf32> to vector<16x1xf32>
    %get3A_27 = arith.constant 0 : index
    %get3A_28 = arith.constant 0 : index
    %get3A_29 = vector.load %arg6[%get3A_27, %get3A_28] : memref<16x10xf32, #tpu.memory_space<vmem>>, vector<16x10xf32>
    %get3A_30 = arith.constant 0 : index
    %get3A_31 = arith.constant 0 : index
    %get3A_32 = vector.load %arg7[%get3A_30, %get3A_31] : memref<1x10xf32, #tpu.memory_space<vmem>>, vector<1x10xf32>
    %mul3A_33 = vector.broadcast %get3A_32 : vector<1x10xf32> to vector<16x10xf32>
    %mul3A_34 = arith.mulf %get3A_29, %mul3A_33 : vector<16x10xf32>
    %reduce_sum3A_35 = arith.constant dense<0.000000e+00> : vector<16xf32>
    %reduce_sum3A_36 = vector.multi_reduction <add>, %mul3A_34, %reduce_sum3A_35 [1] : vector<16x10xf32> to vector<16xf32>
    %broadcast_in_dim3A_37 = vector.shape_cast %reduce_sum3A_36 : vector<16xf32> to vector<16x1xf32>
    %concatenate3A = tpu.concatenate %broadcast_in_dim3A, %broadcast_in_dim3A_10, %broadcast_in_dim3A_22, %broadcast_in_dim3A_26, %broadcast_in_dim3A_37 in 1 : vector<16x1xf32>, vector<16x1xf32>, vector<16x1xf32>, vector<16x1xf32>, vector<16x1xf32> -> vector<16x5xf32>
    %get3A_38 = arith.constant 0 : index
    %get3A_39 = arith.constant 0 : index
    %get3A_40 = vector.load %arg1[%get3A_38, %get3A_39] : memref<2560x16xf32, #tpu.memory_space<vmem>>, vector<2560x16xf32>
    %dot_general3A = arith.constant dense<0.000000e+00> : vector<5x2560xf32>
    %dot_general3A_41 = tpu.matmul %concatenate3A, %get3A_40, %dot_general3A {dimension_numbers = #tpu.dot_dimension_numbers<[0], [1], [1], [0], [0, 1, 1, 0], [], []>, transpose_lhs_hint = false} : vector<16x5xf32>, vector<2560x16xf32>, vector<5x2560xf32> -> vector<5x2560xf32>
    %swap3A = arith.constant 0 : index
    %swap3A_42 = arith.constant 0 : index
    %swap3A_43 = vector.load %arg8[%swap3A, %swap3A_42] : memref<5x2560xf32, #tpu.memory_space<vmem>>, vector<5x2560xf32>
    tpu.vector_store %arg8[%swap3A, %swap3A_42], %dot_general3A_41 {strides = array<i32>} : memref<5x2560xf32, #tpu.memory_space<vmem>>, vector<5x2560xf32>,
    return
  }
  func.func @transform_0(%arg0: i32) -> (i32, i32) {
    %c0_i32 = arith.constant 0 : i32
    %c0_i32_0 = arith.constant 0 : i32
    return %arg0, %c0_i32 : i32, i32
  }
  func.func @transform_1(%arg0: i32) -> (i32, i32) {
    %c0_i32 = arith.constant 0 : i32
    %c0_i32_0 = arith.constant 0 : i32
    %c0_i32_1 = arith.constant 0 : i32
    return %c0_i32, %c0_i32_0 : i32, i32
  }
  func.func @transform_2(%arg0: i32) -> (i32, i32) {
    %c0_i32 = arith.constant 0 : i32
    %c0_i32_0 = arith.constant 0 : i32
    %c0_i32_1 = arith.constant 0 : i32
    return %c0_i32, %c0_i32_0 : i32, i32
  }
  func.func @transform_3(%arg0: i32) -> (i32, i32) {
    %c0_i32 = arith.constant 0 : i32
    %c0_i32_0 = arith.constant 0 : i32
    %c0_i32_1 = arith.constant 0 : i32
    return %c0_i32, %c0_i32_0 : i32, i32
  }
  func.func @transform_4(%arg0: i32) -> (i32, i32) {
    %c0_i32 = arith.constant 0 : i32
    %c0_i32_0 = arith.constant 0 : i32
    %c0_i32_1 = arith.constant 0 : i32
    return %c0_i32, %c0_i32_0 : i32, i32
  }
  func.func @transform_5(%arg0: i32) -> (i32, i32) {
    %c0_i32 = arith.constant 0 : i32
    %c0_i32_0 = arith.constant 0 : i32
    %c0_i32_1 = arith.constant 0 : i32
    return %c0_i32, %c0_i32_0 : i32, i32
  }
  func.func @transform_6(%arg0: i32) -> (i32, i32) {
    %c0_i32 = arith.constant 0 : i32
    %c0_i32_0 = arith.constant 0 : i32
    %c0_i32_1 = arith.constant 0 : i32
    return %c0_i32, %c0_i32_0 : i32, i32
  }
  func.func @transform_7(%arg0: i32) -> (i32, i32) {
    %c0_i32 = arith.constant 0 : i32
    %c0_i32_0 = arith.constant 0 : i32
    return %c0_i32, %arg0 : i32, i32
  }
}

module attributes {stable_mosaic.version = 14 : i64} {
  func.func @body(%arg0: i32, %arg1: memref<128x2048xf32, #tpu.memory_space<vmem>>, %arg2: memref<2x2048xf32, #tpu.memory_space<vmem>>, %arg3: memref<128x2048xf32, #tpu.memory_space<vmem>>, %arg4: memref<2x2048xf32, #tpu.memory_space<vmem>>, %arg5: memref<2x2048xf32, #tpu.memory_space<vmem>>, %arg6: memref<2x6x2048xf32, #tpu.memory_space<vmem>>, %arg7: memref<128x1xf32, #tpu.memory_space<vmem>>, %arg8: memref<128x128xf32, #tpu.memory_space<vmem>>, %arg9: memref<2x64xf32, #tpu.memory_space<vmem>>, %arg10: memref<2x64xf32, #tpu.memory_space<vmem>>, %arg11: memref<128x2048xf32, #tpu.memory_space<vmem>>, %arg12: memref<2x2048xf32, #tpu.memory_space<vmem>>, %arg13: memref<2x2048xf32, #tpu.memory_space<vmem>>) attributes {dimension_semantics = [#tpu.dimension_semantics<arbitrary>], iteration_bounds = array<i64: 5>, scalar_prefetch = 0 : i64, scratch_operands = 0 : i64, tpu.core_type = #tpu.core_type<tc>, window_params = [{transform_indices = @transform_0, window_bounds = array<i64: 128, 2048>}, {transform_indices = @transform_1, window_bounds = array<i64: 2, 2048>}, {transform_indices = @transform_2, window_bounds = array<i64: 128, 2048>}, {transform_indices = @transform_3, window_bounds = array<i64: 2, 2048>}, {transform_indices = @transform_4, window_bounds = array<i64: 2, 2048>}, {transform_indices = @transform_5, window_bounds = array<i64: 2, 6, 2048>}, {pipeline_mode = #tpu.pipeline_mode<synchronous>, transform_indices = @transform_6, window_bounds = array<i64: 128, 1>}, {pipeline_mode = #tpu.pipeline_mode<synchronous>, transform_indices = @transform_7, window_bounds = array<i64: 128, 128>}, {pipeline_mode = #tpu.pipeline_mode<synchronous>, transform_indices = @transform_8, window_bounds = array<i64: 2, 64>}, {pipeline_mode = #tpu.pipeline_mode<synchronous>, transform_indices = @transform_9, window_bounds = array<i64: 2, 64>}, {transform_indices = @transform_10, window_bounds = array<i64: 128, 2048>}, {transform_indices = @transform_11, window_bounds = array<i64: 2, 2048>}, {transform_indices = @transform_12, window_bounds = array<i64: 2, 2048>}]} {
    %get3A = arith.constant 0 : index
    %get3A_0 = arith.constant 0 : index
    %get3A_1 = arith.constant 0 : index
    %get3A_2 = vector.load %arg6[%get3A, %get3A_0, %get3A_1] : memref<2x6x2048xf32, #tpu.memory_space<vmem>>, vector<2x6x2048xf32>
    %slice3A = vector.extract_strided_slice %get3A_2 {offsets = [0, 0, 0], sizes = [1, 6, 2048], strides = [1, 1, 1]} : vector<2x6x2048xf32> to vector<1x6x2048xf32>
    %squeeze3A = vector.shape_cast %slice3A : vector<1x6x2048xf32> to vector<6x2048xf32>
    %slice3A_3 = vector.extract_strided_slice %get3A_2 {offsets = [1, 0, 0], sizes = [1, 6, 2048], strides = [1, 1, 1]} : vector<2x6x2048xf32> to vector<1x6x2048xf32>
    %squeeze3A_4 = vector.shape_cast %slice3A_3 : vector<1x6x2048xf32> to vector<6x2048xf32>
    %add3A = arith.addf %squeeze3A, %squeeze3A_4 : vector<6x2048xf32>
    %slice3A_5 = vector.extract_strided_slice %add3A {offsets = [0, 0], sizes = [1, 2048], strides = [1, 1]} : vector<6x2048xf32> to vector<1x2048xf32>
    %max3A = arith.constant 1.000000e+00 : f32
    %max3A_6 = vector.broadcast %max3A : f32 to vector<1x2048xf32>
    %max3A_7 = arith.maximumf %slice3A_5, %max3A_6 : vector<1x2048xf32>
    %slice3A_8 = vector.extract_strided_slice %add3A {offsets = [1, 0], sizes = [2, 2048], strides = [1, 1]} : vector<6x2048xf32> to vector<2x2048xf32>
    %div3A = vector.broadcast %max3A_7 : vector<1x2048xf32> to vector<2x2048xf32>
    %div3A_9 = arith.divf %slice3A_8, %div3A : vector<2x2048xf32>
    %get3A_10 = arith.constant 0 : index
    %get3A_11 = arith.constant 0 : index
    %get3A_12 = vector.load %arg4[%get3A_10, %get3A_11] : memref<2x2048xf32, #tpu.memory_space<vmem>>, vector<2x2048xf32>
    %get3A_13 = arith.constant 0 : index
    %get3A_14 = arith.constant 0 : index
    %get3A_15 = vector.load %arg5[%get3A_13, %get3A_14] : memref<2x2048xf32, #tpu.memory_space<vmem>>, vector<2x2048xf32>
    %add3A_16 = arith.addf %get3A_12, %get3A_15 : vector<2x2048xf32>
    %add3A_17 = arith.addf %add3A_16, %div3A_9 : vector<2x2048xf32>
    %ge3A = arith.constant 0.000000e+00 : f32
    %ge3A_18 = vector.broadcast %ge3A : f32 to vector<2x2048xf32>
    %ge3A_19 = arith.cmpf oge, %add3A_17, %ge3A_18 : vector<2x2048xf32>
    %mul3A = arith.constant 2.000000e-01 : f32
    %mul3A_20 = vector.broadcast %mul3A : f32 to vector<2x2048xf32>
    %mul3A_21 = arith.mulf %mul3A_20, %add3A_17 : vector<2x2048xf32>
    %select_n3A = arith.select %ge3A_19, %add3A_17, %mul3A_21 : vector<2x2048xi1>, vector<2x2048xf32>
    %exp3A = math.exp %select_n3A : vector<2x2048xf32>
    %get3A_22 = arith.constant 0 : index
    %get3A_23 = arith.constant 0 : index
    %get3A_24 = vector.load %arg2[%get3A_22, %get3A_23] : memref<2x2048xf32, #tpu.memory_space<vmem>>, vector<2x2048xf32>
    %add3A_25 = arith.addf %get3A_24, %exp3A : vector<2x2048xf32>
    %add3A_26 = arith.constant 1.000000e-16 : f32
    %add3A_27 = vector.broadcast %add3A_26 : f32 to vector<2x2048xf32>
    %add3A_28 = arith.addf %add3A_25, %add3A_27 : vector<2x2048xf32>
    %get3A_29 = arith.constant 0 : index
    %get3A_30 = arith.constant 0 : index
    %get3A_31 = vector.load %arg3[%get3A_29, %get3A_30] : memref<128x2048xf32, #tpu.memory_space<vmem>>, vector<128x2048xf32>
    %reshape3A = vector.shape_cast %get3A_31 : vector<128x2048xf32> to vector<2x64x2048xf32>
    %get3A_32 = arith.constant 0 : index
    %get3A_33 = arith.constant 0 : index
    %get3A_34 = vector.load %arg1[%get3A_32, %get3A_33] : memref<128x2048xf32, #tpu.memory_space<vmem>>, vector<128x2048xf32>
    %reshape3A_35 = vector.shape_cast %get3A_34 : vector<128x2048xf32> to vector<2x64x2048xf32>
    %broadcast_in_dim3A = vector.shape_cast %exp3A : vector<2x2048xf32> to vector<2x1x2048xf32>
    %mul3A_36 = vector.broadcast %broadcast_in_dim3A : vector<2x1x2048xf32> to vector<2x64x2048xf32>
    %mul3A_37 = arith.mulf %mul3A_36, %reshape3A : vector<2x64x2048xf32>
    %add3A_38 = arith.addf %reshape3A_35, %mul3A_37 : vector<2x64x2048xf32>
    %broadcast_in_dim3A_39 = vector.shape_cast %add3A_28 : vector<2x2048xf32> to vector<2x1x2048xf32>
    %div3A_40 = vector.broadcast %broadcast_in_dim3A_39 : vector<2x1x2048xf32> to vector<2x64x2048xf32>
    %div3A_41 = arith.divf %add3A_38, %div3A_40 : vector<2x64x2048xf32>
    %reshape3A_42 = vector.shape_cast %div3A_41 : vector<2x64x2048xf32> to vector<128x2048xf32>
    %get3A_43 = arith.constant 0 : index
    %get3A_44 = arith.constant 0 : index
    %get3A_45 = vector.load %arg7[%get3A_43, %get3A_44] : memref<128x1xf32, #tpu.memory_space<vmem>>, vector<128x1xf32>
    %add3A_46 = vector.broadcast %get3A_45 : vector<128x1xf32> to vector<128x2048xf32>
    %add3A_47 = arith.addf %reshape3A_42, %add3A_46 : vector<128x2048xf32>
    %max3A_48 = arith.constant 0.000000e+00 : f32
    %max3A_49 = vector.broadcast %max3A_48 : f32 to vector<128x2048xf32>
    %max3A_50 = arith.maximumf %add3A_47, %max3A_49 : vector<128x2048xf32>
    %get3A_51 = arith.constant 0 : index
    %get3A_52 = arith.constant 0 : index
    %get3A_53 = vector.load %arg8[%get3A_51, %get3A_52] : memref<128x128xf32, #tpu.memory_space<vmem>>, vector<128x128xf32>
    %dot_general3A = arith.constant dense<0.000000e+00> : vector<128x2048xf32>
    %dot_general3A_54 = tpu.matmul %get3A_53, %max3A_50, %dot_general3A {dimension_numbers = #tpu.dot_dimension_numbers<[0], [0], [1], [1], [0, 1, 1, 1], [], []>, transpose_lhs_hint = false} : vector<128x128xf32>, vector<128x2048xf32>, vector<128x2048xf32> -> vector<128x2048xf32>
    %swap3A = arith.constant 0 : index
    %swap3A_55 = arith.constant 0 : index
    %swap3A_56 = vector.load %arg11[%swap3A, %swap3A_55] : memref<128x2048xf32, #tpu.memory_space<vmem>>, vector<128x2048xf32>
    tpu.vector_store %arg11[%swap3A, %swap3A_55], %dot_general3A_54 {strides = array<i32>} : memref<128x2048xf32, #tpu.memory_space<vmem>>, vector<128x2048xf32>,
    %reshape3A_57 = vector.shape_cast %dot_general3A_54 : vector<128x2048xf32> to vector<2x64x2048xf32>
    %get3A_58 = arith.constant 0 : index
    %get3A_59 = arith.constant 0 : index
    %get3A_60 = vector.load %arg9[%get3A_58, %get3A_59] : memref<2x64xf32, #tpu.memory_space<vmem>>, vector<2x64xf32>
    %broadcast_in_dim3A_61 = vector.shape_cast %get3A_60 : vector<2x64xf32> to vector<2x64x1xf32>
    %mul3A_62 = vector.broadcast %broadcast_in_dim3A_61 : vector<2x64x1xf32> to vector<2x64x2048xf32>
    %mul3A_63 = arith.mulf %reshape3A_57, %mul3A_62 : vector<2x64x2048xf32>
    %reduce_sum3A = arith.constant dense<0.000000e+00> : vector<2x2048xf32>
    %reduce_sum3A_64 = vector.multi_reduction <add>, %mul3A_63, %reduce_sum3A [1] : vector<2x64x2048xf32> to vector<2x2048xf32>
    %swap3A_65 = arith.constant 0 : index
    %swap3A_66 = arith.constant 0 : index
    %swap3A_67 = vector.load %arg12[%swap3A_65, %swap3A_66] : memref<2x2048xf32, #tpu.memory_space<vmem>>, vector<2x2048xf32>
    tpu.vector_store %arg12[%swap3A_65, %swap3A_66], %reduce_sum3A_64 {strides = array<i32>} : memref<2x2048xf32, #tpu.memory_space<vmem>>, vector<2x2048xf32>,
    %get3A_68 = arith.constant 0 : index
    %get3A_69 = arith.constant 0 : index
    %get3A_70 = vector.load %arg10[%get3A_68, %get3A_69] : memref<2x64xf32, #tpu.memory_space<vmem>>, vector<2x64xf32>
    %broadcast_in_dim3A_71 = vector.shape_cast %get3A_70 : vector<2x64xf32> to vector<2x64x1xf32>
    %mul3A_72 = vector.broadcast %broadcast_in_dim3A_71 : vector<2x64x1xf32> to vector<2x64x2048xf32>
    %mul3A_73 = arith.mulf %reshape3A_57, %mul3A_72 : vector<2x64x2048xf32>
    %reduce_sum3A_74 = arith.constant dense<0.000000e+00> : vector<2x2048xf32>
    %reduce_sum3A_75 = vector.multi_reduction <add>, %mul3A_73, %reduce_sum3A_74 [1] : vector<2x64x2048xf32> to vector<2x2048xf32>
    %swap3A_76 = arith.constant 0 : index
    %swap3A_77 = arith.constant 0 : index
    %swap3A_78 = vector.load %arg13[%swap3A_76, %swap3A_77] : memref<2x2048xf32, #tpu.memory_space<vmem>>, vector<2x2048xf32>
    tpu.vector_store %arg13[%swap3A_76, %swap3A_77], %reduce_sum3A_75 {strides = array<i32>} : memref<2x2048xf32, #tpu.memory_space<vmem>>, vector<2x2048xf32>,
    return
  }
  func.func @transform_0(%arg0: i32) -> (i32, i32) {
    %c0_i32 = arith.constant 0 : i32
    %c0_i32_0 = arith.constant 0 : i32
    return %c0_i32, %arg0 : i32, i32
  }
  func.func @transform_1(%arg0: i32) -> (i32, i32) {
    %c0_i32 = arith.constant 0 : i32
    %c0_i32_0 = arith.constant 0 : i32
    return %c0_i32, %arg0 : i32, i32
  }
  func.func @transform_2(%arg0: i32) -> (i32, i32) {
    %c0_i32 = arith.constant 0 : i32
    %c0_i32_0 = arith.constant 0 : i32
    return %c0_i32, %arg0 : i32, i32
  }
  func.func @transform_3(%arg0: i32) -> (i32, i32) {
    %c0_i32 = arith.constant 0 : i32
    %c0_i32_0 = arith.constant 0 : i32
    return %c0_i32, %arg0 : i32, i32
  }
  func.func @transform_4(%arg0: i32) -> (i32, i32) {
    %c0_i32 = arith.constant 0 : i32
    %c0_i32_0 = arith.constant 0 : i32
    return %c0_i32, %arg0 : i32, i32
  }
  func.func @transform_5(%arg0: i32) -> (i32, i32, i32) {
    %c0_i32 = arith.constant 0 : i32
    %c0_i32_0 = arith.constant 0 : i32
    %c0_i32_1 = arith.constant 0 : i32
    return %c0_i32, %c0_i32_0, %arg0 : i32, i32, i32
  }
  func.func @transform_6(%arg0: i32) -> (i32, i32) {
    %c0_i32 = arith.constant 0 : i32
    %c0_i32_0 = arith.constant 0 : i32
    %c0_i32_1 = arith.constant 0 : i32
    return %c0_i32, %c0_i32_0 : i32, i32
  }
  func.func @transform_7(%arg0: i32) -> (i32, i32) {
    %c0_i32 = arith.constant 0 : i32
    %c0_i32_0 = arith.constant 0 : i32
    %c0_i32_1 = arith.constant 0 : i32
    return %c0_i32, %c0_i32_0 : i32, i32
  }
  func.func @transform_8(%arg0: i32) -> (i32, i32) {
    %c0_i32 = arith.constant 0 : i32
    %c0_i32_0 = arith.constant 0 : i32
    %c0_i32_1 = arith.constant 0 : i32
    return %c0_i32, %c0_i32_0 : i32, i32
  }
  func.func @transform_9(%arg0: i32) -> (i32, i32) {
    %c0_i32 = arith.constant 0 : i32
    %c0_i32_0 = arith.constant 0 : i32
    %c0_i32_1 = arith.constant 0 : i32
    return %c0_i32, %c0_i32_0 : i32, i32
  }
  func.func @transform_10(%arg0: i32) -> (i32, i32) {
    %c0_i32 = arith.constant 0 : i32
    %c0_i32_0 = arith.constant 0 : i32
    return %c0_i32, %arg0 : i32, i32
  }
  func.func @transform_11(%arg0: i32) -> (i32, i32) {
    %c0_i32 = arith.constant 0 : i32
    %c0_i32_0 = arith.constant 0 : i32
    return %c0_i32, %arg0 : i32, i32
  }
  func.func @transform_12(%arg0: i32) -> (i32, i32) {
    %c0_i32 = arith.constant 0 : i32
    %c0_i32_0 = arith.constant 0 : i32
    return %c0_i32, %arg0 : i32, i32
  }
}

module attributes {stable_mosaic.version = 14 : i64} {
  func.func @body(%arg0: i32, %arg1: memref<128x2048xf32, #tpu.memory_space<vmem>>, %arg2: memref<2x2048xf32, #tpu.memory_space<vmem>>, %arg3: memref<128x2048xf32, #tpu.memory_space<vmem>>, %arg4: memref<2x2048xf32, #tpu.memory_space<vmem>>, %arg5: memref<2x2048xf32, #tpu.memory_space<vmem>>, %arg6: memref<2x6x2048xf32, #tpu.memory_space<vmem>>, %arg7: memref<128x1xf32, #tpu.memory_space<vmem>>, %arg8: memref<128x10xf32, #tpu.memory_space<vmem>>, %arg9: memref<1x10xf32, #tpu.memory_space<vmem>>, %arg10: memref<1x10xf32, #tpu.memory_space<vmem>>, %arg11: memref<10x2048xf32, #tpu.memory_space<vmem>>, %arg12: memref<1x2048xf32, #tpu.memory_space<vmem>>, %arg13: memref<1x2048xf32, #tpu.memory_space<vmem>>) attributes {dimension_semantics = [#tpu.dimension_semantics<arbitrary>], iteration_bounds = array<i64: 5>, scalar_prefetch = 0 : i64, scratch_operands = 0 : i64, tpu.core_type = #tpu.core_type<tc>, window_params = [{transform_indices = @transform_0, window_bounds = array<i64: 128, 2048>}, {transform_indices = @transform_1, window_bounds = array<i64: 2, 2048>}, {transform_indices = @transform_2, window_bounds = array<i64: 128, 2048>}, {transform_indices = @transform_3, window_bounds = array<i64: 2, 2048>}, {transform_indices = @transform_4, window_bounds = array<i64: 2, 2048>}, {transform_indices = @transform_5, window_bounds = array<i64: 2, 6, 2048>}, {pipeline_mode = #tpu.pipeline_mode<synchronous>, transform_indices = @transform_6, window_bounds = array<i64: 128, 1>}, {pipeline_mode = #tpu.pipeline_mode<synchronous>, transform_indices = @transform_7, window_bounds = array<i64: 128, 10>}, {pipeline_mode = #tpu.pipeline_mode<synchronous>, transform_indices = @transform_8, window_bounds = array<i64: 1, 10>}, {pipeline_mode = #tpu.pipeline_mode<synchronous>, transform_indices = @transform_9, window_bounds = array<i64: 1, 10>}, {transform_indices = @transform_10, window_bounds = array<i64: 10, 2048>}, {transform_indices = @transform_11, window_bounds = array<i64: 1, 2048>}, {transform_indices = @transform_12, window_bounds = array<i64: 1, 2048>}]} {
    %get3A = arith.constant 0 : index
    %get3A_0 = arith.constant 0 : index
    %get3A_1 = arith.constant 0 : index
    %get3A_2 = vector.load %arg6[%get3A, %get3A_0, %get3A_1] : memref<2x6x2048xf32, #tpu.memory_space<vmem>>, vector<2x6x2048xf32>
    %slice3A = vector.extract_strided_slice %get3A_2 {offsets = [0, 0, 0], sizes = [1, 6, 2048], strides = [1, 1, 1]} : vector<2x6x2048xf32> to vector<1x6x2048xf32>
    %squeeze3A = vector.shape_cast %slice3A : vector<1x6x2048xf32> to vector<6x2048xf32>
    %slice3A_3 = vector.extract_strided_slice %get3A_2 {offsets = [1, 0, 0], sizes = [1, 6, 2048], strides = [1, 1, 1]} : vector<2x6x2048xf32> to vector<1x6x2048xf32>
    %squeeze3A_4 = vector.shape_cast %slice3A_3 : vector<1x6x2048xf32> to vector<6x2048xf32>
    %add3A = arith.addf %squeeze3A, %squeeze3A_4 : vector<6x2048xf32>
    %slice3A_5 = vector.extract_strided_slice %add3A {offsets = [0, 0], sizes = [1, 2048], strides = [1, 1]} : vector<6x2048xf32> to vector<1x2048xf32>
    %max3A = arith.constant 1.000000e+00 : f32
    %max3A_6 = vector.broadcast %max3A : f32 to vector<1x2048xf32>
    %max3A_7 = arith.maximumf %slice3A_5, %max3A_6 : vector<1x2048xf32>
    %slice3A_8 = vector.extract_strided_slice %add3A {offsets = [3, 0], sizes = [2, 2048], strides = [1, 1]} : vector<6x2048xf32> to vector<2x2048xf32>
    %div3A = vector.broadcast %max3A_7 : vector<1x2048xf32> to vector<2x2048xf32>
    %div3A_9 = arith.divf %slice3A_8, %div3A : vector<2x2048xf32>
    %get3A_10 = arith.constant 0 : index
    %get3A_11 = arith.constant 0 : index
    %get3A_12 = vector.load %arg4[%get3A_10, %get3A_11] : memref<2x2048xf32, #tpu.memory_space<vmem>>, vector<2x2048xf32>
    %get3A_13 = arith.constant 0 : index
    %get3A_14 = arith.constant 0 : index
    %get3A_15 = vector.load %arg5[%get3A_13, %get3A_14] : memref<2x2048xf32, #tpu.memory_space<vmem>>, vector<2x2048xf32>
    %add3A_16 = arith.addf %get3A_12, %get3A_15 : vector<2x2048xf32>
    %add3A_17 = arith.addf %add3A_16, %div3A_9 : vector<2x2048xf32>
    %ge3A = arith.constant 0.000000e+00 : f32
    %ge3A_18 = vector.broadcast %ge3A : f32 to vector<2x2048xf32>
    %ge3A_19 = arith.cmpf oge, %add3A_17, %ge3A_18 : vector<2x2048xf32>
    %mul3A = arith.constant 2.000000e-01 : f32
    %mul3A_20 = vector.broadcast %mul3A : f32 to vector<2x2048xf32>
    %mul3A_21 = arith.mulf %mul3A_20, %add3A_17 : vector<2x2048xf32>
    %select_n3A = arith.select %ge3A_19, %add3A_17, %mul3A_21 : vector<2x2048xi1>, vector<2x2048xf32>
    %exp3A = math.exp %select_n3A : vector<2x2048xf32>
    %get3A_22 = arith.constant 0 : index
    %get3A_23 = arith.constant 0 : index
    %get3A_24 = vector.load %arg2[%get3A_22, %get3A_23] : memref<2x2048xf32, #tpu.memory_space<vmem>>, vector<2x2048xf32>
    %add3A_25 = arith.addf %get3A_24, %exp3A : vector<2x2048xf32>
    %add3A_26 = arith.constant 1.000000e-16 : f32
    %add3A_27 = vector.broadcast %add3A_26 : f32 to vector<2x2048xf32>
    %add3A_28 = arith.addf %add3A_25, %add3A_27 : vector<2x2048xf32>
    %get3A_29 = arith.constant 0 : index
    %get3A_30 = arith.constant 0 : index
    %get3A_31 = vector.load %arg3[%get3A_29, %get3A_30] : memref<128x2048xf32, #tpu.memory_space<vmem>>, vector<128x2048xf32>
    %reshape3A = vector.shape_cast %get3A_31 : vector<128x2048xf32> to vector<2x64x2048xf32>
    %get3A_32 = arith.constant 0 : index
    %get3A_33 = arith.constant 0 : index
    %get3A_34 = vector.load %arg1[%get3A_32, %get3A_33] : memref<128x2048xf32, #tpu.memory_space<vmem>>, vector<128x2048xf32>
    %reshape3A_35 = vector.shape_cast %get3A_34 : vector<128x2048xf32> to vector<2x64x2048xf32>
    %broadcast_in_dim3A = vector.shape_cast %exp3A : vector<2x2048xf32> to vector<2x1x2048xf32>
    %mul3A_36 = vector.broadcast %broadcast_in_dim3A : vector<2x1x2048xf32> to vector<2x64x2048xf32>
    %mul3A_37 = arith.mulf %mul3A_36, %reshape3A : vector<2x64x2048xf32>
    %add3A_38 = arith.addf %reshape3A_35, %mul3A_37 : vector<2x64x2048xf32>
    %broadcast_in_dim3A_39 = vector.shape_cast %add3A_28 : vector<2x2048xf32> to vector<2x1x2048xf32>
    %div3A_40 = vector.broadcast %broadcast_in_dim3A_39 : vector<2x1x2048xf32> to vector<2x64x2048xf32>
    %div3A_41 = arith.divf %add3A_38, %div3A_40 : vector<2x64x2048xf32>
    %reshape3A_42 = vector.shape_cast %div3A_41 : vector<2x64x2048xf32> to vector<128x2048xf32>
    %get3A_43 = arith.constant 0 : index
    %get3A_44 = arith.constant 0 : index
    %get3A_45 = vector.load %arg7[%get3A_43, %get3A_44] : memref<128x1xf32, #tpu.memory_space<vmem>>, vector<128x1xf32>
    %add3A_46 = vector.broadcast %get3A_45 : vector<128x1xf32> to vector<128x2048xf32>
    %add3A_47 = arith.addf %reshape3A_42, %add3A_46 : vector<128x2048xf32>
    %max3A_48 = arith.constant 0.000000e+00 : f32
    %max3A_49 = vector.broadcast %max3A_48 : f32 to vector<128x2048xf32>
    %max3A_50 = arith.maximumf %add3A_47, %max3A_49 : vector<128x2048xf32>
    %get3A_51 = arith.constant 0 : index
    %get3A_52 = arith.constant 0 : index
    %get3A_53 = vector.load %arg8[%get3A_51, %get3A_52] : memref<128x10xf32, #tpu.memory_space<vmem>>, vector<128x10xf32>
    %dot_general3A = arith.constant dense<0.000000e+00> : vector<10x2048xf32>
    %dot_general3A_54 = tpu.matmul %get3A_53, %max3A_50, %dot_general3A {dimension_numbers = #tpu.dot_dimension_numbers<[0], [0], [1], [1], [0, 1, 1, 1], [], []>, transpose_lhs_hint = false} : vector<128x10xf32>, vector<128x2048xf32>, vector<10x2048xf32> -> vector<10x2048xf32>
    %swap3A = arith.constant 0 : index
    %swap3A_55 = arith.constant 0 : index
    %swap3A_56 = vector.load %arg11[%swap3A, %swap3A_55] : memref<10x2048xf32, #tpu.memory_space<vmem>>, vector<10x2048xf32>
    tpu.vector_store %arg11[%swap3A, %swap3A_55], %dot_general3A_54 {strides = array<i32>} : memref<10x2048xf32, #tpu.memory_space<vmem>>, vector<10x2048xf32>,
    %reshape3A_57 = vector.shape_cast %dot_general3A_54 : vector<10x2048xf32> to vector<1x10x2048xf32>
    %get3A_58 = arith.constant 0 : index
    %get3A_59 = arith.constant 0 : index
    %get3A_60 = vector.load %arg9[%get3A_58, %get3A_59] : memref<1x10xf32, #tpu.memory_space<vmem>>, vector<1x10xf32>
    %broadcast_in_dim3A_61 = vector.shape_cast %get3A_60 : vector<1x10xf32> to vector<1x10x1xf32>
    %mul3A_62 = vector.broadcast %broadcast_in_dim3A_61 : vector<1x10x1xf32> to vector<1x10x2048xf32>
    %mul3A_63 = arith.mulf %reshape3A_57, %mul3A_62 : vector<1x10x2048xf32>
    %reduce_sum3A = arith.constant dense<0.000000e+00> : vector<1x2048xf32>
    %reduce_sum3A_64 = vector.multi_reduction <add>, %mul3A_63, %reduce_sum3A [1] : vector<1x10x2048xf32> to vector<1x2048xf32>
    %swap3A_65 = arith.constant 0 : index
    %swap3A_66 = arith.constant 0 : index
    %swap3A_67 = vector.load %arg12[%swap3A_65, %swap3A_66] : memref<1x2048xf32, #tpu.memory_space<vmem>>, vector<1x2048xf32>
    tpu.vector_store %arg12[%swap3A_65, %swap3A_66], %reduce_sum3A_64 {strides = array<i32>} : memref<1x2048xf32, #tpu.memory_space<vmem>>, vector<1x2048xf32>,
    %get3A_68 = arith.constant 0 : index
    %get3A_69 = arith.constant 0 : index
    %get3A_70 = vector.load %arg10[%get3A_68, %get3A_69] : memref<1x10xf32, #tpu.memory_space<vmem>>, vector<1x10xf32>
    %broadcast_in_dim3A_71 = vector.shape_cast %get3A_70 : vector<1x10xf32> to vector<1x10x1xf32>
    %mul3A_72 = vector.broadcast %broadcast_in_dim3A_71 : vector<1x10x1xf32> to vector<1x10x2048xf32>
    %mul3A_73 = arith.mulf %reshape3A_57, %mul3A_72 : vector<1x10x2048xf32>
    %reduce_sum3A_74 = arith.constant dense<0.000000e+00> : vector<1x2048xf32>
    %reduce_sum3A_75 = vector.multi_reduction <add>, %mul3A_73, %reduce_sum3A_74 [1] : vector<1x10x2048xf32> to vector<1x2048xf32>
    %swap3A_76 = arith.constant 0 : index
    %swap3A_77 = arith.constant 0 : index
    %swap3A_78 = vector.load %arg13[%swap3A_76, %swap3A_77] : memref<1x2048xf32, #tpu.memory_space<vmem>>, vector<1x2048xf32>
    tpu.vector_store %arg13[%swap3A_76, %swap3A_77], %reduce_sum3A_75 {strides = array<i32>} : memref<1x2048xf32, #tpu.memory_space<vmem>>, vector<1x2048xf32>,
    return
  }
  func.func @transform_0(%arg0: i32) -> (i32, i32) {
    %c0_i32 = arith.constant 0 : i32
    %c0_i32_0 = arith.constant 0 : i32
    return %c0_i32, %arg0 : i32, i32
  }
  func.func @transform_1(%arg0: i32) -> (i32, i32) {
    %c0_i32 = arith.constant 0 : i32
    %c0_i32_0 = arith.constant 0 : i32
    return %c0_i32, %arg0 : i32, i32
  }
  func.func @transform_2(%arg0: i32) -> (i32, i32) {
    %c0_i32 = arith.constant 0 : i32
    %c0_i32_0 = arith.constant 0 : i32
    return %c0_i32, %arg0 : i32, i32
  }
  func.func @transform_3(%arg0: i32) -> (i32, i32) {
    %c0_i32 = arith.constant 0 : i32
    %c0_i32_0 = arith.constant 0 : i32
    return %c0_i32, %arg0 : i32, i32
  }
  func.func @transform_4(%arg0: i32) -> (i32, i32) {
    %c0_i32 = arith.constant 0 : i32
    %c0_i32_0 = arith.constant 0 : i32
    return %c0_i32, %arg0 : i32, i32
  }
  func.func @transform_5(%arg0: i32) -> (i32, i32, i32) {
    %c0_i32 = arith.constant 0 : i32
    %c0_i32_0 = arith.constant 0 : i32
    %c0_i32_1 = arith.constant 0 : i32
    return %c0_i32, %c0_i32_0, %arg0 : i32, i32, i32
  }
  func.func @transform_6(%arg0: i32) -> (i32, i32) {
    %c0_i32 = arith.constant 0 : i32
    %c0_i32_0 = arith.constant 0 : i32
    %c0_i32_1 = arith.constant 0 : i32
    return %c0_i32, %c0_i32_0 : i32, i32
  }
  func.func @transform_7(%arg0: i32) -> (i32, i32) {
    %c0_i32 = arith.constant 0 : i32
    %c0_i32_0 = arith.constant 0 : i32
    %c0_i32_1 = arith.constant 0 : i32
    return %c0_i32, %c0_i32_0 : i32, i32
  }
  func.func @transform_8(%arg0: i32) -> (i32, i32) {
    %c0_i32 = arith.constant 0 : i32
    %c0_i32_0 = arith.constant 0 : i32
    %c0_i32_1 = arith.constant 0 : i32
    return %c0_i32, %c0_i32_0 : i32, i32
  }
  func.func @transform_9(%arg0: i32) -> (i32, i32) {
    %c0_i32 = arith.constant 0 : i32
    %c0_i32_0 = arith.constant 0 : i32
    %c0_i32_1 = arith.constant 0 : i32
    return %c0_i32, %c0_i32_0 : i32, i32
  }
  func.func @transform_10(%arg0: i32) -> (i32, i32) {
    %c0_i32 = arith.constant 0 : i32
    %c0_i32_0 = arith.constant 0 : i32
    return %c0_i32, %arg0 : i32, i32
  }
  func.func @transform_11(%arg0: i32) -> (i32, i32) {
    %c0_i32 = arith.constant 0 : i32
    %c0_i32_0 = arith.constant 0 : i32
    return %c0_i32, %arg0 : i32, i32
  }
  func.func @transform_12(%arg0: i32) -> (i32, i32) {
    %c0_i32 = arith.constant 0 : i32
    %c0_i32_0 = arith.constant 0 : i32
    return %c0_i32, %arg0 : i32, i32
  }
}

module attributes {stable_mosaic.version = 14 : i64} {
  func.func @body(%arg0: i32, %arg1: memref<2x10x2048xf32, #tpu.memory_space<vmem>>, %arg2: memref<2x1x2048xf32, #tpu.memory_space<vmem>>, %arg3: memref<10x2048xf32, #tpu.memory_space<vmem>>, %arg4: memref<1x2048xf32, #tpu.memory_space<vmem>>, %arg5: memref<1x2048xf32, #tpu.memory_space<vmem>>, %arg6: memref<2x6x2048xf32, #tpu.memory_space<vmem>>, %arg7: memref<10x1xf32, #tpu.memory_space<vmem>>, %arg8: memref<1x2048xi32, #tpu.memory_space<vmem>>, %arg9: memref<64x10xf32, #tpu.memory_space<vmem>>, %arg10: memref<64x10xf32, #tpu.memory_space<vmem>>, %arg11: memref<64x10xf32, #tpu.memory_space<vmem>>) attributes {dimension_semantics = [#tpu.dimension_semantics<arbitrary>], iteration_bounds = array<i64: 5>, scalar_prefetch = 0 : i64, scratch_operands = 2 : i64, tpu.core_type = #tpu.core_type<tc>, window_params = [{transform_indices = @transform_0, window_bounds = array<i64: 2, 10, 2048>}, {transform_indices = @transform_1, window_bounds = array<i64: 2, 1, 2048>}, {transform_indices = @transform_2, window_bounds = array<i64: 10, 2048>}, {transform_indices = @transform_3, window_bounds = array<i64: 1, 2048>}, {transform_indices = @transform_4, window_bounds = array<i64: 1, 2048>}, {transform_indices = @transform_5, window_bounds = array<i64: 2, 6, 2048>}, {pipeline_mode = #tpu.pipeline_mode<synchronous>, transform_indices = @transform_6, window_bounds = array<i64: 10, 1>}, {transform_indices = @transform_7, window_bounds = array<i64: 1, 2048>}, {pipeline_mode = #tpu.pipeline_mode<synchronous>, transform_indices = @transform_8, window_bounds = array<i64: 64, 10>}]} {
    %eq3A = arith.constant 0 : i32
    %eq3A_0 = arith.cmpi eq, %arg0, %eq3A : i32
    %convert_element_type3A = arith.extui %eq3A_0 : i1 to i32
    %cond3A = arith.constant 0 : i32
    %cond3A_1 = arith.cmpi ne, %convert_element_type3A, %cond3A : i32
    scf.if %cond3A_1 {
      %broadcast_in_dim3A_95 = arith.constant 0.000000e+00 : f32
      %broadcast_in_dim3A_96 = vector.broadcast %broadcast_in_dim3A_95 : f32 to vector<64x10xf32>
      %swap3A_97 = arith.constant 0 : index
      %swap3A_98 = arith.constant 0 : index
      %swap3A_99 = vector.load %arg10[%swap3A_97, %swap3A_98] : memref<64x10xf32, #tpu.memory_space<vmem>>, vector<64x10xf32>
      tpu.vector_store %arg10[%swap3A_97, %swap3A_98], %broadcast_in_dim3A_96 {strides = array<i32>} : memref<64x10xf32, #tpu.memory_space<vmem>>, vector<64x10xf32>,
      %broadcast_in_dim3A_100 = arith.constant 0.000000e+00 : f32
      %broadcast_in_dim3A_101 = vector.broadcast %broadcast_in_dim3A_100 : f32 to vector<64x10xf32>
      %swap3A_102 = arith.constant 0 : index
      %swap3A_103 = arith.constant 0 : index
      %swap3A_104 = vector.load %arg11[%swap3A_102, %swap3A_103] : memref<64x10xf32, #tpu.memory_space<vmem>>, vector<64x10xf32>
      tpu.vector_store %arg11[%swap3A_102, %swap3A_103], %broadcast_in_dim3A_101 {strides = array<i32>} : memref<64x10xf32, #tpu.memory_space<vmem>>, vector<64x10xf32>,
    } else {
    }
    %get3A = arith.constant 0 : index
    %get3A_2 = arith.constant 0 : index
    %get3A_3 = arith.constant 0 : index
    %get3A_4 = vector.load %arg6[%get3A, %get3A_2, %get3A_3] : memref<2x6x2048xf32, #tpu.memory_space<vmem>>, vector<2x6x2048xf32>
    %slice3A = vector.extract_strided_slice %get3A_4 {offsets = [0, 0, 0], sizes = [1, 6, 2048], strides = [1, 1, 1]} : vector<2x6x2048xf32> to vector<1x6x2048xf32>
    %squeeze3A = vector.shape_cast %slice3A : vector<1x6x2048xf32> to vector<6x2048xf32>
    %slice3A_5 = vector.extract_strided_slice %get3A_4 {offsets = [1, 0, 0], sizes = [1, 6, 2048], strides = [1, 1, 1]} : vector<2x6x2048xf32> to vector<1x6x2048xf32>
    %squeeze3A_6 = vector.shape_cast %slice3A_5 : vector<1x6x2048xf32> to vector<6x2048xf32>
    %add3A = arith.addf %squeeze3A, %squeeze3A_6 : vector<6x2048xf32>
    %slice3A_7 = vector.extract_strided_slice %add3A {offsets = [0, 0], sizes = [1, 2048], strides = [1, 1]} : vector<6x2048xf32> to vector<1x2048xf32>
    %max3A = arith.constant 1.000000e+00 : f32
    %max3A_8 = vector.broadcast %max3A : f32 to vector<1x2048xf32>
    %max3A_9 = arith.maximumf %slice3A_7, %max3A_8 : vector<1x2048xf32>
    %slice3A_10 = vector.extract_strided_slice %add3A {offsets = [5, 0], sizes = [1, 2048], strides = [1, 1]} : vector<6x2048xf32> to vector<1x2048xf32>
    %div3A = arith.divf %slice3A_10, %max3A_9 : vector<1x2048xf32>
    %get3A_11 = arith.constant 0 : index
    %get3A_12 = arith.constant 0 : index
    %get3A_13 = vector.load %arg4[%get3A_11, %get3A_12] : memref<1x2048xf32, #tpu.memory_space<vmem>>, vector<1x2048xf32>
    %get3A_14 = arith.constant 0 : index
    %get3A_15 = arith.constant 0 : index
    %get3A_16 = vector.load %arg5[%get3A_14, %get3A_15] : memref<1x2048xf32, #tpu.memory_space<vmem>>, vector<1x2048xf32>
    %add3A_17 = arith.addf %get3A_13, %get3A_16 : vector<1x2048xf32>
    %add3A_18 = arith.addf %add3A_17, %div3A : vector<1x2048xf32>
    %ge3A = arith.constant 0.000000e+00 : f32
    %ge3A_19 = vector.broadcast %ge3A : f32 to vector<1x2048xf32>
    %ge3A_20 = arith.cmpf oge, %add3A_18, %ge3A_19 : vector<1x2048xf32>
    %mul3A = arith.constant 2.000000e-01 : f32
    %mul3A_21 = vector.broadcast %mul3A : f32 to vector<1x2048xf32>
    %mul3A_22 = arith.mulf %mul3A_21, %add3A_18 : vector<1x2048xf32>
    %select_n3A = arith.select %ge3A_20, %add3A_18, %mul3A_22 : vector<1x2048xi1>, vector<1x2048xf32>
    %exp3A = math.exp %select_n3A : vector<1x2048xf32>
    %get3A_23 = arith.constant 0 : index
    %get3A_24 = arith.constant 0 : index
    %get3A_25 = arith.constant 0 : index
    %get3A_26 = vector.load %arg1[%get3A_23, %get3A_24, %get3A_25] : memref<2x10x2048xf32, #tpu.memory_space<vmem>>, vector<2x10x2048xf32>
    %slice3A_27 = vector.extract_strided_slice %get3A_26 {offsets = [0, 0, 0], sizes = [1, 10, 2048], strides = [1, 1, 1]} : vector<2x10x2048xf32> to vector<1x10x2048xf32>
    %squeeze3A_28 = vector.shape_cast %slice3A_27 : vector<1x10x2048xf32> to vector<10x2048xf32>
    %get3A_29 = arith.constant 0 : index
    %get3A_30 = arith.constant 0 : index
    %get3A_31 = arith.constant 0 : index
    %get3A_32 = vector.load %arg1[%get3A_29, %get3A_30, %get3A_31] : memref<2x10x2048xf32, #tpu.memory_space<vmem>>, vector<2x10x2048xf32>
    %slice3A_33 = vector.extract_strided_slice %get3A_32 {offsets = [1, 0, 0], sizes = [1, 10, 2048], strides = [1, 1, 1]} : vector<2x10x2048xf32> to vector<1x10x2048xf32>
    %squeeze3A_34 = vector.shape_cast %slice3A_33 : vector<1x10x2048xf32> to vector<10x2048xf32>
    %add3A_35 = arith.addf %squeeze3A_28, %squeeze3A_34 : vector<10x2048xf32>
    %get3A_36 = arith.constant 0 : index
    %get3A_37 = arith.constant 0 : index
    %get3A_38 = arith.constant 0 : index
    %get3A_39 = vector.load %arg2[%get3A_36, %get3A_37, %get3A_38] : memref<2x1x2048xf32, #tpu.memory_space<vmem>>, vector<2x1x2048xf32>
    %slice3A_40 = vector.extract_strided_slice %get3A_39 {offsets = [0, 0, 0], sizes = [1, 1, 2048], strides = [1, 1, 1]} : vector<2x1x2048xf32> to vector<1x1x2048xf32>
    %squeeze3A_41 = vector.shape_cast %slice3A_40 : vector<1x1x2048xf32> to vector<1x2048xf32>
    %get3A_42 = arith.constant 0 : index
    %get3A_43 = arith.constant 0 : index
    %get3A_44 = arith.constant 0 : index
    %get3A_45 = vector.load %arg2[%get3A_42, %get3A_43, %get3A_44] : memref<2x1x2048xf32, #tpu.memory_space<vmem>>, vector<2x1x2048xf32>
    %slice3A_46 = vector.extract_strided_slice %get3A_45 {offsets = [1, 0, 0], sizes = [1, 1, 2048], strides = [1, 1, 1]} : vector<2x1x2048xf32> to vector<1x1x2048xf32>
    %squeeze3A_47 = vector.shape_cast %slice3A_46 : vector<1x1x2048xf32> to vector<1x2048xf32>
    %add3A_48 = arith.addf %squeeze3A_41, %squeeze3A_47 : vector<1x2048xf32>
    %add3A_49 = arith.addf %add3A_48, %exp3A : vector<1x2048xf32>
    %add3A_50 = arith.constant 1.000000e-16 : f32
    %add3A_51 = vector.broadcast %add3A_50 : f32 to vector<1x2048xf32>
    %add3A_52 = arith.addf %add3A_49, %add3A_51 : vector<1x2048xf32>
    %get3A_53 = arith.constant 0 : index
    %get3A_54 = arith.constant 0 : index
    %get3A_55 = vector.load %arg3[%get3A_53, %get3A_54] : memref<10x2048xf32, #tpu.memory_space<vmem>>, vector<10x2048xf32>
    %mul3A_56 = vector.broadcast %exp3A : vector<1x2048xf32> to vector<10x2048xf32>
    %mul3A_57 = arith.mulf %mul3A_56, %get3A_55 : vector<10x2048xf32>
    %add3A_58 = arith.addf %add3A_35, %mul3A_57 : vector<10x2048xf32>
    %div3A_59 = vector.broadcast %add3A_52 : vector<1x2048xf32> to vector<10x2048xf32>
    %div3A_60 = arith.divf %add3A_58, %div3A_59 : vector<10x2048xf32>
    %get3A_61 = arith.constant 0 : index
    %get3A_62 = arith.constant 0 : index
    %get3A_63 = vector.load %arg7[%get3A_61, %get3A_62] : memref<10x1xf32, #tpu.memory_space<vmem>>, vector<10x1xf32>
    %add3A_64 = vector.broadcast %get3A_63 : vector<10x1xf32> to vector<10x2048xf32>
    %add3A_65 = arith.addf %div3A_60, %add3A_64 : vector<10x2048xf32>
    %iota3A = tpu.iota {dimensions = array<i32: 0>} : vector<64x2048xi32>
    %get3A_66 = arith.constant 0 : index
    %get3A_67 = arith.constant 0 : index
    %get3A_68 = vector.load %arg8[%get3A_66, %get3A_67] : memref<1x2048xi32, #tpu.memory_space<vmem>>, vector<1x2048xi32>
    %eq3A_69 = vector.broadcast %get3A_68 : vector<1x2048xi32> to vector<64x2048xi32>
    %eq3A_70 = arith.cmpi eq, %eq3A_69, %iota3A : vector<64x2048xi32>
    %convert_element_type3A_71 = arith.extui %eq3A_70 : vector<64x2048xi1> to vector<64x2048xi32>
    %convert_element_type3A_72 = arith.sitofp %convert_element_type3A_71 : vector<64x2048xi32> to vector<64x2048xf32>
    %get3A_73 = arith.constant 0 : index
    %get3A_74 = arith.constant 0 : index
    %get3A_75 = vector.load %arg10[%get3A_73, %get3A_74] : memref<64x10xf32, #tpu.memory_space<vmem>>, vector<64x10xf32>
    %dot_general3A = arith.constant dense<0.000000e+00> : vector<64x10xf32>
    %dot_general3A_76 = tpu.matmul %convert_element_type3A_72, %add3A_65, %dot_general3A {dimension_numbers = #tpu.dot_dimension_numbers<[1], [1], [0], [0], [0, 0, 1, 0], [], []>, transpose_lhs_hint = false} : vector<64x2048xf32>, vector<10x2048xf32>, vector<64x10xf32> -> vector<64x10xf32>
    %add3A_77 = arith.addf %get3A_75, %dot_general3A_76 : vector<64x10xf32>
    %swap3A = arith.constant 0 : index
    %swap3A_78 = arith.constant 0 : index
    %swap3A_79 = vector.load %arg10[%swap3A, %swap3A_78] : memref<64x10xf32, #tpu.memory_space<vmem>>, vector<64x10xf32>
    tpu.vector_store %arg10[%swap3A, %swap3A_78], %add3A_77 {strides = array<i32>} : memref<64x10xf32, #tpu.memory_space<vmem>>, vector<64x10xf32>,
    %get3A_80 = arith.constant 0 : index
    %get3A_81 = arith.constant 0 : index
    %get3A_82 = vector.load %arg11[%get3A_80, %get3A_81] : memref<64x10xf32, #tpu.memory_space<vmem>>, vector<64x10xf32>
    %broadcast_in_dim3A = arith.constant 1.000000e+00 : f32
    %broadcast_in_dim3A_83 = vector.broadcast %broadcast_in_dim3A : f32 to vector<10x2048xf32>
    %dot_general3A_84 = arith.constant dense<0.000000e+00> : vector<64x10xf32>
    %dot_general3A_85 = tpu.matmul %convert_element_type3A_72, %broadcast_in_dim3A_83, %dot_general3A_84 {dimension_numbers = #tpu.dot_dimension_numbers<[1], [1], [0], [0], [0, 0, 1, 0], [], []>, transpose_lhs_hint = false} : vector<64x2048xf32>, vector<10x2048xf32>, vector<64x10xf32> -> vector<64x10xf32>
    %add3A_86 = arith.addf %get3A_82, %dot_general3A_85 : vector<64x10xf32>
    %swap3A_87 = arith.constant 0 : index
    %swap3A_88 = arith.constant 0 : index
    %swap3A_89 = vector.load %arg11[%swap3A_87, %swap3A_88] : memref<64x10xf32, #tpu.memory_space<vmem>>, vector<64x10xf32>
    tpu.vector_store %arg11[%swap3A_87, %swap3A_88], %add3A_86 {strides = array<i32>} : memref<64x10xf32, #tpu.memory_space<vmem>>, vector<64x10xf32>,
    %eq3A_90 = arith.constant 4 : i32
    %eq3A_91 = arith.cmpi eq, %arg0, %eq3A_90 : i32
    %convert_element_type3A_92 = arith.extui %eq3A_91 : i1 to i32
    %cond3A_93 = arith.constant 0 : i32
    %cond3A_94 = arith.cmpi ne, %convert_element_type3A_92, %cond3A_93 : i32
    scf.if %cond3A_94 {
      %get3A_95 = arith.constant 0 : index
      %get3A_96 = arith.constant 0 : index
      %get3A_97 = vector.load %arg10[%get3A_95, %get3A_96] : memref<64x10xf32, #tpu.memory_space<vmem>>, vector<64x10xf32>
      %get3A_98 = arith.constant 0 : index
      %get3A_99 = arith.constant 0 : index
      %get3A_100 = vector.load %arg11[%get3A_98, %get3A_99] : memref<64x10xf32, #tpu.memory_space<vmem>>, vector<64x10xf32>
      %max3A_101 = arith.constant 1.000000e+00 : f32
      %max3A_102 = vector.broadcast %max3A_101 : f32 to vector<64x10xf32>
      %max3A_103 = arith.maximumf %get3A_100, %max3A_102 : vector<64x10xf32>
      %div3A_104 = arith.divf %get3A_97, %max3A_103 : vector<64x10xf32>
      %reduce_max3A = arith.constant dense<0xFF800000> : vector<64xf32>
      %reduce_max3A_105 = vector.multi_reduction <maximumf>, %div3A_104, %reduce_max3A [1] : vector<64x10xf32> to vector<64xf32>
      %broadcast_in_dim3A_106 = vector.shape_cast %reduce_max3A_105 : vector<64xf32> to vector<64x1xf32>
      %sub3A = vector.broadcast %broadcast_in_dim3A_106 : vector<64x1xf32> to vector<64x10xf32>
      %sub3A_107 = arith.subf %div3A_104, %sub3A : vector<64x10xf32>
      %exp3A_108 = math.exp %sub3A_107 : vector<64x10xf32>
      %reduce_sum3A = arith.constant dense<0.000000e+00> : vector<64xf32>
      %reduce_sum3A_109 = vector.multi_reduction <add>, %exp3A_108, %reduce_sum3A [1] : vector<64x10xf32> to vector<64xf32>
      %broadcast_in_dim3A_110 = vector.shape_cast %reduce_sum3A_109 : vector<64xf32> to vector<64x1xf32>
      %log3A = math.log %broadcast_in_dim3A_110 : vector<64x1xf32>
      %sub3A_111 = vector.broadcast %log3A : vector<64x1xf32> to vector<64x10xf32>
      %sub3A_112 = arith.subf %sub3A_107, %sub3A_111 : vector<64x10xf32>
      %swap3A_113 = arith.constant 0 : index
      %swap3A_114 = arith.constant 0 : index
      %swap3A_115 = vector.load %arg9[%swap3A_113, %swap3A_114] : memref<64x10xf32, #tpu.memory_space<vmem>>, vector<64x10xf32>
      tpu.vector_store %arg9[%swap3A_113, %swap3A_114], %sub3A_112 {strides = array<i32>} : memref<64x10xf32, #tpu.memory_space<vmem>>, vector<64x10xf32>,
    } else {
    }
    return
  }
  func.func @transform_0(%arg0: i32) -> (i32, i32, i32) {
    %c0_i32 = arith.constant 0 : i32
    %c0_i32_0 = arith.constant 0 : i32
    %c0_i32_1 = arith.constant 0 : i32
    return %c0_i32, %c0_i32_0, %arg0 : i32, i32, i32
  }
  func.func @transform_1(%arg0: i32) -> (i32, i32, i32) {
    %c0_i32 = arith.constant 0 : i32
    %c0_i32_0 = arith.constant 0 : i32
    %c0_i32_1 = arith.constant 0 : i32
    return %c0_i32, %c0_i32_0, %arg0 : i32, i32, i32
  }
  func.func @transform_2(%arg0: i32) -> (i32, i32) {
    %c0_i32 = arith.constant 0 : i32
    %c0_i32_0 = arith.constant 0 : i32
    return %c0_i32, %arg0 : i32, i32
  }
  func.func @transform_3(%arg0: i32) -> (i32, i32) {
    %c0_i32 = arith.constant 0 : i32
    %c0_i32_0 = arith.constant 0 : i32
    return %c0_i32, %arg0 : i32, i32
  }
  func.func @transform_4(%arg0: i32) -> (i32, i32) {
    %c0_i32 = arith.constant 0 : i32
    %c0_i32_0 = arith.constant 0 : i32
    return %c0_i32, %arg0 : i32, i32
  }
  func.func @transform_5(%arg0: i32) -> (i32, i32, i32) {
    %c0_i32 = arith.constant 0 : i32
    %c0_i32_0 = arith.constant 0 : i32
    %c0_i32_1 = arith.constant 0 : i32
    return %c0_i32, %c0_i32_0, %arg0 : i32, i32, i32
  }
  func.func @transform_6(%arg0: i32) -> (i32, i32) {
    %c0_i32 = arith.constant 0 : i32
    %c0_i32_0 = arith.constant 0 : i32
    %c0_i32_1 = arith.constant 0 : i32
    return %c0_i32, %c0_i32_0 : i32, i32
  }
  func.func @transform_7(%arg0: i32) -> (i32, i32) {
    %c0_i32 = arith.constant 0 : i32
    %c0_i32_0 = arith.constant 0 : i32
    return %c0_i32, %arg0 : i32, i32
  }
  func.func @transform_8(%arg0: i32) -> (i32, i32) {
    %c0_i32 = arith.constant 0 : i32
    %c0_i32_0 = arith.constant 0 : i32
    %c0_i32_1 = arith.constant 0 : i32
    return %c0_i32, %c0_i32_0 : i32, i32
  }
}

</mosaic_0001>

<sc_bundles>
// kernel: kernel.11.cloned.1.call-start
scs
__scs_entry_jumppad:
0x0: {  	(pc) =	sbr.rel $0x88, $3  }
0x1: {  	(tag) =	ssettag $0x0;
	lr =	simm.s32 $0x1  }
0x2: {  	[smem:$0x3F8B] =	sst lr;
	_ =	strace $0xD0000000  }
0x3: {  	_ = 	snop  }
0x4: {  	_ = 	snop  }
0x5: {  	_ = 	snop  }
0x6: {  	_ = 	snop  }
0x7: {  	_ = 	snop  }
__scs_overlays_trampoline_lowered:
0x8: {  	[smem:$0x3F9A] =	sst s0  }
0x9: {  	[smem:$0x3F9B] =	sst s1  }
0xa: {  	[smem:$0x3F9C] =	sst s2  }
0xb: {  	[smem:$0x3F9D] =	sst s3  }
0xc: {  	[smem:$0x3F9E] =	sst s4  }
0xd: {  	[smem:$0x3F9F] =	sst s5  }
0xe: {  	[smem:$0x3FA0] =	sst s6  }
0xf: {  	[smem:$0x3FA1] =	sst s7  }
0x10: {  	[smem:$0x3FA2] =	sst s8  }
0x11: {  	[smem:$0x3FA3] =	sst s9;
	s0 =	simm.s32 @!p0 $0x0  }
0x12: {  	s1 =	sld [smem:$0x3F89];
	s0 =	simm.s32 @p0 $0x1  }
0x13: {  	[smem:$0x3FA4] =	sst s0;
	s0 =	simm.s32 @!p1 $0x0  }
0x14: {  	s2 =	sld [smem:$0x3F88];
	s0 =	simm.s32 @p1 $0x1  }
0x15: {  	[smem:$0x3FA5] =	sst s0;
	s0 =	simm.s32 @!p2 $0x0  }
0x16: {  	s3 =	sld [smem:$0x3FDB];
	s0 =	simm.s32 @p2 $0x1  }
0x17: {  	s4 =	simm.s32 $0x1BF5;
	[smem:$0x3FA7] =	sst s0  }
0x18: {  	s0 =	sld [smem:$0x3F8A];
	_ =	swait.ge [sflag:s4], $0x0  }
0x19: {  	s7 =	sld [smem:$0x3F8B]  }
0x1a: {  	s8 =	sadd.s32 $0xFFFFE003, lr  }
0x1b: {  	s9 =	sadd.s32 $0xFFFFFEF7, lr;
	s5 =	simm.s32 $0xFFFFFFFF;
	p2 =	slt.u32 s8, $0xFFFFF086  }
0x1c: {  	p1 =	slt.u32 s9, $0xF7A;
	s5 =	simm.s32 @!p2 $0x0  }
0x1d: {  	s5 =	simm.s32 @p1 $0x1;
	p0 =	seq.s32 s7, s2  }
0x1e: {  	s7 =	smul.u32 @!p0 $0xF7A, s2;
	p2 =	seq.s32 @!p0 s5, $0x0  }
0x1f: {  	s9 =	smul.u32 $0xF7A, s1;
	s8 =	simm.s32 @!p0 $0x1BF5;
	p2 =	por !p2, p0  }
0x20: {  	[sflag:s8] =	ssyncset.s32 @!p0 $0xFFFFF086;
	s6 =	sadd.s32 @!p0 s3, s7;
	s7 =	simm.s32 @!p0 $0x108  }
0x21: {  	s3 =	sadd.s32 s3, s9;
	s6 =	sadd.s32 @!p0 $0x88, s6;
	s7 =	simm.s32 @p2 $0x1082  }
0x22: {  	[simem:s7], [sflag:s8] =	dma.local @!p0 [hbm:s6], $0xF7A  }
0x23: {  	s9 =	sor.u32 $0xD0000000, s2;
	s6 =	simm.s32 $0x108;
	_ =	swait.ge @!p0 [sflag:s8], $0x0  }
0x24: {  	s3 =	sadd.s32 $0x88, s3;
	s6 =	simm.s32 @!p1 $0x1082;
	[sflag:s4] =	ssyncset.s32 $0xFFFFF086  }
0x25: {  	[simem:s6], [sflag:s4] =	dma.local [hbm:s3], $0xF7A  }
0x26: {  	[smem:$0x3F8B] =	sst s1;
	(tag) =	ssettag s2;
	_ =	strace s9  }
0x27: {  	s1 =	sld [smem:$0x3F9B]  }
0x28: {  	s2 =	sld [smem:$0x3F9C]  }
0x29: {  	s4 =	sld [smem:$0x3F9E]  }
0x2a: {  	p0 =	seq.s32 s5, $0x0;
	s5 =	sld [smem:$0x3F9F]  }
0x2b: {  	s6 =	sld [smem:$0x3FA0]  }
0x2c: {  	s7 =	sld [smem:$0x3FA1]  }
0x2d: {  	s3 =	simm.s32 $0x108;
	s8 =	sld [smem:$0x3FA2]  }
0x2e: {  	s3 =	simm.s32 @!p0 $0x1082;
	s9 =	sld [smem:$0x3FA3]  }
0x2f: {  	lr =	sadd.s32 s0, s3;
	s0 =	sld [smem:$0x3F9A]  }
0x30: {  	s3 =	sld [smem:$0x3F9D]  }
0x31: {  	[smem:$0x3FA6] =	sst s10  }
0x32: {  	s10 =	sld [smem:$0x3FA4];
	_ =	sdelay $0x3  }
0x33: {  	p0 =	seq.s32 s10, $0x1;
	s10 =	sld [smem:$0x3FA6];
	_ =	sdelay $0x3  }
0x34: {  	[smem:$0x3FA6] =	sst s10  }
0x35: {  	s10 =	sld [smem:$0x3FA5];
	_ =	sdelay $0x3  }
0x36: {  	p1 =	seq.s32 s10, $0x1;
	s10 =	sld [smem:$0x3FA6];
	_ =	sdelay $0x3  }
0x37: {  	[smem:$0x3FA6] =	sst s10  }
0x38: {  	s10 =	sld [smem:$0x3FA7]  }
0x39: {  	_ = 	snop;
	(pc) =	sbr.ind lr, $3  }
0x3a: {  	_ = 	snop  }
0x3b: {  	_ = 	snop  }
0x3c: {  	p2 =	seq.s32 s10, $0x1;
	s10 =	sld [smem:$0x3FA6]  }
0x3d: {  	_ =	shalt  }
0x3e: {  	_ =	shalt  }
0x3f: {  	_ =	shalt  }
0x40: {  	_ =	shalt  }
0x41: {  	_ =	shalt  }
0x42: {  	_ =	shalt  }
0x43: {  	_ =	shalt  }
0x44: {  	_ =	shalt  }
0x45: {  	_ =	shalt  }
0x46: {  	_ =	shalt  }
0x47: {  	_ =	shalt  }
0x48: {  	_ =	shalt  }
0x49: {  	_ =	shalt  }
0x4a: {  	_ =	shalt  }
0x4b: {  	_ =	shalt  }
0x4c: {  	_ =	shalt  }
0x4d: {  	_ =	shalt  }
0x4e: {  	_ =	shalt  }
0x4f: {  	_ =	shalt  }
0x50: {  	_ =	shalt  }
0x51: {  	_ =	shalt  }
0x52: {  	_ =	shalt  }
0x53: {  	_ =	shalt  }
0x54: {  	_ =	shalt  }
0x55: {  	_ =	shalt  }
0x56: {  	_ =	shalt  }
0x57: {  	_ =	shalt  }
0x58: {  	_ =	shalt  }
0x59: {  	_ =	shalt  }
0x5a: {  	_ =	shalt  }
0x5b: {  	_ =	shalt  }
0x5c: {  	_ =	shalt  }
0x5d: {  	_ =	shalt  }
0x5e: {  	_ =	shalt  }
0x5f: {  	_ =	shalt  }
0x60: {  	_ =	shalt  }
0x61: {  	_ =	shalt  }
0x62: {  	_ =	shalt  }
0x63: {  	_ =	shalt  }
0x64: {  	_ =	shalt  }
0x65: {  	_ =	shalt  }
0x66: {  	_ =	shalt  }
0x67: {  	_ =	shalt  }
0x68: {  	_ =	shalt  }
0x69: {  	_ =	shalt  }
0x6a: {  	_ =	shalt  }
0x6b: {  	_ =	shalt  }
0x6c: {  	_ =	shalt  }
0x6d: {  	_ =	shalt  }
0x6e: {  	_ =	shalt  }
0x6f: {  	_ =	shalt  }
0x70: {  	_ =	shalt  }
0x71: {  	_ =	shalt  }
0x72: {  	_ =	shalt  }
0x73: {  	_ =	shalt  }
0x74: {  	_ =	shalt  }
0x75: {  	_ =	shalt  }
0x76: {  	_ =	shalt  }
0x77: {  	_ =	shalt  }
0x78: {  	_ =	shalt  }
0x79: {  	_ =	shalt  }
0x7a: {  	_ =	shalt  }
0x7b: {  	_ =	shalt  }
0x7c: {  	_ =	shalt  }
0x7d: {  	_ =	shalt  }
0x7e: {  	_ =	shalt  }
0x7f: {  	_ =	shalt  }
0x80: {  	_ =	shalt  }
0x81: {  	_ =	shalt  }
0x82: {  	_ =	shalt  }
0x83: {  	_ =	shalt  }
0x84: {  	_ =	shalt  }
0x85: {  	_ =	shalt  }
0x86: {  	_ =	shalt  }
0x87: {  	_ =	shalt  }
.Lfunc_end0:
.L_simem_size_0:
called_computation_lowered:
.L_overlay_start_0:
0x88: {  	s2 =	sld [smem:$0x3FD9]  }
0x89: {  	s3 =	sld [smem:$0x3FFE];
	_ =	sdelay $0x1  }
0x8a: {  	s1 =	srdreg.scid  }
0x8b: {  	s0 =	sand.u32 $0x1, s1  }
0x8c: {  	s17 =	sshll.u32 s0, $0xA;
	s2 =	sadd.s32 s3, s2  }
0x8d: {  	s2 =	sadd.s32 s2, s17  }
0x8e: {  	[smem:$0x3FB2] =	sst s2  }
0x8f: {  	_ = 	snop  }
0x90: {  	(tm) =	ssettm $0x1  }
0x91: {  	s18 =	sld [smem:$0x3FFB];
	_ =	sdelay $0x3  }
0x92: {  	_ =	strace s18  }
0x93: {  	s2 =	sld [smem:$0x3FFC];
	_ =	sdelay $0x3  }
0x94: {  	_ =	strace s2  }
0x95: {  	s2 =	sld [smem:$0x3FFD];
	_ =	sdelay $0x3  }
0x96: {  	_ =	strace s2  }
0x97: {  	_ =	strace $0x8FFFFFFF  }
0x98: {  	s19 =	sld [smem:$0x3FDB];
	_ =	sdelay $0x1  }
0x99: {  	s20 =	simm.s32 $_scs_section_size  }
0x9a: {  	s4 =	simm.s32 $_size__tile_overlayer_lowered;
	s5 =	simm.s32 $_tile_overlayer_lowered  }
0x9b: {  	s6 =	simm.s32 $0x1BFF;
	s21 =	sshll.u32 s5, $0x1;
	s3 =	sadd.s32 s20, s19  }
0x9c: {  	s22 =	simm.s32 $0x0;
	s4 =	sshll.u32 s4, $0x1;
	s5 =	sadd.s32 s21, s3  }
0x9d: {  	[timem:s22], [sflag:s6] =	dma.local [hbm:s5], s4  }
0x9e: {  	_ =	swait.ge [sflag:s6], s4  }
0x9f: {  	s4 =	ssub.s32 $0x0, s4;
	[sflag:s6] =	ssyncset.done $0x0  }
0xa0: {  	[sflag:s6] =	ssyncadd.s32 s4;
	_ =	sdelay $0x1  }
0xa1: {  	s23 =	simm.s32 $0x1B8B  }
0xa2: {  	_ =	swait.ge [sflag:s23], $0x1  }
0xa3: {  	[sflag:s23] =	ssyncset.done $0x0  }
0xa4: {  	[sflag:s23] =	ssyncadd.s32 $0xFFFFFFFF  }
0xa5: {  	s4 =	sld [smem:$0x0]  }
0xa6: {  	s5 =	sand.u32 $0xFFFFFFFE, s1  }
0xa7: {  	p0 =	sne.s32 s1, s5  }
0xa8: {  	s5 =	sshll.u32 @p0 s5, $0xE  }
0xa9: {  	s5 =	sadd.s32 @p0 $0x11B8D, s5;
	s6 =	sshll.u32 @p0 s4, $0x11  }
0xaa: {  	s5 =	sor.u32 @p0 s6, s5  }
0xab: {  	[sflag:s5] =	ssyncadd.remote.s32 @p0 $0x1;
	_ =	sdelay $0x1  }
0xac: {  	s5 =	simm.s32 @p0 $0x1B8D  }
0xad: {  	_ =	swait.eq @p0 [sflag:s5], $0x1  }
0xae: {  	[sflag:s5] =	ssyncadd.s32 @p0 $0xFFFFFFFF  }
0xaf: {  	s6 =	sshll.u32 @!p0 s1, $0xE  }
0xb0: {  	s6 =	sor.u32 @!p0 $0x4000, s6;
	s5 =	simm.s32 @!p0 $0x1B8D  }
0xb1: {  	s4 =	sshll.u32 @!p0 s4, $0x11;
	s6 =	sadd.s32 @!p0 $0x11B8D, s6;
	_ =	swait.eq @!p0 [sflag:s5], $0x1  }
0xb2: {  	s4 =	sor.u32 @!p0 s4, s6;
	[sflag:s5] =	ssyncadd.s32 @!p0 $0xFFFFFFFF  }
0xb3: {  	s25 =	simm.s32 $0x1B8E;
	s24 =	sld [smem:$0x3FFE];
	[sflag:s4] =	ssyncadd.remote.s32 @!p0 $0x1  }
0xb4: {  	s26 =	simm.s32 $execute0_lowered;
	[smem:$0x3FD2] =	sst s25  }
0xb5: {  	s5 =	sshll.u32 s26, $0x1;
	_ =	strace $0x80000049;
	[dreg:$0x1] =	wrdreg $0xFFFFFFFF  }
0xb6: {  	s28 =	simm.s32 $_size_execute0_lowered;
	s3 =	sadd.s32 s3, s5;
	[dreg:$0x0] =	wrdreg $0x0  }
0xb7: {  	s5 =	sshll.u32 s28, $0x1;
	[dreg:$0x2] =	wrdreg s3  }
0xb8: {  	[dreg:$0x3] =	wrdreg s5  }
0xb9: {  	[dreg:$0x4] =	wrdreg $0xC0  }
0xba: {  	_ =	task [dreg:s22], $0x5FFFF  }
0xbb: {  	[dreg:$0x1] =	wrdreg $0xFFFFFFFF  }
0xbc: {  	[dreg:$0x0] =	wrdreg $0x60  }
0xbd: {  	[dreg:$0x2] =	wrdreg s24  }
0xbe: {  	[dreg:$0x3] =	wrdreg $0x9  }
0xbf: {  	_ =	task.clear_ibuf [dreg:s22], $0x4FFFF;
	_ =	strace $0x90000049  }
0xc0: {  	s29 =	simm.s32 $0x9;
	_ =	strace $0x8000004B  }
0xc1: {  	_ =	swait.ge [sflag:s29], $0x1  }
0xc2: {  	[sflag:s29] =	ssyncadd.s32 $0xFFFFFFFF  }
0xc3: {  	_ =	strace $0x9000004B  }
0xc4: {  	_ =	sfence  }
0xc5: {  	s30 =	sld [smem:$0x0];
	_ =	sdelay $0x2  }
0xc6: {  	s31 =	sshll.u32 s1, $0xD;
	s1 =	sshrl.u32 s1, $0x2  }
0xc7: {  	s4 =	sand.u32 $0x4000, s31;
	s1 =	sadd.s32 s1, s30  }
0xc8: {  	s0 =	sor.u32 s4, s0;
	s1 =	sshll.u32 s1, $0x11  }
0xc9: {  	s0 =	sor.u32 s1, s0  }
0xca: {  	s0 =	sadd.s32 $0x8F2B, s0  }
0xcb: {  	[sflag:s0] =	ssyncadd.remote.s32 $0x1  }
0xcc: {  	_ =	sfence.sel $0xFFFF  }
0xcd: {  	[dreg:$0x0] =	wrdreg $0xFFFFFFFF;
	(pc) =	sbr.abs _section_cstart, $3  }
0xce: {  	[dreg:$0x1] =	wrdreg $0xFFFFFFFF  }
0xcf: {  	_ =	task.clear_ibuf [dreg:s22], $0x2FFFF;
	_ =	strace $0x9FFFFFFF  }
0xd0: {  	(tm) =	ssettm $0x7FFFFFFF  }
0xd1: {  	_ =	shalt  }
tec
execute0_lowered:
.L_overlay_start_1:
0x0: {  	(tag) =	ssettag $0x1  }
0x1: {  	s1 =	stileid.u32  }
0x2: {  	p0 =	sgt.u32 s1, $0x5  }
.Ltmp0:
0x3: {  	_ = 	snop;
	(pc) =	sbr.rel @p0 .LBB2_9-.Ltmp0, $4  }
0x4: {  	_ = 	snop  }
0x5: {  	s5 =	rddreg [dreg:$0x0];
	s2 =	simm.s32 $0x0  }
0x6: {  	[smem:$0x7FF] =	sst s2  }
0x7: {  	s0 =	rddreg [dreg:$0x1];
	_ =	strace $0x8000004A  }
0x8: {  	s3 =	srdreg.scid  }
0x9: {  	s6 =	sand.u32 $0x1, s3  }
0xa: {  	s3 =	smul.u32 $0x6, s6  }
0xb: {  	s8 =	smul.u32 $0x4E200, s1;
	p0 =	seq.s32 s1, $0x0;
	p1 =	sne.s32 s1, $0x0  }
0xc: {  	s11 =	simm.s32 $0x0;
	s9 =	ssub.s32 $0x2, s6;
	s4 =	sadd.s32 s1, s3  }
0xd: {  	s10 =	sshrl.u32 s9, $0x1;
	s3 =	sadd.s32 $0x40C00, s5;
	s7 =	smul.u32 $0x500, s4  }
0xe: {  	s31 =	ssub.s32 s9, s10;
	s9 =	simm.s32 $0x2800;
	s10 =	simm.s32 $0x1  }
0xf: {  	s4 =	sadd.s32 $0x7C400, s5;
	s7 =	sadd.s32 s7, s5;
	s5 =	smul.u32 $0x27100, s6  }
0x10: {  	v0 =	vimm.f32 $0.0e+00;
	s6 =	sadd.s32 $0xFFFB1E00, s8;
	s8 =	smax.u32 s31, $0x1;
	s7 =	sadd.s32 $0xAD200, s7  }
.LBB2_2:
0x11: {  	s12 =	simm.s32 $0x0;
	s13 =	simm.s32 $0x40;
	s14 =	simm.s32 $0x0  }
.LBB2_3:
0x12: {  	p2 =	sne.s32 s13, $0x9FC0;
	[tilespmem:s14+$0x0] =	vst v0;
	s14 =	smov.u32 s13;
	s13 =	sadd.s32 $0x40, s13  }
.Ltmp1:
0x13: {  	(pc) =	sbr.rel @p2 .LBB2_3-.Ltmp1, $2  }
0x14: {  	_ =	sdelay $0x2  }
0x15: {  	s14 =	sshra.s32 s14, $0x2  }
0x16: {  	[tilespmem:s14+$0x0] =	vst v0  }
.LBB2_5:
0x17: {  	s13 =	smul.u32 $0xC80, s12;
	_ =	sdelay $0x1  }
0x18: {  	s13 =	sadd.s32 s5, s13  }
0x19: {  	s14 =	sshrl.u32 s13, $0x3  }
0x1a: {  	s14 =	sadd.s32 s3, s14  }
0x1b: {  	[tilespmem:s9], [sflag:$0x1] =	stream.linear.gather [hbm4b:s14+s2], $0xC80, $0x38;
	[tilespmem:$0x4100] =	vst v63  }
0x1c: {  	s13 =	sadd.s32 @!p0 s13, s6;
	_ =	swait.ge [sflag:s10], $0xC80  }
0x1d: {  	s15 =	simm.s32 @!p0 $0x3480;
	s13 =	sshrl.u32 @!p0 s13, $0x3;
	[sflag:s10] =	ssyncset.done $0x0  }
0x1e: {  	s13 =	sadd.s32 @!p0 s4, s13;
	s14 =	simm.s32 @!p0 $0x0;
	[sflag:s10] =	ssyncadd.s32 $0xFFFFF380  }
0x1f: {  	[tilespmem:s15], [sflag:$0x1] =	stream.linear.gather @!p0 [hbm4b:s13+s14], $0xC80, $0x38;
	[tilespmem:$0x4100] =	vst v63  }
0x20: {  	s13 =	simm.s32 @!p0 $0x1  }
0x21: {  	_ =	swait.ge @!p0 [sflag:s13], $0xC80  }
0x22: {  	[sflag:s13] =	ssyncset.done @!p0 $0x0  }
0x23: {  	s31 =	simm.s32 $0x0;
	[sflag:s13] =	ssyncadd.s32 @!p0 $0xFFFFF380  }
0x24: {  	v1 =	vld [tilespmem:s31+$0x2800];
	_ =	sdelay $0x1  }
0x25: {  	s13 =	simm.s32 @p1 $0x0  }
0x26: {  	v2 =	vld @p1 [tilespmem:s13+$0x3480];
	_ =	sdelay $0x3  }
0x27: {  	s13 =	simm.s32 @p1 $0x0  }
0x28: {  	s15 =	simm.s32 $0x40;
	s14 =	simm.s32 @!p1 $0x0;
	[tilespmem:v1+s13+$0x0] =	vst.idx.add.f32.msk @p1 $0xffff, v2;
	v2 =	vimm.f32 @!p1 $1.000000000e+00  }
.LBB2_6:
0x29: {  	s16 =	sshra.s32 s15, $0x2;
	[tilespmem:v1+s14+$0x0] =	vst.idx.add.f32.msk @!p1 $0xffff, v2;
	s17 =	smov.u32 s15  }
0x2a: {  	s15 =	sadd.s32 $0x40, s15;
	v1 =	vld [tilespmem:s16+$0x2800]  }
0x2b: {  	p2 =	sne.s32 s15, $0x3200  }
0x2c: {  	s16 =	sshra.s32 @p1 s17, $0x2  }
0x2d: {  	v3 =	vld @p1 [tilespmem:s16+$0x3480]  }
.Ltmp2:
0x2e: {  	(pc) =	sbr.rel @p2 .LBB2_6-.Ltmp2, $2  }
0x2f: {  	_ =	sdelay $0x2  }
0x30: {  	[tilespmem:v1+s13+$0x0] =	vst.idx.add.f32.msk @p1 $0xffff, v3  }
0x31: {  	s12 =	sadd.s32 $0x1, s12  }
0x32: {  	p2 =	sne.s32 s12, $0x32  }
.Ltmp3:
0x33: {  	_ = 	snop;
	(pc) =	sbr.rel @p2 .LBB2_5-.Ltmp3, $2  }
0x34: {  	_ =	sdelay $0x2  }
0x35: {  	[tilespmem:v1+s14+$0x0] =	vst.idx.add.f32.msk @!p1 $0xffff, v2  }
0x36: {  	s11 =	sadd.s32 $0x1, s11  }
0x37: {  	p2 =	sne.s32 s11, s8  }
.Ltmp4:
0x38: {  	_ = 	snop;
	(pc) =	sbr.rel @p2 .LBB2_2-.Ltmp4, $4  }
0x39: {  	[hbm4b:s7+s2] =	stream.linear.scatter [tilespmem:s2], [sflag:$0x1], $0x2800, $0x38;
	[tilespmem:$0x4100] =	vst v63  }
0x3a: {  	_ =	swait.ge [sflag:s10], $0x2800  }
0x3b: {  	[sflag:s10] =	ssyncset.done $0x0  }
0x3c: {  	[sflag:s10] =	ssyncadd.s32 $0xFFFFD800  }
.LBB2_9:
0x3d: {  	_ =	sfence.sel $0x180000  }
0x3e: {  	[bflag:$0x0] =	sbarrier.arrive $0xFFFF  }
0x3f: {  	p0 =	sne.s32 s1, $0x0;
	_ =	strace $0x9000004A  }
0x40: {  	s0 =	sadd.s32 @!p0 $0x100000, s0;
	[bflag:$0x2] =	sbarrier.arrive $0xFFFF  }
0x41: {  	[sflag:s0] =	ssyncadd.tile.s32 @!p0 $0x1;
	_ =	shalt  }
.Lfunc_end2:
_tile_overlayer_lowered:
.L_overlay_start_2:
0x42: {  	(tag) =	ssettag $0x2  }
0x43: {  	s0 =	rddreg [dreg:$0x0];
	s2 =	stileid.u32  }
0x44: {  	s1 =	rddreg [dreg:$0x1];
	p0 =	sne.s32 s2, $0x0  }
0x45: {  	s3 =	rddreg [dreg:$0x2];
	[bflag:$0x3] =	sbarrier.arrive $0xFFFF;
	s2 =	simm.s32 @!p0 $0x1C01  }
0x46: {  	[timem:s3], [sflag:s2] =	dma.local @!p0 [hbm:s0], s1  }
0x47: {  	s0 =	simm.s32 @!p0 $0x1  }
0x48: {  	_ =	swait.ge @!p0 [sflag:s0], s1  }
0x49: {  	s1 =	ssub.s32 @!p0 $0x0, s1;
	[sflag:s0] =	ssyncset.done @!p0 $0x0  }
0x4a: {  	[sflag:s0] =	ssyncadd.s32 @!p0 s1  }
0x4b: {  	[bflag:$0x3] =	sbarrier.arrive $0xFFFF  }
0x4c: {  	_ =	shalt  }

// kernel: kernel.14.cloned.1.call-start
scs
__scs_entry_jumppad:
0x0: {  	(pc) =	sbr.rel $0x88, $3  }
0x1: {  	(tag) =	ssettag $0x0;
	lr =	simm.s32 $0x1  }
0x2: {  	[smem:$0x3F8B] =	sst lr;
	_ =	strace $0xD0000000  }
0x3: {  	_ = 	snop  }
0x4: {  	_ = 	snop  }
0x5: {  	_ = 	snop  }
0x6: {  	_ = 	snop  }
0x7: {  	_ = 	snop  }
__scs_overlays_trampoline_lowered:
0x8: {  	[smem:$0x3F9A] =	sst s0  }
0x9: {  	[smem:$0x3F9B] =	sst s1  }
0xa: {  	[smem:$0x3F9C] =	sst s2  }
0xb: {  	[smem:$0x3F9D] =	sst s3  }
0xc: {  	[smem:$0x3F9E] =	sst s4  }
0xd: {  	[smem:$0x3F9F] =	sst s5  }
0xe: {  	[smem:$0x3FA0] =	sst s6  }
0xf: {  	[smem:$0x3FA1] =	sst s7  }
0x10: {  	[smem:$0x3FA2] =	sst s8  }
0x11: {  	[smem:$0x3FA3] =	sst s9;
	s0 =	simm.s32 @!p0 $0x0  }
0x12: {  	s1 =	sld [smem:$0x3F89];
	s0 =	simm.s32 @p0 $0x1  }
0x13: {  	[smem:$0x3FA4] =	sst s0;
	s0 =	simm.s32 @!p1 $0x0  }
0x14: {  	s2 =	sld [smem:$0x3F88];
	s0 =	simm.s32 @p1 $0x1  }
0x15: {  	[smem:$0x3FA5] =	sst s0;
	s0 =	simm.s32 @!p2 $0x0  }
0x16: {  	s3 =	sld [smem:$0x3FDB];
	s0 =	simm.s32 @p2 $0x1  }
0x17: {  	s4 =	simm.s32 $0x1BF5;
	[smem:$0x3FA7] =	sst s0  }
0x18: {  	s0 =	sld [smem:$0x3F8A];
	_ =	swait.ge [sflag:s4], $0x0  }
0x19: {  	s7 =	sld [smem:$0x3F8B]  }
0x1a: {  	s8 =	sadd.s32 $0xFFFFE003, lr  }
0x1b: {  	s9 =	sadd.s32 $0xFFFFFEF7, lr;
	s5 =	simm.s32 $0xFFFFFFFF;
	p2 =	slt.u32 s8, $0xFFFFF086  }
0x1c: {  	p1 =	slt.u32 s9, $0xF7A;
	s5 =	simm.s32 @!p2 $0x0  }
0x1d: {  	s5 =	simm.s32 @p1 $0x1;
	p0 =	seq.s32 s7, s2  }
0x1e: {  	s7 =	smul.u32 @!p0 $0xF7A, s2;
	p2 =	seq.s32 @!p0 s5, $0x0  }
0x1f: {  	s9 =	smul.u32 $0xF7A, s1;
	s8 =	simm.s32 @!p0 $0x1BF5;
	p2 =	por !p2, p0  }
0x20: {  	[sflag:s8] =	ssyncset.s32 @!p0 $0xFFFFF086;
	s6 =	sadd.s32 @!p0 s3, s7;
	s7 =	simm.s32 @!p0 $0x108  }
0x21: {  	s3 =	sadd.s32 s3, s9;
	s6 =	sadd.s32 @!p0 $0x88, s6;
	s7 =	simm.s32 @p2 $0x1082  }
0x22: {  	[simem:s7], [sflag:s8] =	dma.local @!p0 [hbm:s6], $0xF7A  }
0x23: {  	s9 =	sor.u32 $0xD0000000, s2;
	s6 =	simm.s32 $0x108;
	_ =	swait.ge @!p0 [sflag:s8], $0x0  }
0x24: {  	s3 =	sadd.s32 $0x88, s3;
	s6 =	simm.s32 @!p1 $0x1082;
	[sflag:s4] =	ssyncset.s32 $0xFFFFF086  }
0x25: {  	[simem:s6], [sflag:s4] =	dma.local [hbm:s3], $0xF7A  }
0x26: {  	[smem:$0x3F8B] =	sst s1;
	(tag) =	ssettag s2;
	_ =	strace s9  }
0x27: {  	s1 =	sld [smem:$0x3F9B]  }
0x28: {  	s2 =	sld [smem:$0x3F9C]  }
0x29: {  	s4 =	sld [smem:$0x3F9E]  }
0x2a: {  	p0 =	seq.s32 s5, $0x0;
	s5 =	sld [smem:$0x3F9F]  }
0x2b: {  	s6 =	sld [smem:$0x3FA0]  }
0x2c: {  	s7 =	sld [smem:$0x3FA1]  }
0x2d: {  	s3 =	simm.s32 $0x108;
	s8 =	sld [smem:$0x3FA2]  }
0x2e: {  	s3 =	simm.s32 @!p0 $0x1082;
	s9 =	sld [smem:$0x3FA3]  }
0x2f: {  	lr =	sadd.s32 s0, s3;
	s0 =	sld [smem:$0x3F9A]  }
0x30: {  	s3 =	sld [smem:$0x3F9D]  }
0x31: {  	[smem:$0x3FA6] =	sst s10  }
0x32: {  	s10 =	sld [smem:$0x3FA4];
	_ =	sdelay $0x3  }
0x33: {  	p0 =	seq.s32 s10, $0x1;
	s10 =	sld [smem:$0x3FA6];
	_ =	sdelay $0x3  }
0x34: {  	[smem:$0x3FA6] =	sst s10  }
0x35: {  	s10 =	sld [smem:$0x3FA5];
	_ =	sdelay $0x3  }
0x36: {  	p1 =	seq.s32 s10, $0x1;
	s10 =	sld [smem:$0x3FA6];
	_ =	sdelay $0x3  }
0x37: {  	[smem:$0x3FA6] =	sst s10  }
0x38: {  	s10 =	sld [smem:$0x3FA7]  }
0x39: {  	_ = 	snop;
	(pc) =	sbr.ind lr, $3  }
0x3a: {  	_ = 	snop  }
0x3b: {  	_ = 	snop  }
0x3c: {  	p2 =	seq.s32 s10, $0x1;
	s10 =	sld [smem:$0x3FA6]  }
0x3d: {  	_ =	shalt  }
0x3e: {  	_ =	shalt  }
0x3f: {  	_ =	shalt  }
0x40: {  	_ =	shalt  }
0x41: {  	_ =	shalt  }
0x42: {  	_ =	shalt  }
0x43: {  	_ =	shalt  }
0x44: {  	_ =	shalt  }
0x45: {  	_ =	shalt  }
0x46: {  	_ =	shalt  }
0x47: {  	_ =	shalt  }
0x48: {  	_ =	shalt  }
0x49: {  	_ =	shalt  }
0x4a: {  	_ =	shalt  }
0x4b: {  	_ =	shalt  }
0x4c: {  	_ =	shalt  }
0x4d: {  	_ =	shalt  }
0x4e: {  	_ =	shalt  }
0x4f: {  	_ =	shalt  }
0x50: {  	_ =	shalt  }
0x51: {  	_ =	shalt  }
0x52: {  	_ =	shalt  }
0x53: {  	_ =	shalt  }
0x54: {  	_ =	shalt  }
0x55: {  	_ =	shalt  }
0x56: {  	_ =	shalt  }
0x57: {  	_ =	shalt  }
0x58: {  	_ =	shalt  }
0x59: {  	_ =	shalt  }
0x5a: {  	_ =	shalt  }
0x5b: {  	_ =	shalt  }
0x5c: {  	_ =	shalt  }
0x5d: {  	_ =	shalt  }
0x5e: {  	_ =	shalt  }
0x5f: {  	_ =	shalt  }
0x60: {  	_ =	shalt  }
0x61: {  	_ =	shalt  }
0x62: {  	_ =	shalt  }
0x63: {  	_ =	shalt  }
0x64: {  	_ =	shalt  }
0x65: {  	_ =	shalt  }
0x66: {  	_ =	shalt  }
0x67: {  	_ =	shalt  }
0x68: {  	_ =	shalt  }
0x69: {  	_ =	shalt  }
0x6a: {  	_ =	shalt  }
0x6b: {  	_ =	shalt  }
0x6c: {  	_ =	shalt  }
0x6d: {  	_ =	shalt  }
0x6e: {  	_ =	shalt  }
0x6f: {  	_ =	shalt  }
0x70: {  	_ =	shalt  }
0x71: {  	_ =	shalt  }
0x72: {  	_ =	shalt  }
0x73: {  	_ =	shalt  }
0x74: {  	_ =	shalt  }
0x75: {  	_ =	shalt  }
0x76: {  	_ =	shalt  }
0x77: {  	_ =	shalt  }
0x78: {  	_ =	shalt  }
0x79: {  	_ =	shalt  }
0x7a: {  	_ =	shalt  }
0x7b: {  	_ =	shalt  }
0x7c: {  	_ =	shalt  }
0x7d: {  	_ =	shalt  }
0x7e: {  	_ =	shalt  }
0x7f: {  	_ =	shalt  }
0x80: {  	_ =	shalt  }
0x81: {  	_ =	shalt  }
0x82: {  	_ =	shalt  }
0x83: {  	_ =	shalt  }
0x84: {  	_ =	shalt  }
0x85: {  	_ =	shalt  }
0x86: {  	_ =	shalt  }
0x87: {  	_ =	shalt  }
.Lfunc_end0:
.L_simem_size_0:
called_computation.1_lowered:
.L_overlay_start_0:
0x88: {  	s2 =	sld [smem:$0x3FD9]  }
0x89: {  	s3 =	sld [smem:$0x3FFE];
	_ =	sdelay $0x1  }
0x8a: {  	s1 =	srdreg.scid  }
0x8b: {  	s0 =	sand.u32 $0x1, s1  }
0x8c: {  	s16 =	sshll.u32 s0, $0xA;
	s2 =	sadd.s32 s3, s2  }
0x8d: {  	s2 =	sadd.s32 s2, s16  }
0x8e: {  	[smem:$0x3FB2] =	sst s2  }
0x8f: {  	_ = 	snop  }
0x90: {  	(tm) =	ssettm $0x1  }
0x91: {  	s17 =	sld [smem:$0x3FFB];
	_ =	sdelay $0x3  }
0x92: {  	_ =	strace s17  }
0x93: {  	s2 =	sld [smem:$0x3FFC];
	_ =	sdelay $0x3  }
0x94: {  	_ =	strace s2  }
0x95: {  	s2 =	sld [smem:$0x3FFD];
	_ =	sdelay $0x3  }
0x96: {  	_ =	strace s2  }
0x97: {  	_ =	strace $0x8FFFFFFF  }
0x98: {  	s18 =	sld [smem:$0x3FDB];
	_ =	sdelay $0x1  }
0x99: {  	s19 =	simm.s32 $_scs_section_size  }
0x9a: {  	s4 =	simm.s32 $_size__tile_overlayer_lowered;
	s5 =	simm.s32 $_tile_overlayer_lowered  }
0x9b: {  	s22 =	simm.s32 $0x1BFF;
	s21 =	sshll.u32 s5, $0x1;
	s2 =	sadd.s32 s19, s18  }
0x9c: {  	s6 =	simm.s32 $0x0;
	s20 =	sshll.u32 s4, $0x1;
	s4 =	sadd.s32 s21, s2  }
0x9d: {  	[timem:s6], [sflag:s22] =	dma.local [hbm:s4], s20  }
0x9e: {  	_ =	swait.ge [sflag:s22], s20  }
0x9f: {  	s3 =	ssub.s32 $0x0, s20;
	[sflag:s22] =	ssyncset.done $0x0  }
0xa0: {  	[sflag:s22] =	ssyncadd.s32 s3;
	_ =	sdelay $0x1  }
0xa1: {  	s23 =	simm.s32 $0x1B8B  }
0xa2: {  	_ =	swait.ge [sflag:s23], $0x1  }
0xa3: {  	[sflag:s23] =	ssyncset.done $0x0  }
0xa4: {  	s25 =	simm.s32 $0x1B8E;
	s24 =	sld [smem:$0x3FFE];
	[sflag:s23] =	ssyncadd.s32 $0xFFFFFFFF  }
0xa5: {  	s26 =	simm.s32 $execute0_lowered;
	[smem:$0x3FD2] =	sst s25  }
0xa6: {  	s4 =	sshll.u32 s26, $0x1;
	_ =	strace $0x80000046;
	[dreg:$0x1] =	wrdreg $0xFFFFFFFF  }
0xa7: {  	s28 =	simm.s32 $_size_execute0_lowered;
	s2 =	sadd.s32 s2, s4;
	[dreg:$0x0] =	wrdreg $0x0  }
0xa8: {  	s4 =	sshll.u32 s28, $0x1;
	[dreg:$0x2] =	wrdreg s2  }
0xa9: {  	[dreg:$0x3] =	wrdreg s4  }
0xaa: {  	[dreg:$0x4] =	wrdreg $0xC0  }
0xab: {  	_ =	task [dreg:s6], $0x5FFFF  }
0xac: {  	[dreg:$0x1] =	wrdreg $0xFFFFFFFF  }
0xad: {  	[dreg:$0x0] =	wrdreg $0x60  }
0xae: {  	[dreg:$0x2] =	wrdreg s24  }
0xaf: {  	[dreg:$0x3] =	wrdreg $0xA  }
0xb0: {  	_ =	task.clear_ibuf [dreg:s6], $0x4FFFF;
	_ =	strace $0x90000046  }
0xb1: {  	s29 =	simm.s32 $0xA;
	_ =	strace $0x80000048  }
0xb2: {  	_ =	swait.ge [sflag:s29], $0x1  }
0xb3: {  	[sflag:s29] =	ssyncadd.s32 $0xFFFFFFFF  }
0xb4: {  	_ =	strace $0x90000048  }
0xb5: {  	_ =	sfence  }
0xb6: {  	s30 =	sld [smem:$0x0];
	_ =	sdelay $0x2  }
0xb7: {  	s31 =	sshll.u32 s1, $0xD;
	s1 =	sshrl.u32 s1, $0x2  }
0xb8: {  	s3 =	sand.u32 $0x4000, s31;
	s1 =	sadd.s32 s1, s30  }
0xb9: {  	s0 =	sor.u32 s3, s0;
	s1 =	sshll.u32 s1, $0x11  }
0xba: {  	s0 =	sor.u32 s1, s0  }
0xbb: {  	s0 =	sadd.s32 $0x8F2B, s0  }
0xbc: {  	[sflag:s0] =	ssyncadd.remote.s32 $0x1  }
0xbd: {  	_ =	sfence.sel $0xFFFF  }
0xbe: {  	[dreg:$0x0] =	wrdreg $0xFFFFFFFF;
	(pc) =	sbr.abs _section_cstart, $3  }
0xbf: {  	[dreg:$0x1] =	wrdreg $0xFFFFFFFF  }
0xc0: {  	_ =	task.clear_ibuf [dreg:s6], $0x2FFFF;
	_ =	strace $0x9FFFFFFF  }
0xc1: {  	(tm) =	ssettm $0x7FFFFFFF  }
tec
execute0_lowered:
.L_overlay_start_1:
0x0: {  	(tag) =	ssettag $0x1  }
0x1: {  	s6 =	rddreg [dreg:$0x0];
	s1 =	srdreg.scid  }
0x2: {  	s25 =	stileid.u32;
	s13 =	simm.s32 $0x3;
	s14 =	simm.s32 $0x13900  }
0x3: {  	s15 =	simm.s32 $0x16080;
	s18 =	simm.s32 $0x1C880;
	s19 =	simm.s32 $0x1D500  }
0x4: {  	s20 =	simm.s32 $0x1E180;
	s21 =	simm.s32 $0x1EE00;
	s22 =	simm.s32 $0x1  }
0x5: {  	s23 =	simm.s32 $0x9C80;
	s24 =	simm.s32 $0x18800;
	s26 =	simm.s32 $0x0  }
0x6: {  	s5 =	sand.u32 $0x1, s1;
	s1 =	simm.s32 $0x0;
	s3 =	sadd.s32 $0x4AA00, s6  }
0x7: {  	s4 =	sadd.s32 $0x40C00, s6;
	p0 =	sne.s32 s25, $0x0;
	s2 =	sshll.u32 s5, $0x4  }
0x8: {  	[smem:$0x7FF] =	sst s1;
	s8 =	smul.u32 $0x4F0, s5;
	s9 =	ssub.s32 $0x2, s5  }
0x9: {  	s5 =	smul.u32 $0x4E200, s5;
	s2 =	sor.u32 s25, s2;
	_ =	strace $0x80000047  }
0xa: {  	s30 =	sshrl.u32 s9, $0x1;
	s25 =	simm.s32 $0x2;
	s7 =	smul.u32 $0x1390, s2  }
0xb: {  	s2 =	sadd.s32 $0x2D200, s6;
	s11 =	sadd.s32 s8, s6;
	s31 =	sshrl.u32 s5, $0x3  }
0xc: {  	s12 =	ssub.s32 s9, s30;
	s8 =	sadd.s32 $0x2C800, s11;
	s9 =	sadd.s32 s2, s31  }
0xd: {  	s12 =	smax.u32 s12, $0x1;
	s10 =	sadd.s32 s7, s6;
	s7 =	sadd.s32 $0x2BE00, s11  }
0xe: {  	v0 =	vimm.f32 $0.0e+00;
	s11 =	sadd.s32 $0x7BA00, s11;
	s6 =	sadd.s32 $0x4C00, s10;
	s10 =	sadd.s32 $0x54800, s10  }
.LBB2_1:
0xf: {  	[tilespmem:s1], [sflag:$0x3] =	stream.linear.gather [hbm4b:s6+s1], $0x9C80, $0x38;
	[tilespmem:$0x1FA80] =	vst v63  }
0x10: {  	_ =	swait.ge [sflag:s13], $0x9C80  }
0x11: {  	[sflag:s13] =	ssyncset.done $0x0  }
0x12: {  	[sflag:s13] =	ssyncadd.s32 $0xFFFF6380  }
0x13: {  	[tilespmem:s14], [sflag:$0x3] =	stream.linear.gather [hbm4b:s7+s1], $0x2780, $0x38;
	[tilespmem:$0x1FA80] =	vst v63  }
0x14: {  	_ =	swait.ge [sflag:s13], $0x2780  }
0x15: {  	[sflag:s13] =	ssyncset.done $0x0  }
0x16: {  	[sflag:s13] =	ssyncadd.s32 $0xFFFFD880  }
0x17: {  	[tilespmem:s15], [sflag:$0x3] =	stream.linear.gather [hbm4b:s8+s1], $0x2780, $0x38;
	[tilespmem:$0x1FA80] =	vst v63  }
0x18: {  	_ =	swait.ge [sflag:s13], $0x2780  }
0x19: {  	[sflag:s13] =	ssyncset.done $0x0  }
0x1a: {  	s28 =	simm.s32 $0x0;
	[sflag:s13] =	ssyncadd.s32 $0xFFFFD880  }
.LBB2_2:
0x1b: {  	p1 =	sne.s32 s28, $0x270C0  }
.Ltmp0:
0x1c: {  	_ = 	snop;
	(pc) =	sbr.rel @p1 .LBB2_2-.Ltmp0, $3  }
0x1d: {  	_ =	sdelay $0x1  }
0x1e: {  	s29 =	sshra.s32 s28, $0x2  }
0x1f: {  	s28 =	sadd.s32 $0x40, s28;
	[tilespmem:s29+$0x9C80] =	vst v0  }
0x20: {  	s28 =	simm.s32 $0x40;
	s29 =	simm.s32 $0x0  }
.LBB2_4:
0x21: {  	p1 =	sne.s32 s28, $0x9C00;
	[tilespmem:s29+$0x18800] =	vst v0;
	s29 =	smov.u32 s28;
	s28 =	sadd.s32 $0x40, s28  }
.Ltmp1:
0x22: {  	(pc) =	sbr.rel @p1 .LBB2_4-.Ltmp1, $2  }
0x23: {  	_ =	sdelay $0x2  }
0x24: {  	s29 =	sshra.s32 s29, $0x2  }
0x25: {  	[tilespmem:s29+$0x18800] =	vst v0;
	s28 =	simm.s32 $0x0;
	s0 =	simm.s32 $0x1AF80  }
0x26: {  	[tilespmem:s0], [sflag:$0x1] =	stream.linear.gather [hbm4b:s3+s28], $0xC80, $0x38;
	[tilespmem:$0x1FA80] =	vst v63  }
0x27: {  	s31 =	simm.s32 $0x1BC00  }
0x28: {  	[tilespmem:s31], [sflag:$0x1] =	stream.linear.gather [hbm4b:s4+s28], $0xC80, $0x38;
	[tilespmem:$0x1FA80] =	vst v63  }
0x29: {  	s29 =	simm.s32 $0x0  }
0x2a: {  	[tilespmem:s18], [sflag:$0x1] =	stream.linear.gather [hbm4b:s9+s28], $0xC80, $0x38;
	[tilespmem:$0x1FA80] =	vst v63  }
.LBB2_6:
0x2b: {  	s30 =	smul.u32 $0x1900, s29;
	_ =	sdelay $0x1  }
0x2c: {  	s31 =	sadd.s32 $0xC80, s30  }
0x2d: {  	s0 =	sshrl.u32 s31, $0x3  }
0x2e: {  	s16 =	sadd.s32 s3, s0  }
0x2f: {  	[tilespmem:s19], [sflag:$0x2] =	stream.linear.gather [hbm4b:s16+s28], $0xC80, $0x38;
	[tilespmem:$0x1FA80] =	vst v63  }
0x30: {  	s0 =	sadd.s32 s4, s0;
	s16 =	sadd.s32 s5, s31  }
0x31: {  	[tilespmem:s20], [sflag:$0x2] =	stream.linear.gather [hbm4b:s0+s28], $0xC80, $0x38;
	[tilespmem:$0x1FA80] =	vst v63  }
0x32: {  	s0 =	sshrl.u32 s16, $0x3  }
0x33: {  	s0 =	sadd.s32 s2, s0  }
0x34: {  	[tilespmem:s21], [sflag:$0x2] =	stream.linear.gather [hbm4b:s0+s28], $0xC80, $0x38;
	[tilespmem:$0x1FA80] =	vst v63  }
0x35: {  	_ =	swait.ge [sflag:s22], $0xC80  }
0x36: {  	[sflag:s22] =	ssyncset.done $0x0  }
0x37: {  	[sflag:s22] =	ssyncadd.s32 $0xFFFFF380  }
0x38: {  	_ =	swait.ge [sflag:s22], $0xC80  }
0x39: {  	[sflag:s22] =	ssyncset.done $0x0  }
0x3a: {  	[sflag:s22] =	ssyncadd.s32 $0xFFFFF380  }
0x3b: {  	_ =	swait.ge [sflag:s22], $0xC80  }
0x3c: {  	[sflag:s22] =	ssyncset.done $0x0  }
0x3d: {  	s17 =	simm.s32 $0x0;
	[sflag:s22] =	ssyncadd.s32 $0xFFFFF380  }
0x3e: {  	v3 =	vld [tilespmem:s17+$0x1AF80]  }
0x3f: {  	v1 =	vld [tilespmem:s17+$0x1BC00];
	_ =	sdelay $0x6  }
0x40: {  	v2 =	vld.idx.msk [tilespmem:v3+s14+$0x0], $0xffff  }
0x41: {  	v4 =	vld.idx.msk [tilespmem:v1+s15+$0x0], $0xffff;
	_ =	sdelay $0x1  }
0x42: {  	v5 =	vld [tilespmem:s17+$0x1C880];
	_ =	sdelay $0x2  }
0x43: {  	v2 =	vadd.f32 v4, v2;
	_ =	sdelay $0x1  }
0x44: {  	v2 =	vadd.f32 v5, v2;
	_ =	sdelay $0x1  }
0x45: {  	v4 =	vmul.f32 $2.000000030e-01, v2  }
0x46: {  	vm0 =	vge.f32 v2, $0.0e+00  }
0x47: {  	v2 =	vsel vm0, v2, v4  }
0x48: {  	v2 =	vmul.f32 $1.442695020e+00, v2;
	_ =	sdelay $0x1  }
0x49: {  	(erf) = vpow2.f32 v2;
	_ =	sdelay $0x4  }
0x4a: {  	v4 =	vld.idx.msk [tilespmem:v3+s1+$0x0], $0xffff;
	_ =	sdelay $0x2  }
0x4b: {  	v5 =	vadd.s32 $0x2710, v3  }
0x4c: {  	v2 =	vpop (erf)  }
0x4d: {  	v4 =	vmul.f32 v2, v4;
	_ =	sdelay $0x1  }
0x4e: {  	[tilespmem:v1+s23+$0x0] =	vst.idx.add.f32.msk $0xffff, v4  }
0x4f: {  	v4 =	vld.idx.msk [tilespmem:v5+s1+$0x0], $0xffff;
	_ =	sdelay $0x1  }
0x50: {  	v5 =	vadd.s32 $0x2710, v1  }
0x51: {  	v6 =	vadd.s32 $0x4E20, v3;
	_ =	sdelay $0x1  }
0x52: {  	v4 =	vmul.f32 v2, v4;
	_ =	sdelay $0x1  }
0x53: {  	[tilespmem:v5+s23+$0x0] =	vst.idx.add.f32.msk $0xffff, v4  }
0x54: {  	v4 =	vld.idx.msk [tilespmem:v6+s1+$0x0], $0xffff;
	_ =	sdelay $0x1  }
0x55: {  	v5 =	vadd.s32 $0x4E20, v1  }
0x56: {  	v3 =	vadd.s32 $0x7530, v3;
	_ =	sdelay $0x1  }
0x57: {  	v4 =	vmul.f32 v2, v4;
	_ =	sdelay $0x1  }
0x58: {  	[tilespmem:v5+s23+$0x0] =	vst.idx.add.f32.msk $0xffff, v4  }
0x59: {  	v4 =	vld.idx.msk [tilespmem:v3+s1+$0x0], $0xffff;
	_ =	sdelay $0x1  }
0x5a: {  	v3 =	vadd.s32 $0x7530, v1;
	_ =	sdelay $0x2  }
0x5b: {  	s31 =	simm.s32 $0x40;
	v4 =	vmul.f32 v4, v2  }
.LBB2_7:
0x5c: {  	_ = 	snop  }
0x5d: {  	p1 =	sne.s32 s31, $0x31C0;
	s0 =	smov.u32 s31;
	s31 =	sadd.s32 $0x40, s31;
	[tilespmem:v3+s23+$0x0] =	vst.idx.add.f32.msk $0xffff, v4  }
0x5e: {  	s0 =	sshra.s32 s0, $0x2;
	[tilespmem:v1+s24+$0x0] =	vst.idx.add.f32.msk $0xffff, v2  }
0x5f: {  	v3 =	vld [tilespmem:s0+$0x1AF80]  }
0x60: {  	v1 =	vld [tilespmem:s0+$0x1BC00];
	_ =	sdelay $0x6  }
0x61: {  	v2 =	vld.idx.msk [tilespmem:v3+s14+$0x0], $0xffff  }
0x62: {  	v4 =	vld.idx.msk [tilespmem:v1+s15+$0x0], $0xffff;
	_ =	sdelay $0x1  }
0x63: {  	v5 =	vld [tilespmem:s0+$0x1C880];
	_ =	sdelay $0x3  }
0x64: {  	v2 =	vadd.f32 v4, v2;
	_ =	sdelay $0x1  }
0x65: {  	v2 =	vadd.f32 v5, v2;
	_ =	sdelay $0x1  }
0x66: {  	vm0 =	vge.f32 v2, $0.0e+00;
	v4 =	vmul.f32 $2.000000030e-01, v2;
	_ =	sdelay $0x1  }
0x67: {  	v2 =	vsel vm0, v2, v4  }
0x68: {  	v2 =	vmul.f32 $1.442695020e+00, v2;
	_ =	sdelay $0x1  }
0x69: {  	(erf) = vpow2.f32 v2;
	_ =	sdelay $0x2  }
0x6a: {  	v4 =	vld.idx.msk [tilespmem:v3+s1+$0x0], $0xffff;
	_ =	sdelay $0x3  }
0x6b: {  	v5 =	vadd.s32 $0x2710, v3;
	_ =	sdelay $0x1  }
0x6c: {  	v2 =	vpop (erf)  }
0x6d: {  	v4 =	vmul.f32 v2, v4;
	_ =	sdelay $0x1  }
0x6e: {  	[tilespmem:v1+s23+$0x0] =	vst.idx.add.f32.msk $0xffff, v4  }
0x6f: {  	v4 =	vld.idx.msk [tilespmem:v5+s1+$0x0], $0xffff;
	_ =	sdelay $0x1  }
0x70: {  	v5 =	vadd.s32 $0x2710, v1  }
0x71: {  	v6 =	vadd.s32 $0x4E20, v3;
	_ =	sdelay $0x2  }
0x72: {  	v4 =	vmul.f32 v2, v4;
	_ =	sdelay $0x1  }
0x73: {  	[tilespmem:v5+s23+$0x0] =	vst.idx.add.f32.msk $0xffff, v4  }
0x74: {  	v4 =	vld.idx.msk [tilespmem:v6+s1+$0x0], $0xffff;
	_ =	sdelay $0x1  }
0x75: {  	v5 =	vadd.s32 $0x4E20, v1  }
0x76: {  	v3 =	vadd.s32 $0x7530, v3;
	_ =	sdelay $0x2  }
0x77: {  	v4 =	vmul.f32 v2, v4;
	_ =	sdelay $0x1  }
0x78: {  	[tilespmem:v5+s23+$0x0] =	vst.idx.add.f32.msk $0xffff, v4  }
0x79: {  	v4 =	vld.idx.msk [tilespmem:v3+s1+$0x0], $0xffff;
	_ =	sdelay $0x1  }
.Ltmp2:
0x7a: {  	v3 =	vadd.s32 $0x7530, v1;
	(pc) =	sbr.rel @p1 .LBB2_7-.Ltmp2, $2  }
0x7b: {  	_ =	sdelay $0x2  }
0x7c: {  	v4 =	vmul.f32 v4, v2  }
0x7d: {  	_ =	sdelay $0x1  }
0x7e: {  	p1 =	seq.s32 s29, $0x31  }
0x7f: {  	s0 =	sadd.s32 @!p1 $0x1900, s30  }
0x80: {  	[tilespmem:v3+s23+$0x0] =	vst.idx.add.f32.msk $0xffff, v4;
	s31 =	simm.s32 @!p1 $0x0;
	s16 =	sshrl.u32 @!p1 s0, $0x3  }
0x81: {  	s17 =	simm.s32 @!p1 $0x1AF80;
	[tilespmem:v1+s24+$0x0] =	vst.idx.add.f32.msk $0xffff, v2;
	s0 =	sadd.s32 @!p1 s5, s0;
	s30 =	sadd.s32 @!p1 s3, s16  }
0x82: {  	[tilespmem:s17], [sflag:$0x1] =	stream.linear.gather @!p1 [hbm4b:s30+s31], $0xC80, $0x38;
	[tilespmem:$0x1FA80] =	vst v63  }
0x83: {  	s16 =	sadd.s32 @!p1 s4, s16;
	s0 =	sshrl.u32 @!p1 s0, $0x3;
	s17 =	simm.s32 @!p1 $0x1BC00  }
0x84: {  	[tilespmem:s17], [sflag:$0x1] =	stream.linear.gather @!p1 [hbm4b:s16+s31], $0xC80, $0x38;
	[tilespmem:$0x1FA80] =	vst v63  }
0x85: {  	s0 =	sadd.s32 @!p1 s2, s0;
	s16 =	simm.s32 @!p1 $0x1C880  }
0x86: {  	[tilespmem:s16], [sflag:$0x1] =	stream.linear.gather @!p1 [hbm4b:s0+s31], $0xC80, $0x38;
	[tilespmem:$0x1FA80] =	vst v63  }
0x87: {  	_ =	swait.ge [sflag:s25], $0xC80  }
0x88: {  	[sflag:s25] =	ssyncset.done $0x0  }
0x89: {  	[sflag:s25] =	ssyncadd.s32 $0xFFFFF380  }
0x8a: {  	_ =	swait.ge [sflag:s25], $0xC80  }
0x8b: {  	[sflag:s25] =	ssyncset.done $0x0  }
0x8c: {  	[sflag:s25] =	ssyncadd.s32 $0xFFFFF380  }
0x8d: {  	_ =	swait.ge [sflag:s25], $0xC80  }
0x8e: {  	[sflag:s25] =	ssyncset.done $0x0  }
0x8f: {  	s31 =	simm.s32 $0x0;
	[sflag:s25] =	ssyncadd.s32 $0xFFFFF380  }
0x90: {  	v3 =	vld [tilespmem:s31+$0x1D500]  }
0x91: {  	v1 =	vld [tilespmem:s31+$0x1E180];
	_ =	sdelay $0x6  }
0x92: {  	v2 =	vld.idx.msk [tilespmem:v3+s14+$0x0], $0xffff  }
0x93: {  	v4 =	vld.idx.msk [tilespmem:v1+s15+$0x0], $0xffff;
	_ =	sdelay $0x1  }
0x94: {  	v5 =	vld [tilespmem:s31+$0x1EE00];
	_ =	sdelay $0x2  }
0x95: {  	v2 =	vadd.f32 v4, v2;
	_ =	sdelay $0x1  }
0x96: {  	v2 =	vadd.f32 v5, v2;
	_ =	sdelay $0x1  }
0x97: {  	v4 =	vmul.f32 $2.000000030e-01, v2  }
0x98: {  	vm0 =	vge.f32 v2, $0.0e+00  }
0x99: {  	v2 =	vsel vm0, v2, v4  }
0x9a: {  	v2 =	vmul.f32 $1.442695020e+00, v2;
	_ =	sdelay $0x1  }
0x9b: {  	(erf) = vpow2.f32 v2;
	_ =	sdelay $0x4  }
0x9c: {  	v4 =	vld.idx.msk [tilespmem:v3+s1+$0x0], $0xffff;
	_ =	sdelay $0x2  }
0x9d: {  	v5 =	vadd.s32 $0x2710, v3  }
0x9e: {  	v2 =	vpop (erf)  }
0x9f: {  	v4 =	vmul.f32 v2, v4;
	_ =	sdelay $0x1  }
0xa0: {  	[tilespmem:v1+s23+$0x0] =	vst.idx.add.f32.msk $0xffff, v4  }
0xa1: {  	v4 =	vld.idx.msk [tilespmem:v5+s1+$0x0], $0xffff;
	_ =	sdelay $0x1  }
0xa2: {  	v5 =	vadd.s32 $0x2710, v1  }
0xa3: {  	v6 =	vadd.s32 $0x4E20, v3;
	_ =	sdelay $0x1  }
0xa4: {  	v4 =	vmul.f32 v2, v4;
	_ =	sdelay $0x1  }
0xa5: {  	[tilespmem:v5+s23+$0x0] =	vst.idx.add.f32.msk $0xffff, v4  }
0xa6: {  	v4 =	vld.idx.msk [tilespmem:v6+s1+$0x0], $0xffff;
	_ =	sdelay $0x1  }
0xa7: {  	v5 =	vadd.s32 $0x4E20, v1  }
0xa8: {  	v3 =	vadd.s32 $0x7530, v3;
	_ =	sdelay $0x1  }
0xa9: {  	v4 =	vmul.f32 v2, v4;
	_ =	sdelay $0x1  }
0xaa: {  	[tilespmem:v5+s23+$0x0] =	vst.idx.add.f32.msk $0xffff, v4  }
0xab: {  	v4 =	vld.idx.msk [tilespmem:v3+s1+$0x0], $0xffff;
	_ =	sdelay $0x1  }
0xac: {  	v3 =	vadd.s32 $0x7530, v1;
	_ =	sdelay $0x2  }
0xad: {  	s30 =	simm.s32 $0x40;
	v4 =	vmul.f32 v4, v2  }
.LBB2_9:
0xae: {  	_ = 	snop  }
0xaf: {  	p1 =	sne.s32 s30, $0x31C0;
	s0 =	smov.u32 s30;
	s30 =	sadd.s32 $0x40, s30;
	[tilespmem:v3+s23+$0x0] =	vst.idx.add.f32.msk $0xffff, v4  }
0xb0: {  	s0 =	sshra.s32 s0, $0x2;
	[tilespmem:v1+s24+$0x0] =	vst.idx.add.f32.msk $0xffff, v2  }
0xb1: {  	v3 =	vld [tilespmem:s0+$0x1D500]  }
0xb2: {  	v1 =	vld [tilespmem:s0+$0x1E180];
	_ =	sdelay $0x6  }
0xb3: {  	v2 =	vld.idx.msk [tilespmem:v3+s14+$0x0], $0xffff  }
0xb4: {  	v4 =	vld.idx.msk [tilespmem:v1+s15+$0x0], $0xffff;
	_ =	sdelay $0x1  }
0xb5: {  	v5 =	vld [tilespmem:s0+$0x1EE00];
	_ =	sdelay $0x3  }
0xb6: {  	v2 =	vadd.f32 v4, v2;
	_ =	sdelay $0x1  }
0xb7: {  	v2 =	vadd.f32 v5, v2;
	_ =	sdelay $0x1  }
0xb8: {  	vm0 =	vge.f32 v2, $0.0e+00;
	v4 =	vmul.f32 $2.000000030e-01, v2;
	_ =	sdelay $0x1  }
0xb9: {  	v2 =	vsel vm0, v2, v4  }
0xba: {  	v2 =	vmul.f32 $1.442695020e+00, v2;
	_ =	sdelay $0x1  }
0xbb: {  	(erf) = vpow2.f32 v2;
	_ =	sdelay $0x2  }
0xbc: {  	v4 =	vld.idx.msk [tilespmem:v3+s1+$0x0], $0xffff;
	_ =	sdelay $0x3  }
0xbd: {  	v5 =	vadd.s32 $0x2710, v3;
	_ =	sdelay $0x1  }
0xbe: {  	v2 =	vpop (erf)  }
0xbf: {  	v4 =	vmul.f32 v2, v4;
	_ =	sdelay $0x1  }
0xc0: {  	[tilespmem:v1+s23+$0x0] =	vst.idx.add.f32.msk $0xffff, v4  }
0xc1: {  	v4 =	vld.idx.msk [tilespmem:v5+s1+$0x0], $0xffff;
	_ =	sdelay $0x1  }
0xc2: {  	v5 =	vadd.s32 $0x2710, v1  }
0xc3: {  	v6 =	vadd.s32 $0x4E20, v3;
	_ =	sdelay $0x2  }
0xc4: {  	v4 =	vmul.f32 v2, v4;
	_ =	sdelay $0x1  }
0xc5: {  	[tilespmem:v5+s23+$0x0] =	vst.idx.add.f32.msk $0xffff, v4  }
0xc6: {  	v4 =	vld.idx.msk [tilespmem:v6+s1+$0x0], $0xffff;
	_ =	sdelay $0x1  }
0xc7: {  	v5 =	vadd.s32 $0x4E20, v1  }
0xc8: {  	v3 =	vadd.s32 $0x7530, v3;
	_ =	sdelay $0x2  }
0xc9: {  	v4 =	vmul.f32 v2, v4;
	_ =	sdelay $0x1  }
0xca: {  	[tilespmem:v5+s23+$0x0] =	vst.idx.add.f32.msk $0xffff, v4  }
0xcb: {  	v4 =	vld.idx.msk [tilespmem:v3+s1+$0x0], $0xffff;
	_ =	sdelay $0x1  }
.Ltmp3:
0xcc: {  	v3 =	vadd.s32 $0x7530, v1;
	(pc) =	sbr.rel @p1 .LBB2_9-.Ltmp3, $2  }
0xcd: {  	_ =	sdelay $0x2  }
0xce: {  	v4 =	vmul.f32 v4, v2  }
0xcf: {  	s29 =	sadd.s32 $0x1, s29  }
0xd0: {  	p1 =	sne.s32 s29, $0x32  }
.Ltmp4:
0xd1: {  	_ = 	snop;
	(pc) =	sbr.rel @p1 .LBB2_6-.Ltmp4, $3  }
0xd2: {  	_ =	sdelay $0x1  }
0xd3: {  	[tilespmem:v3+s23+$0x0] =	vst.idx.add.f32.msk $0xffff, v4  }
0xd4: {  	[tilespmem:v1+s24+$0x0] =	vst.idx.add.f32.msk $0xffff, v2  }
0xd5: {  	[hbm4b:s10+s1] =	stream.linear.scatter [tilespmem:s23], [sflag:$0x3], $0x9C80, $0x38;
	[tilespmem:$0x1FA80] =	vst v63  }
0xd6: {  	_ =	swait.ge [sflag:s13], $0x9C80  }
0xd7: {  	s0 =	simm.s32 @!p0 $0x0;
	s26 =	sadd.s32 $0x1, s26;
	[sflag:s13] =	ssyncset.done $0x0  }
0xd8: {  	s16 =	simm.s32 @!p0 $0x18800;
	p1 =	sne.s32 s26, s12;
	[sflag:s13] =	ssyncadd.s32 $0xFFFF6380  }
0xd9: {  	[hbm4b:s11+s0] =	stream.linear.scatter @!p0 [tilespmem:s16], [sflag:$0x3], $0x2780, $0x38;
	[tilespmem:$0x1FA80] =	vst v63  }
.Ltmp5:
0xda: {  	_ = 	snop;
	(pc) =	sbr.rel @p1 .LBB2_1-.Ltmp5, $4  }
0xdb: {  	s0 =	simm.s32 @!p0 $0x3  }
0xdc: {  	_ =	swait.ge @!p0 [sflag:s0], $0x2780  }
0xdd: {  	[sflag:s0] =	ssyncset.done @!p0 $0x0  }
0xde: {  	[sflag:s0] =	ssyncadd.s32 @!p0 $0xFFFFD880  }
0xdf: {  	_ =	sfence.sel $0x180000  }
0xe0: {  	[bflag:$0x0] =	sbarrier.arrive $0xFFFF  }
0xe1: {  	_ =	strace $0x90000047  }
0xe2: {  	[bflag:$0x2] =	sbarrier.arrive $0xFFFF  }
0xe3: {  	s0 =	rddreg [dreg:$0x1]  }
0xe4: {  	s0 =	sadd.s32 @!p0 $0x100000, s0  }
0xe5: {  	[sflag:s0] =	ssyncadd.tile.s32 @!p0 $0x1;
	_ =	shalt  }
.Lfunc_end2:
_tile_overlayer_lowered:
.L_overlay_start_2:
0xe6: {  	(tag) =	ssettag $0x2  }
0xe7: {  	s0 =	rddreg [dreg:$0x0];
	s2 =	stileid.u32  }
0xe8: {  	s1 =	rddreg [dreg:$0x1];
	p0 =	sne.s32 s2, $0x0  }
0xe9: {  	s3 =	rddreg [dreg:$0x2];
	[bflag:$0x3] =	sbarrier.arrive $0xFFFF;
	s2 =	simm.s32 @!p0 $0x1C03  }
0xea: {  	[timem:s3], [sflag:s2] =	dma.local @!p0 [hbm:s0], s1  }
0xeb: {  	s0 =	simm.s32 @!p0 $0x3  }
0xec: {  	_ =	swait.ge @!p0 [sflag:s0], s1  }
0xed: {  	s1 =	ssub.s32 @!p0 $0x0, s1;
	[sflag:s0] =	ssyncset.done @!p0 $0x0  }
0xee: {  	[sflag:s0] =	ssyncadd.s32 @!p0 s1  }
0xef: {  	[bflag:$0x3] =	sbarrier.arrive $0xFFFF  }
0xf0: {  	_ =	shalt  }

// kernel: kernel.17.cloned.1.call-start
scs
__scs_entry_jumppad:
0x0: {  	(pc) =	sbr.rel $0x88, $3  }
0x1: {  	(tag) =	ssettag $0x0;
	lr =	simm.s32 $0x1  }
0x2: {  	[smem:$0x3F8B] =	sst lr;
	_ =	strace $0xD0000000  }
0x3: {  	_ = 	snop  }
0x4: {  	_ = 	snop  }
0x5: {  	_ = 	snop  }
0x6: {  	_ = 	snop  }
0x7: {  	_ = 	snop  }
__scs_overlays_trampoline_lowered:
0x8: {  	[smem:$0x3F9A] =	sst s0  }
0x9: {  	[smem:$0x3F9B] =	sst s1  }
0xa: {  	[smem:$0x3F9C] =	sst s2  }
0xb: {  	[smem:$0x3F9D] =	sst s3  }
0xc: {  	[smem:$0x3F9E] =	sst s4  }
0xd: {  	[smem:$0x3F9F] =	sst s5  }
0xe: {  	[smem:$0x3FA0] =	sst s6  }
0xf: {  	[smem:$0x3FA1] =	sst s7  }
0x10: {  	[smem:$0x3FA2] =	sst s8  }
0x11: {  	[smem:$0x3FA3] =	sst s9;
	s0 =	simm.s32 @!p0 $0x0  }
0x12: {  	s1 =	sld [smem:$0x3F89];
	s0 =	simm.s32 @p0 $0x1  }
0x13: {  	[smem:$0x3FA4] =	sst s0;
	s0 =	simm.s32 @!p1 $0x0  }
0x14: {  	s2 =	sld [smem:$0x3F88];
	s0 =	simm.s32 @p1 $0x1  }
0x15: {  	[smem:$0x3FA5] =	sst s0;
	s0 =	simm.s32 @!p2 $0x0  }
0x16: {  	s3 =	sld [smem:$0x3FDB];
	s0 =	simm.s32 @p2 $0x1  }
0x17: {  	s4 =	simm.s32 $0x1BF5;
	[smem:$0x3FA7] =	sst s0  }
0x18: {  	s0 =	sld [smem:$0x3F8A];
	_ =	swait.ge [sflag:s4], $0x0  }
0x19: {  	s7 =	sld [smem:$0x3F8B]  }
0x1a: {  	s8 =	sadd.s32 $0xFFFFE003, lr  }
0x1b: {  	s9 =	sadd.s32 $0xFFFFFEF7, lr;
	s5 =	simm.s32 $0xFFFFFFFF;
	p2 =	slt.u32 s8, $0xFFFFF086  }
0x1c: {  	p1 =	slt.u32 s9, $0xF7A;
	s5 =	simm.s32 @!p2 $0x0  }
0x1d: {  	s5 =	simm.s32 @p1 $0x1;
	p0 =	seq.s32 s7, s2  }
0x1e: {  	s7 =	smul.u32 @!p0 $0xF7A, s2;
	p2 =	seq.s32 @!p0 s5, $0x0  }
0x1f: {  	s9 =	smul.u32 $0xF7A, s1;
	s8 =	simm.s32 @!p0 $0x1BF5;
	p2 =	por !p2, p0  }
0x20: {  	[sflag:s8] =	ssyncset.s32 @!p0 $0xFFFFF086;
	s6 =	sadd.s32 @!p0 s3, s7;
	s7 =	simm.s32 @!p0 $0x108  }
0x21: {  	s3 =	sadd.s32 s3, s9;
	s6 =	sadd.s32 @!p0 $0x88, s6;
	s7 =	simm.s32 @p2 $0x1082  }
0x22: {  	[simem:s7], [sflag:s8] =	dma.local @!p0 [hbm:s6], $0xF7A  }
0x23: {  	s9 =	sor.u32 $0xD0000000, s2;
	s6 =	simm.s32 $0x108;
	_ =	swait.ge @!p0 [sflag:s8], $0x0  }
0x24: {  	s3 =	sadd.s32 $0x88, s3;
	s6 =	simm.s32 @!p1 $0x1082;
	[sflag:s4] =	ssyncset.s32 $0xFFFFF086  }
0x25: {  	[simem:s6], [sflag:s4] =	dma.local [hbm:s3], $0xF7A  }
0x26: {  	[smem:$0x3F8B] =	sst s1;
	(tag) =	ssettag s2;
	_ =	strace s9  }
0x27: {  	s1 =	sld [smem:$0x3F9B]  }
0x28: {  	s2 =	sld [smem:$0x3F9C]  }
0x29: {  	s4 =	sld [smem:$0x3F9E]  }
0x2a: {  	p0 =	seq.s32 s5, $0x0;
	s5 =	sld [smem:$0x3F9F]  }
0x2b: {  	s6 =	sld [smem:$0x3FA0]  }
0x2c: {  	s7 =	sld [smem:$0x3FA1]  }
0x2d: {  	s3 =	simm.s32 $0x108;
	s8 =	sld [smem:$0x3FA2]  }
0x2e: {  	s3 =	simm.s32 @!p0 $0x1082;
	s9 =	sld [smem:$0x3FA3]  }
0x2f: {  	lr =	sadd.s32 s0, s3;
	s0 =	sld [smem:$0x3F9A]  }
0x30: {  	s3 =	sld [smem:$0x3F9D]  }
0x31: {  	[smem:$0x3FA6] =	sst s10  }
0x32: {  	s10 =	sld [smem:$0x3FA4];
	_ =	sdelay $0x3  }
0x33: {  	p0 =	seq.s32 s10, $0x1;
	s10 =	sld [smem:$0x3FA6];
	_ =	sdelay $0x3  }
0x34: {  	[smem:$0x3FA6] =	sst s10  }
0x35: {  	s10 =	sld [smem:$0x3FA5];
	_ =	sdelay $0x3  }
0x36: {  	p1 =	seq.s32 s10, $0x1;
	s10 =	sld [smem:$0x3FA6];
	_ =	sdelay $0x3  }
0x37: {  	[smem:$0x3FA6] =	sst s10  }
0x38: {  	s10 =	sld [smem:$0x3FA7]  }
0x39: {  	_ = 	snop;
	(pc) =	sbr.ind lr, $3  }
0x3a: {  	_ = 	snop  }
0x3b: {  	_ = 	snop  }
0x3c: {  	p2 =	seq.s32 s10, $0x1;
	s10 =	sld [smem:$0x3FA6]  }
0x3d: {  	_ =	shalt  }
0x3e: {  	_ =	shalt  }
0x3f: {  	_ =	shalt  }
0x40: {  	_ =	shalt  }
0x41: {  	_ =	shalt  }
0x42: {  	_ =	shalt  }
0x43: {  	_ =	shalt  }
0x44: {  	_ =	shalt  }
0x45: {  	_ =	shalt  }
0x46: {  	_ =	shalt  }
0x47: {  	_ =	shalt  }
0x48: {  	_ =	shalt  }
0x49: {  	_ =	shalt  }
0x4a: {  	_ =	shalt  }
0x4b: {  	_ =	shalt  }
0x4c: {  	_ =	shalt  }
0x4d: {  	_ =	shalt  }
0x4e: {  	_ =	shalt  }
0x4f: {  	_ =	shalt  }
0x50: {  	_ =	shalt  }
0x51: {  	_ =	shalt  }
0x52: {  	_ =	shalt  }
0x53: {  	_ =	shalt  }
0x54: {  	_ =	shalt  }
0x55: {  	_ =	shalt  }
0x56: {  	_ =	shalt  }
0x57: {  	_ =	shalt  }
0x58: {  	_ =	shalt  }
0x59: {  	_ =	shalt  }
0x5a: {  	_ =	shalt  }
0x5b: {  	_ =	shalt  }
0x5c: {  	_ =	shalt  }
0x5d: {  	_ =	shalt  }
0x5e: {  	_ =	shalt  }
0x5f: {  	_ =	shalt  }
0x60: {  	_ =	shalt  }
0x61: {  	_ =	shalt  }
0x62: {  	_ =	shalt  }
0x63: {  	_ =	shalt  }
0x64: {  	_ =	shalt  }
0x65: {  	_ =	shalt  }
0x66: {  	_ =	shalt  }
0x67: {  	_ =	shalt  }
0x68: {  	_ =	shalt  }
0x69: {  	_ =	shalt  }
0x6a: {  	_ =	shalt  }
0x6b: {  	_ =	shalt  }
0x6c: {  	_ =	shalt  }
0x6d: {  	_ =	shalt  }
0x6e: {  	_ =	shalt  }
0x6f: {  	_ =	shalt  }
0x70: {  	_ =	shalt  }
0x71: {  	_ =	shalt  }
0x72: {  	_ =	shalt  }
0x73: {  	_ =	shalt  }
0x74: {  	_ =	shalt  }
0x75: {  	_ =	shalt  }
0x76: {  	_ =	shalt  }
0x77: {  	_ =	shalt  }
0x78: {  	_ =	shalt  }
0x79: {  	_ =	shalt  }
0x7a: {  	_ =	shalt  }
0x7b: {  	_ =	shalt  }
0x7c: {  	_ =	shalt  }
0x7d: {  	_ =	shalt  }
0x7e: {  	_ =	shalt  }
0x7f: {  	_ =	shalt  }
0x80: {  	_ =	shalt  }
0x81: {  	_ =	shalt  }
0x82: {  	_ =	shalt  }
0x83: {  	_ =	shalt  }
0x84: {  	_ =	shalt  }
0x85: {  	_ =	shalt  }
0x86: {  	_ =	shalt  }
0x87: {  	_ =	shalt  }
.Lfunc_end0:
.L_simem_size_0:
called_computation.2_lowered:
.L_overlay_start_0:
0x88: {  	s2 =	sld [smem:$0x3FD9]  }
0x89: {  	s3 =	sld [smem:$0x3FFE];
	_ =	sdelay $0x1  }
0x8a: {  	s1 =	srdreg.scid  }
0x8b: {  	s0 =	sand.u32 $0x1, s1  }
0x8c: {  	s16 =	sshll.u32 s0, $0xA;
	s2 =	sadd.s32 s3, s2  }
0x8d: {  	s2 =	sadd.s32 s2, s16  }
0x8e: {  	[smem:$0x3FB2] =	sst s2  }
0x8f: {  	_ = 	snop  }
0x90: {  	(tm) =	ssettm $0x1  }
0x91: {  	s17 =	sld [smem:$0x3FFB];
	_ =	sdelay $0x3  }
0x92: {  	_ =	strace s17  }
0x93: {  	s2 =	sld [smem:$0x3FFC];
	_ =	sdelay $0x3  }
0x94: {  	_ =	strace s2  }
0x95: {  	s2 =	sld [smem:$0x3FFD];
	_ =	sdelay $0x3  }
0x96: {  	_ =	strace s2  }
0x97: {  	_ =	strace $0x8FFFFFFF  }
0x98: {  	s18 =	sld [smem:$0x3FDB];
	_ =	sdelay $0x1  }
0x99: {  	s19 =	simm.s32 $_scs_section_size  }
0x9a: {  	s4 =	simm.s32 $_size__tile_overlayer_lowered;
	s5 =	simm.s32 $_tile_overlayer_lowered  }
0x9b: {  	s22 =	simm.s32 $0x1BFF;
	s21 =	sshll.u32 s5, $0x1;
	s2 =	sadd.s32 s19, s18  }
0x9c: {  	s6 =	simm.s32 $0x0;
	s20 =	sshll.u32 s4, $0x1;
	s4 =	sadd.s32 s21, s2  }
0x9d: {  	[timem:s6], [sflag:s22] =	dma.local [hbm:s4], s20  }
0x9e: {  	_ =	swait.ge [sflag:s22], s20  }
0x9f: {  	s3 =	ssub.s32 $0x0, s20;
	[sflag:s22] =	ssyncset.done $0x0  }
0xa0: {  	[sflag:s22] =	ssyncadd.s32 s3;
	_ =	sdelay $0x1  }
0xa1: {  	s23 =	simm.s32 $0x1B8B  }
0xa2: {  	_ =	swait.ge [sflag:s23], $0x1  }
0xa3: {  	[sflag:s23] =	ssyncset.done $0x0  }
0xa4: {  	s25 =	simm.s32 $0x1B8E;
	s24 =	sld [smem:$0x3FFE];
	[sflag:s23] =	ssyncadd.s32 $0xFFFFFFFF  }
0xa5: {  	s26 =	simm.s32 $execute0_lowered;
	[smem:$0x3FD2] =	sst s25  }
0xa6: {  	s4 =	sshll.u32 s26, $0x1;
	_ =	strace $0x8000004C;
	[dreg:$0x1] =	wrdreg $0xFFFFFFFF  }
0xa7: {  	s28 =	simm.s32 $_size_execute0_lowered;
	s2 =	sadd.s32 s2, s4;
	[dreg:$0x0] =	wrdreg $0x0  }
0xa8: {  	s4 =	sshll.u32 s28, $0x1;
	[dreg:$0x2] =	wrdreg s2  }
0xa9: {  	[dreg:$0x3] =	wrdreg s4  }
0xaa: {  	[dreg:$0x4] =	wrdreg $0xC0  }
0xab: {  	_ =	task [dreg:s6], $0x5FFFF  }
0xac: {  	[dreg:$0x1] =	wrdreg $0xFFFFFFFF  }
0xad: {  	[dreg:$0x0] =	wrdreg $0x60  }
0xae: {  	[dreg:$0x2] =	wrdreg s24  }
0xaf: {  	[dreg:$0x3] =	wrdreg $0x9  }
0xb0: {  	_ =	task.clear_ibuf [dreg:s6], $0x4FFFF;
	_ =	strace $0x9000004C  }
0xb1: {  	s29 =	simm.s32 $0x9;
	_ =	strace $0x8000004E  }
0xb2: {  	_ =	swait.ge [sflag:s29], $0x1  }
0xb3: {  	[sflag:s29] =	ssyncadd.s32 $0xFFFFFFFF  }
0xb4: {  	_ =	strace $0x9000004E  }
0xb5: {  	_ =	sfence  }
0xb6: {  	s30 =	sld [smem:$0x0];
	_ =	sdelay $0x2  }
0xb7: {  	s31 =	sshll.u32 s1, $0xD;
	s1 =	sshrl.u32 s1, $0x2  }
0xb8: {  	s3 =	sand.u32 $0x4000, s31;
	s1 =	sadd.s32 s1, s30  }
0xb9: {  	s0 =	sor.u32 s3, s0;
	s1 =	sshll.u32 s1, $0x11  }
0xba: {  	s0 =	sor.u32 s1, s0  }
0xbb: {  	s0 =	sadd.s32 $0x8F2B, s0  }
0xbc: {  	[sflag:s0] =	ssyncadd.remote.s32 $0x1  }
0xbd: {  	_ =	sfence.sel $0xFFFF  }
0xbe: {  	[dreg:$0x0] =	wrdreg $0xFFFFFFFF;
	(pc) =	sbr.abs _section_cstart, $3  }
0xbf: {  	[dreg:$0x1] =	wrdreg $0xFFFFFFFF  }
0xc0: {  	_ =	task.clear_ibuf [dreg:s6], $0x2FFFF;
	_ =	strace $0x9FFFFFFF  }
0xc1: {  	(tm) =	ssettm $0x7FFFFFFF  }
tec
execute0_lowered:
.L_overlay_start_1:
0x0: {  	(tag) =	ssettag $0x1  }
0x1: {  	s6 =	rddreg [dreg:$0x0];
	s1 =	srdreg.scid  }
0x2: {  	s25 =	stileid.u32;
	s13 =	simm.s32 $0x3;
	s14 =	simm.s32 $0x13900  }
0x3: {  	s15 =	simm.s32 $0x16080;
	s18 =	simm.s32 $0x1C880;
	s19 =	simm.s32 $0x1D500  }
0x4: {  	s20 =	simm.s32 $0x1E180;
	s21 =	simm.s32 $0x1EE00;
	s22 =	simm.s32 $0x1  }
0x5: {  	s23 =	simm.s32 $0x9C80;
	s24 =	simm.s32 $0x18800;
	s26 =	simm.s32 $0x0  }
0x6: {  	s5 =	sand.u32 $0x1, s1;
	s1 =	simm.s32 $0x0;
	s3 =	sadd.s32 $0x4AA00, s6  }
0x7: {  	s4 =	sadd.s32 $0x40C00, s6;
	p0 =	sne.s32 s25, $0x0;
	s2 =	sshll.u32 s5, $0x4  }
0x8: {  	[smem:$0x7FF] =	sst s1;
	s8 =	smul.u32 $0x4F0, s5;
	s9 =	ssub.s32 $0x2, s5  }
0x9: {  	s5 =	smul.u32 $0x4E200, s5;
	s2 =	sor.u32 s25, s2;
	_ =	strace $0x8000004D  }
0xa: {  	s30 =	sshrl.u32 s9, $0x1;
	s25 =	simm.s32 $0x2;
	s7 =	smul.u32 $0x1390, s2  }
0xb: {  	s2 =	sadd.s32 $0xB0E00, s6;
	s11 =	sadd.s32 s8, s6;
	s31 =	sshrl.u32 s5, $0x3  }
0xc: {  	s12 =	ssub.s32 s9, s30;
	s8 =	sadd.s32 $0xAD200, s11;
	s9 =	sadd.s32 s2, s31  }
0xd: {  	s12 =	smax.u32 s12, $0x1;
	s10 =	sadd.s32 s7, s6;
	s7 =	sadd.s32 $0x7BA00, s11  }
0xe: {  	v0 =	vimm.f32 $0.0e+00;
	s11 =	sadd.s32 $0xADC00, s11;
	s6 =	sadd.s32 $0x54800, s10;
	s10 =	sadd.s32 $0x4C00, s10  }
.LBB2_1:
0xf: {  	[tilespmem:s1], [sflag:$0x3] =	stream.linear.gather [hbm4b:s6+s1], $0x9C80, $0x38;
	[tilespmem:$0x1FA80] =	vst v63  }
0x10: {  	_ =	swait.ge [sflag:s13], $0x9C80  }
0x11: {  	[sflag:s13] =	ssyncset.done $0x0  }
0x12: {  	[sflag:s13] =	ssyncadd.s32 $0xFFFF6380  }
0x13: {  	[tilespmem:s14], [sflag:$0x3] =	stream.linear.gather [hbm4b:s7+s1], $0x2780, $0x38;
	[tilespmem:$0x1FA80] =	vst v63  }
0x14: {  	_ =	swait.ge [sflag:s13], $0x2780  }
0x15: {  	[sflag:s13] =	ssyncset.done $0x0  }
0x16: {  	[sflag:s13] =	ssyncadd.s32 $0xFFFFD880  }
0x17: {  	[tilespmem:s15], [sflag:$0x3] =	stream.linear.gather [hbm4b:s8+s1], $0x2780, $0x38;
	[tilespmem:$0x1FA80] =	vst v63  }
0x18: {  	_ =	swait.ge [sflag:s13], $0x2780  }
0x19: {  	[sflag:s13] =	ssyncset.done $0x0  }
0x1a: {  	s28 =	simm.s32 $0x0;
	[sflag:s13] =	ssyncadd.s32 $0xFFFFD880  }
.LBB2_2:
0x1b: {  	p1 =	sne.s32 s28, $0x270C0  }
.Ltmp0:
0x1c: {  	_ = 	snop;
	(pc) =	sbr.rel @p1 .LBB2_2-.Ltmp0, $3  }
0x1d: {  	_ =	sdelay $0x1  }
0x1e: {  	s29 =	sshra.s32 s28, $0x2  }
0x1f: {  	s28 =	sadd.s32 $0x40, s28;
	[tilespmem:s29+$0x9C80] =	vst v0  }
0x20: {  	s28 =	simm.s32 $0x40;
	s29 =	simm.s32 $0x0  }
.LBB2_4:
0x21: {  	p1 =	sne.s32 s28, $0x9C00;
	[tilespmem:s29+$0x18800] =	vst v0;
	s29 =	smov.u32 s28;
	s28 =	sadd.s32 $0x40, s28  }
.Ltmp1:
0x22: {  	(pc) =	sbr.rel @p1 .LBB2_4-.Ltmp1, $2  }
0x23: {  	_ =	sdelay $0x2  }
0x24: {  	s29 =	sshra.s32 s29, $0x2  }
0x25: {  	[tilespmem:s29+$0x18800] =	vst v0;
	s28 =	simm.s32 $0x0;
	s0 =	simm.s32 $0x1AF80  }
0x26: {  	[tilespmem:s0], [sflag:$0x1] =	stream.linear.gather [hbm4b:s3+s28], $0xC80, $0x38;
	[tilespmem:$0x1FA80] =	vst v63  }
0x27: {  	s31 =	simm.s32 $0x1BC00  }
0x28: {  	[tilespmem:s31], [sflag:$0x1] =	stream.linear.gather [hbm4b:s4+s28], $0xC80, $0x38;
	[tilespmem:$0x1FA80] =	vst v63  }
0x29: {  	s29 =	simm.s32 $0x0  }
0x2a: {  	[tilespmem:s18], [sflag:$0x1] =	stream.linear.gather [hbm4b:s9+s28], $0xC80, $0x38;
	[tilespmem:$0x1FA80] =	vst v63  }
.LBB2_6:
0x2b: {  	s30 =	smul.u32 $0x1900, s29;
	_ =	sdelay $0x1  }
0x2c: {  	s31 =	sadd.s32 $0xC80, s30  }
0x2d: {  	s0 =	sshrl.u32 s31, $0x3  }
0x2e: {  	s16 =	sadd.s32 s3, s0  }
0x2f: {  	[tilespmem:s19], [sflag:$0x2] =	stream.linear.gather [hbm4b:s16+s28], $0xC80, $0x38;
	[tilespmem:$0x1FA80] =	vst v63  }
0x30: {  	s0 =	sadd.s32 s4, s0;
	s16 =	sadd.s32 s5, s31  }
0x31: {  	[tilespmem:s20], [sflag:$0x2] =	stream.linear.gather [hbm4b:s0+s28], $0xC80, $0x38;
	[tilespmem:$0x1FA80] =	vst v63  }
0x32: {  	s0 =	sshrl.u32 s16, $0x3  }
0x33: {  	s0 =	sadd.s32 s2, s0  }
0x34: {  	[tilespmem:s21], [sflag:$0x2] =	stream.linear.gather [hbm4b:s0+s28], $0xC80, $0x38;
	[tilespmem:$0x1FA80] =	vst v63  }
0x35: {  	_ =	swait.ge [sflag:s22], $0xC80  }
0x36: {  	[sflag:s22] =	ssyncset.done $0x0  }
0x37: {  	[sflag:s22] =	ssyncadd.s32 $0xFFFFF380  }
0x38: {  	_ =	swait.ge [sflag:s22], $0xC80  }
0x39: {  	[sflag:s22] =	ssyncset.done $0x0  }
0x3a: {  	[sflag:s22] =	ssyncadd.s32 $0xFFFFF380  }
0x3b: {  	_ =	swait.ge [sflag:s22], $0xC80  }
0x3c: {  	[sflag:s22] =	ssyncset.done $0x0  }
0x3d: {  	s17 =	simm.s32 $0x0;
	[sflag:s22] =	ssyncadd.s32 $0xFFFFF380  }
0x3e: {  	v3 =	vld [tilespmem:s17+$0x1AF80]  }
0x3f: {  	v1 =	vld [tilespmem:s17+$0x1BC00];
	_ =	sdelay $0x6  }
0x40: {  	v2 =	vld.idx.msk [tilespmem:v3+s14+$0x0], $0xffff  }
0x41: {  	v4 =	vld.idx.msk [tilespmem:v1+s15+$0x0], $0xffff;
	_ =	sdelay $0x1  }
0x42: {  	v5 =	vld [tilespmem:s17+$0x1C880];
	_ =	sdelay $0x2  }
0x43: {  	v2 =	vadd.f32 v4, v2;
	_ =	sdelay $0x1  }
0x44: {  	v2 =	vadd.f32 v5, v2;
	_ =	sdelay $0x1  }
0x45: {  	v4 =	vmul.f32 $2.000000030e-01, v2  }
0x46: {  	vm0 =	vge.f32 v2, $0.0e+00  }
0x47: {  	v2 =	vsel vm0, v2, v4  }
0x48: {  	v2 =	vmul.f32 $1.442695020e+00, v2;
	_ =	sdelay $0x1  }
0x49: {  	(erf) = vpow2.f32 v2;
	_ =	sdelay $0x4  }
0x4a: {  	v4 =	vld.idx.msk [tilespmem:v3+s1+$0x0], $0xffff;
	_ =	sdelay $0x2  }
0x4b: {  	v5 =	vadd.s32 $0x2710, v3  }
0x4c: {  	v2 =	vpop (erf)  }
0x4d: {  	v4 =	vmul.f32 v2, v4;
	_ =	sdelay $0x1  }
0x4e: {  	[tilespmem:v1+s23+$0x0] =	vst.idx.add.f32.msk $0xffff, v4  }
0x4f: {  	v4 =	vld.idx.msk [tilespmem:v5+s1+$0x0], $0xffff;
	_ =	sdelay $0x1  }
0x50: {  	v5 =	vadd.s32 $0x2710, v1  }
0x51: {  	v6 =	vadd.s32 $0x4E20, v3;
	_ =	sdelay $0x1  }
0x52: {  	v4 =	vmul.f32 v2, v4;
	_ =	sdelay $0x1  }
0x53: {  	[tilespmem:v5+s23+$0x0] =	vst.idx.add.f32.msk $0xffff, v4  }
0x54: {  	v4 =	vld.idx.msk [tilespmem:v6+s1+$0x0], $0xffff;
	_ =	sdelay $0x1  }
0x55: {  	v5 =	vadd.s32 $0x4E20, v1  }
0x56: {  	v3 =	vadd.s32 $0x7530, v3;
	_ =	sdelay $0x1  }
0x57: {  	v4 =	vmul.f32 v2, v4;
	_ =	sdelay $0x1  }
0x58: {  	[tilespmem:v5+s23+$0x0] =	vst.idx.add.f32.msk $0xffff, v4  }
0x59: {  	v4 =	vld.idx.msk [tilespmem:v3+s1+$0x0], $0xffff;
	_ =	sdelay $0x1  }
0x5a: {  	v3 =	vadd.s32 $0x7530, v1;
	_ =	sdelay $0x2  }
0x5b: {  	s31 =	simm.s32 $0x40;
	v4 =	vmul.f32 v4, v2  }
.LBB2_7:
0x5c: {  	_ = 	snop  }
0x5d: {  	p1 =	sne.s32 s31, $0x31C0;
	s0 =	smov.u32 s31;
	s31 =	sadd.s32 $0x40, s31;
	[tilespmem:v3+s23+$0x0] =	vst.idx.add.f32.msk $0xffff, v4  }
0x5e: {  	s0 =	sshra.s32 s0, $0x2;
	[tilespmem:v1+s24+$0x0] =	vst.idx.add.f32.msk $0xffff, v2  }
0x5f: {  	v3 =	vld [tilespmem:s0+$0x1AF80]  }
0x60: {  	v1 =	vld [tilespmem:s0+$0x1BC00];
	_ =	sdelay $0x6  }
0x61: {  	v2 =	vld.idx.msk [tilespmem:v3+s14+$0x0], $0xffff  }
0x62: {  	v4 =	vld.idx.msk [tilespmem:v1+s15+$0x0], $0xffff;
	_ =	sdelay $0x1  }
0x63: {  	v5 =	vld [tilespmem:s0+$0x1C880];
	_ =	sdelay $0x3  }
0x64: {  	v2 =	vadd.f32 v4, v2;
	_ =	sdelay $0x1  }
0x65: {  	v2 =	vadd.f32 v5, v2;
	_ =	sdelay $0x1  }
0x66: {  	vm0 =	vge.f32 v2, $0.0e+00;
	v4 =	vmul.f32 $2.000000030e-01, v2;
	_ =	sdelay $0x1  }
0x67: {  	v2 =	vsel vm0, v2, v4  }
0x68: {  	v2 =	vmul.f32 $1.442695020e+00, v2;
	_ =	sdelay $0x1  }
0x69: {  	(erf) = vpow2.f32 v2;
	_ =	sdelay $0x2  }
0x6a: {  	v4 =	vld.idx.msk [tilespmem:v3+s1+$0x0], $0xffff;
	_ =	sdelay $0x3  }
0x6b: {  	v5 =	vadd.s32 $0x2710, v3;
	_ =	sdelay $0x1  }
0x6c: {  	v2 =	vpop (erf)  }
0x6d: {  	v4 =	vmul.f32 v2, v4;
	_ =	sdelay $0x1  }
0x6e: {  	[tilespmem:v1+s23+$0x0] =	vst.idx.add.f32.msk $0xffff, v4  }
0x6f: {  	v4 =	vld.idx.msk [tilespmem:v5+s1+$0x0], $0xffff;
	_ =	sdelay $0x1  }
0x70: {  	v5 =	vadd.s32 $0x2710, v1  }
0x71: {  	v6 =	vadd.s32 $0x4E20, v3;
	_ =	sdelay $0x2  }
0x72: {  	v4 =	vmul.f32 v2, v4;
	_ =	sdelay $0x1  }
0x73: {  	[tilespmem:v5+s23+$0x0] =	vst.idx.add.f32.msk $0xffff, v4  }
0x74: {  	v4 =	vld.idx.msk [tilespmem:v6+s1+$0x0], $0xffff;
	_ =	sdelay $0x1  }
0x75: {  	v5 =	vadd.s32 $0x4E20, v1  }
0x76: {  	v3 =	vadd.s32 $0x7530, v3;
	_ =	sdelay $0x2  }
0x77: {  	v4 =	vmul.f32 v2, v4;
	_ =	sdelay $0x1  }
0x78: {  	[tilespmem:v5+s23+$0x0] =	vst.idx.add.f32.msk $0xffff, v4  }
0x79: {  	v4 =	vld.idx.msk [tilespmem:v3+s1+$0x0], $0xffff;
	_ =	sdelay $0x1  }
.Ltmp2:
0x7a: {  	v3 =	vadd.s32 $0x7530, v1;
	(pc) =	sbr.rel @p1 .LBB2_7-.Ltmp2, $2  }
0x7b: {  	_ =	sdelay $0x2  }
0x7c: {  	v4 =	vmul.f32 v4, v2  }
0x7d: {  	_ =	sdelay $0x1  }
0x7e: {  	p1 =	seq.s32 s29, $0x31  }
0x7f: {  	s0 =	sadd.s32 @!p1 $0x1900, s30  }
0x80: {  	[tilespmem:v3+s23+$0x0] =	vst.idx.add.f32.msk $0xffff, v4;
	s31 =	simm.s32 @!p1 $0x0;
	s16 =	sshrl.u32 @!p1 s0, $0x3  }
0x81: {  	s17 =	simm.s32 @!p1 $0x1AF80;
	[tilespmem:v1+s24+$0x0] =	vst.idx.add.f32.msk $0xffff, v2;
	s0 =	sadd.s32 @!p1 s5, s0;
	s30 =	sadd.s32 @!p1 s3, s16  }
0x82: {  	[tilespmem:s17], [sflag:$0x1] =	stream.linear.gather @!p1 [hbm4b:s30+s31], $0xC80, $0x38;
	[tilespmem:$0x1FA80] =	vst v63  }
0x83: {  	s16 =	sadd.s32 @!p1 s4, s16;
	s0 =	sshrl.u32 @!p1 s0, $0x3;
	s17 =	simm.s32 @!p1 $0x1BC00  }
0x84: {  	[tilespmem:s17], [sflag:$0x1] =	stream.linear.gather @!p1 [hbm4b:s16+s31], $0xC80, $0x38;
	[tilespmem:$0x1FA80] =	vst v63  }
0x85: {  	s0 =	sadd.s32 @!p1 s2, s0;
	s16 =	simm.s32 @!p1 $0x1C880  }
0x86: {  	[tilespmem:s16], [sflag:$0x1] =	stream.linear.gather @!p1 [hbm4b:s0+s31], $0xC80, $0x38;
	[tilespmem:$0x1FA80] =	vst v63  }
0x87: {  	_ =	swait.ge [sflag:s25], $0xC80  }
0x88: {  	[sflag:s25] =	ssyncset.done $0x0  }
0x89: {  	[sflag:s25] =	ssyncadd.s32 $0xFFFFF380  }
0x8a: {  	_ =	swait.ge [sflag:s25], $0xC80  }
0x8b: {  	[sflag:s25] =	ssyncset.done $0x0  }
0x8c: {  	[sflag:s25] =	ssyncadd.s32 $0xFFFFF380  }
0x8d: {  	_ =	swait.ge [sflag:s25], $0xC80  }
0x8e: {  	[sflag:s25] =	ssyncset.done $0x0  }
0x8f: {  	s31 =	simm.s32 $0x0;
	[sflag:s25] =	ssyncadd.s32 $0xFFFFF380  }
0x90: {  	v3 =	vld [tilespmem:s31+$0x1D500]  }
0x91: {  	v1 =	vld [tilespmem:s31+$0x1E180];
	_ =	sdelay $0x6  }
0x92: {  	v2 =	vld.idx.msk [tilespmem:v3+s14+$0x0], $0xffff  }
0x93: {  	v4 =	vld.idx.msk [tilespmem:v1+s15+$0x0], $0xffff;
	_ =	sdelay $0x1  }
0x94: {  	v5 =	vld [tilespmem:s31+$0x1EE00];
	_ =	sdelay $0x2  }
0x95: {  	v2 =	vadd.f32 v4, v2;
	_ =	sdelay $0x1  }
0x96: {  	v2 =	vadd.f32 v5, v2;
	_ =	sdelay $0x1  }
0x97: {  	v4 =	vmul.f32 $2.000000030e-01, v2  }
0x98: {  	vm0 =	vge.f32 v2, $0.0e+00  }
0x99: {  	v2 =	vsel vm0, v2, v4  }
0x9a: {  	v2 =	vmul.f32 $1.442695020e+00, v2;
	_ =	sdelay $0x1  }
0x9b: {  	(erf) = vpow2.f32 v2;
	_ =	sdelay $0x4  }
0x9c: {  	v4 =	vld.idx.msk [tilespmem:v3+s1+$0x0], $0xffff;
	_ =	sdelay $0x2  }
0x9d: {  	v5 =	vadd.s32 $0x2710, v3  }
0x9e: {  	v2 =	vpop (erf)  }
0x9f: {  	v4 =	vmul.f32 v2, v4;
	_ =	sdelay $0x1  }
0xa0: {  	[tilespmem:v1+s23+$0x0] =	vst.idx.add.f32.msk $0xffff, v4  }
0xa1: {  	v4 =	vld.idx.msk [tilespmem:v5+s1+$0x0], $0xffff;
	_ =	sdelay $0x1  }
0xa2: {  	v5 =	vadd.s32 $0x2710, v1  }
0xa3: {  	v6 =	vadd.s32 $0x4E20, v3;
	_ =	sdelay $0x1  }
0xa4: {  	v4 =	vmul.f32 v2, v4;
	_ =	sdelay $0x1  }
0xa5: {  	[tilespmem:v5+s23+$0x0] =	vst.idx.add.f32.msk $0xffff, v4  }
0xa6: {  	v4 =	vld.idx.msk [tilespmem:v6+s1+$0x0], $0xffff;
	_ =	sdelay $0x1  }
0xa7: {  	v5 =	vadd.s32 $0x4E20, v1  }
0xa8: {  	v3 =	vadd.s32 $0x7530, v3;
	_ =	sdelay $0x1  }
0xa9: {  	v4 =	vmul.f32 v2, v4;
	_ =	sdelay $0x1  }
0xaa: {  	[tilespmem:v5+s23+$0x0] =	vst.idx.add.f32.msk $0xffff, v4  }
0xab: {  	v4 =	vld.idx.msk [tilespmem:v3+s1+$0x0], $0xffff;
	_ =	sdelay $0x1  }
0xac: {  	v3 =	vadd.s32 $0x7530, v1;
	_ =	sdelay $0x2  }
0xad: {  	s30 =	simm.s32 $0x40;
	v4 =	vmul.f32 v4, v2  }
.LBB2_9:
0xae: {  	_ = 	snop  }
0xaf: {  	p1 =	sne.s32 s30, $0x31C0;
	s0 =	smov.u32 s30;
	s30 =	sadd.s32 $0x40, s30;
	[tilespmem:v3+s23+$0x0] =	vst.idx.add.f32.msk $0xffff, v4  }
0xb0: {  	s0 =	sshra.s32 s0, $0x2;
	[tilespmem:v1+s24+$0x0] =	vst.idx.add.f32.msk $0xffff, v2  }
0xb1: {  	v3 =	vld [tilespmem:s0+$0x1D500]  }
0xb2: {  	v1 =	vld [tilespmem:s0+$0x1E180];
	_ =	sdelay $0x6  }
0xb3: {  	v2 =	vld.idx.msk [tilespmem:v3+s14+$0x0], $0xffff  }
0xb4: {  	v4 =	vld.idx.msk [tilespmem:v1+s15+$0x0], $0xffff;
	_ =	sdelay $0x1  }
0xb5: {  	v5 =	vld [tilespmem:s0+$0x1EE00];
	_ =	sdelay $0x3  }
0xb6: {  	v2 =	vadd.f32 v4, v2;
	_ =	sdelay $0x1  }
0xb7: {  	v2 =	vadd.f32 v5, v2;
	_ =	sdelay $0x1  }
0xb8: {  	vm0 =	vge.f32 v2, $0.0e+00;
	v4 =	vmul.f32 $2.000000030e-01, v2;
	_ =	sdelay $0x1  }
0xb9: {  	v2 =	vsel vm0, v2, v4  }
0xba: {  	v2 =	vmul.f32 $1.442695020e+00, v2;
	_ =	sdelay $0x1  }
0xbb: {  	(erf) = vpow2.f32 v2;
	_ =	sdelay $0x2  }
0xbc: {  	v4 =	vld.idx.msk [tilespmem:v3+s1+$0x0], $0xffff;
	_ =	sdelay $0x3  }
0xbd: {  	v5 =	vadd.s32 $0x2710, v3;
	_ =	sdelay $0x1  }
0xbe: {  	v2 =	vpop (erf)  }
0xbf: {  	v4 =	vmul.f32 v2, v4;
	_ =	sdelay $0x1  }
0xc0: {  	[tilespmem:v1+s23+$0x0] =	vst.idx.add.f32.msk $0xffff, v4  }
0xc1: {  	v4 =	vld.idx.msk [tilespmem:v5+s1+$0x0], $0xffff;
	_ =	sdelay $0x1  }
0xc2: {  	v5 =	vadd.s32 $0x2710, v1  }
0xc3: {  	v6 =	vadd.s32 $0x4E20, v3;
	_ =	sdelay $0x2  }
0xc4: {  	v4 =	vmul.f32 v2, v4;
	_ =	sdelay $0x1  }
0xc5: {  	[tilespmem:v5+s23+$0x0] =	vst.idx.add.f32.msk $0xffff, v4  }
0xc6: {  	v4 =	vld.idx.msk [tilespmem:v6+s1+$0x0], $0xffff;
	_ =	sdelay $0x1  }
0xc7: {  	v5 =	vadd.s32 $0x4E20, v1  }
0xc8: {  	v3 =	vadd.s32 $0x7530, v3;
	_ =	sdelay $0x2  }
0xc9: {  	v4 =	vmul.f32 v2, v4;
	_ =	sdelay $0x1  }
0xca: {  	[tilespmem:v5+s23+$0x0] =	vst.idx.add.f32.msk $0xffff, v4  }
0xcb: {  	v4 =	vld.idx.msk [tilespmem:v3+s1+$0x0], $0xffff;
	_ =	sdelay $0x1  }
.Ltmp3:
0xcc: {  	v3 =	vadd.s32 $0x7530, v1;
	(pc) =	sbr.rel @p1 .LBB2_9-.Ltmp3, $2  }
0xcd: {  	_ =	sdelay $0x2  }
0xce: {  	v4 =	vmul.f32 v4, v2  }
0xcf: {  	s29 =	sadd.s32 $0x1, s29  }
0xd0: {  	p1 =	sne.s32 s29, $0x32  }
.Ltmp4:
0xd1: {  	_ = 	snop;
	(pc) =	sbr.rel @p1 .LBB2_6-.Ltmp4, $3  }
0xd2: {  	_ =	sdelay $0x1  }
0xd3: {  	[tilespmem:v3+s23+$0x0] =	vst.idx.add.f32.msk $0xffff, v4  }
0xd4: {  	[tilespmem:v1+s24+$0x0] =	vst.idx.add.f32.msk $0xffff, v2  }
0xd5: {  	[hbm4b:s10+s1] =	stream.linear.scatter [tilespmem:s23], [sflag:$0x3], $0x9C80, $0x38;
	[tilespmem:$0x1FA80] =	vst v63  }
0xd6: {  	_ =	swait.ge [sflag:s13], $0x9C80  }
0xd7: {  	s0 =	simm.s32 @!p0 $0x0;
	s26 =	sadd.s32 $0x1, s26;
	[sflag:s13] =	ssyncset.done $0x0  }
0xd8: {  	s16 =	simm.s32 @!p0 $0x18800;
	p1 =	sne.s32 s26, s12;
	[sflag:s13] =	ssyncadd.s32 $0xFFFF6380  }
0xd9: {  	[hbm4b:s11+s0] =	stream.linear.scatter @!p0 [tilespmem:s16], [sflag:$0x3], $0x2780, $0x38;
	[tilespmem:$0x1FA80] =	vst v63  }
.Ltmp5:
0xda: {  	_ = 	snop;
	(pc) =	sbr.rel @p1 .LBB2_1-.Ltmp5, $4  }
0xdb: {  	s0 =	simm.s32 @!p0 $0x3  }
0xdc: {  	_ =	swait.ge @!p0 [sflag:s0], $0x2780  }
0xdd: {  	[sflag:s0] =	ssyncset.done @!p0 $0x0  }
0xde: {  	[sflag:s0] =	ssyncadd.s32 @!p0 $0xFFFFD880  }
0xdf: {  	_ =	sfence.sel $0x180000  }
0xe0: {  	[bflag:$0x0] =	sbarrier.arrive $0xFFFF  }
0xe1: {  	_ =	strace $0x9000004D  }
0xe2: {  	[bflag:$0x2] =	sbarrier.arrive $0xFFFF  }
0xe3: {  	s0 =	rddreg [dreg:$0x1]  }
0xe4: {  	s0 =	sadd.s32 @!p0 $0x100000, s0  }
0xe5: {  	[sflag:s0] =	ssyncadd.tile.s32 @!p0 $0x1;
	_ =	shalt  }
.Lfunc_end2:
_tile_overlayer_lowered:
.L_overlay_start_2:
0xe6: {  	(tag) =	ssettag $0x2  }
0xe7: {  	s0 =	rddreg [dreg:$0x0];
	s2 =	stileid.u32  }
0xe8: {  	s1 =	rddreg [dreg:$0x1];
	p0 =	sne.s32 s2, $0x0  }
0xe9: {  	s3 =	rddreg [dreg:$0x2];
	[bflag:$0x3] =	sbarrier.arrive $0xFFFF;
	s2 =	simm.s32 @!p0 $0x1C03  }
0xea: {  	[timem:s3], [sflag:s2] =	dma.local @!p0 [hbm:s0], s1  }
0xeb: {  	s0 =	simm.s32 @!p0 $0x3  }
0xec: {  	_ =	swait.ge @!p0 [sflag:s0], s1  }
0xed: {  	s1 =	ssub.s32 @!p0 $0x0, s1;
	[sflag:s0] =	ssyncset.done @!p0 $0x0  }
0xee: {  	[sflag:s0] =	ssyncadd.s32 @!p0 s1  }
0xef: {  	[bflag:$0x3] =	sbarrier.arrive $0xFFFF  }
0xf0: {  	_ =	shalt  }

// kernel: kernel.20.cloned.1.call-start
scs
__scs_entry_jumppad:
0x0: {  	(pc) =	sbr.rel $0x88, $3  }
0x1: {  	(tag) =	ssettag $0x0;
	lr =	simm.s32 $0x1  }
0x2: {  	[smem:$0x3F8B] =	sst lr;
	_ =	strace $0xD0000000  }
0x3: {  	_ = 	snop  }
0x4: {  	_ = 	snop  }
0x5: {  	_ = 	snop  }
0x6: {  	_ = 	snop  }
0x7: {  	_ = 	snop  }
__scs_overlays_trampoline_lowered:
0x8: {  	[smem:$0x3F9A] =	sst s0  }
0x9: {  	[smem:$0x3F9B] =	sst s1  }
0xa: {  	[smem:$0x3F9C] =	sst s2  }
0xb: {  	[smem:$0x3F9D] =	sst s3  }
0xc: {  	[smem:$0x3F9E] =	sst s4  }
0xd: {  	[smem:$0x3F9F] =	sst s5  }
0xe: {  	[smem:$0x3FA0] =	sst s6  }
0xf: {  	[smem:$0x3FA1] =	sst s7  }
0x10: {  	[smem:$0x3FA2] =	sst s8  }
0x11: {  	[smem:$0x3FA3] =	sst s9;
	s0 =	simm.s32 @!p0 $0x0  }
0x12: {  	s1 =	sld [smem:$0x3F89];
	s0 =	simm.s32 @p0 $0x1  }
0x13: {  	[smem:$0x3FA4] =	sst s0;
	s0 =	simm.s32 @!p1 $0x0  }
0x14: {  	s2 =	sld [smem:$0x3F88];
	s0 =	simm.s32 @p1 $0x1  }
0x15: {  	[smem:$0x3FA5] =	sst s0;
	s0 =	simm.s32 @!p2 $0x0  }
0x16: {  	s3 =	sld [smem:$0x3FDB];
	s0 =	simm.s32 @p2 $0x1  }
0x17: {  	s4 =	simm.s32 $0x1BF5;
	[smem:$0x3FA7] =	sst s0  }
0x18: {  	s0 =	sld [smem:$0x3F8A];
	_ =	swait.ge [sflag:s4], $0x0  }
0x19: {  	s7 =	sld [smem:$0x3F8B]  }
0x1a: {  	s8 =	sadd.s32 $0xFFFFE003, lr  }
0x1b: {  	s9 =	sadd.s32 $0xFFFFFEF7, lr;
	s5 =	simm.s32 $0xFFFFFFFF;
	p2 =	slt.u32 s8, $0xFFFFF086  }
0x1c: {  	p1 =	slt.u32 s9, $0xF7A;
	s5 =	simm.s32 @!p2 $0x0  }
0x1d: {  	s5 =	simm.s32 @p1 $0x1;
	p0 =	seq.s32 s7, s2  }
0x1e: {  	s7 =	smul.u32 @!p0 $0xF7A, s2;
	p2 =	seq.s32 @!p0 s5, $0x0  }
0x1f: {  	s9 =	smul.u32 $0xF7A, s1;
	s8 =	simm.s32 @!p0 $0x1BF5;
	p2 =	por !p2, p0  }
0x20: {  	[sflag:s8] =	ssyncset.s32 @!p0 $0xFFFFF086;
	s6 =	sadd.s32 @!p0 s3, s7;
	s7 =	simm.s32 @!p0 $0x108  }
0x21: {  	s3 =	sadd.s32 s3, s9;
	s6 =	sadd.s32 @!p0 $0x88, s6;
	s7 =	simm.s32 @p2 $0x1082  }
0x22: {  	[simem:s7], [sflag:s8] =	dma.local @!p0 [hbm:s6], $0xF7A  }
0x23: {  	s9 =	sor.u32 $0xD0000000, s2;
	s6 =	simm.s32 $0x108;
	_ =	swait.ge @!p0 [sflag:s8], $0x0  }
0x24: {  	s3 =	sadd.s32 $0x88, s3;
	s6 =	simm.s32 @!p1 $0x1082;
	[sflag:s4] =	ssyncset.s32 $0xFFFFF086  }
0x25: {  	[simem:s6], [sflag:s4] =	dma.local [hbm:s3], $0xF7A  }
0x26: {  	[smem:$0x3F8B] =	sst s1;
	(tag) =	ssettag s2;
	_ =	strace s9  }
0x27: {  	s1 =	sld [smem:$0x3F9B]  }
0x28: {  	s2 =	sld [smem:$0x3F9C]  }
0x29: {  	s4 =	sld [smem:$0x3F9E]  }
0x2a: {  	p0 =	seq.s32 s5, $0x0;
	s5 =	sld [smem:$0x3F9F]  }
0x2b: {  	s6 =	sld [smem:$0x3FA0]  }
0x2c: {  	s7 =	sld [smem:$0x3FA1]  }
0x2d: {  	s3 =	simm.s32 $0x108;
	s8 =	sld [smem:$0x3FA2]  }
0x2e: {  	s3 =	simm.s32 @!p0 $0x1082;
	s9 =	sld [smem:$0x3FA3]  }
0x2f: {  	lr =	sadd.s32 s0, s3;
	s0 =	sld [smem:$0x3F9A]  }
0x30: {  	s3 =	sld [smem:$0x3F9D]  }
0x31: {  	[smem:$0x3FA6] =	sst s10  }
0x32: {  	s10 =	sld [smem:$0x3FA4];
	_ =	sdelay $0x3  }
0x33: {  	p0 =	seq.s32 s10, $0x1;
	s10 =	sld [smem:$0x3FA6];
	_ =	sdelay $0x3  }
0x34: {  	[smem:$0x3FA6] =	sst s10  }
0x35: {  	s10 =	sld [smem:$0x3FA5];
	_ =	sdelay $0x3  }
0x36: {  	p1 =	seq.s32 s10, $0x1;
	s10 =	sld [smem:$0x3FA6];
	_ =	sdelay $0x3  }
0x37: {  	[smem:$0x3FA6] =	sst s10  }
0x38: {  	s10 =	sld [smem:$0x3FA7]  }
0x39: {  	_ = 	snop;
	(pc) =	sbr.ind lr, $3  }
0x3a: {  	_ = 	snop  }
0x3b: {  	_ = 	snop  }
0x3c: {  	p2 =	seq.s32 s10, $0x1;
	s10 =	sld [smem:$0x3FA6]  }
0x3d: {  	_ =	shalt  }
0x3e: {  	_ =	shalt  }
0x3f: {  	_ =	shalt  }
0x40: {  	_ =	shalt  }
0x41: {  	_ =	shalt  }
0x42: {  	_ =	shalt  }
0x43: {  	_ =	shalt  }
0x44: {  	_ =	shalt  }
0x45: {  	_ =	shalt  }
0x46: {  	_ =	shalt  }
0x47: {  	_ =	shalt  }
0x48: {  	_ =	shalt  }
0x49: {  	_ =	shalt  }
0x4a: {  	_ =	shalt  }
0x4b: {  	_ =	shalt  }
0x4c: {  	_ =	shalt  }
0x4d: {  	_ =	shalt  }
0x4e: {  	_ =	shalt  }
0x4f: {  	_ =	shalt  }
0x50: {  	_ =	shalt  }
0x51: {  	_ =	shalt  }
0x52: {  	_ =	shalt  }
0x53: {  	_ =	shalt  }
0x54: {  	_ =	shalt  }
0x55: {  	_ =	shalt  }
0x56: {  	_ =	shalt  }
0x57: {  	_ =	shalt  }
0x58: {  	_ =	shalt  }
0x59: {  	_ =	shalt  }
0x5a: {  	_ =	shalt  }
0x5b: {  	_ =	shalt  }
0x5c: {  	_ =	shalt  }
0x5d: {  	_ =	shalt  }
0x5e: {  	_ =	shalt  }
0x5f: {  	_ =	shalt  }
0x60: {  	_ =	shalt  }
0x61: {  	_ =	shalt  }
0x62: {  	_ =	shalt  }
0x63: {  	_ =	shalt  }
0x64: {  	_ =	shalt  }
0x65: {  	_ =	shalt  }
0x66: {  	_ =	shalt  }
0x67: {  	_ =	shalt  }
0x68: {  	_ =	shalt  }
0x69: {  	_ =	shalt  }
0x6a: {  	_ =	shalt  }
0x6b: {  	_ =	shalt  }
0x6c: {  	_ =	shalt  }
0x6d: {  	_ =	shalt  }
0x6e: {  	_ =	shalt  }
0x6f: {  	_ =	shalt  }
0x70: {  	_ =	shalt  }
0x71: {  	_ =	shalt  }
0x72: {  	_ =	shalt  }
0x73: {  	_ =	shalt  }
0x74: {  	_ =	shalt  }
0x75: {  	_ =	shalt  }
0x76: {  	_ =	shalt  }
0x77: {  	_ =	shalt  }
0x78: {  	_ =	shalt  }
0x79: {  	_ =	shalt  }
0x7a: {  	_ =	shalt  }
0x7b: {  	_ =	shalt  }
0x7c: {  	_ =	shalt  }
0x7d: {  	_ =	shalt  }
0x7e: {  	_ =	shalt  }
0x7f: {  	_ =	shalt  }
0x80: {  	_ =	shalt  }
0x81: {  	_ =	shalt  }
0x82: {  	_ =	shalt  }
0x83: {  	_ =	shalt  }
0x84: {  	_ =	shalt  }
0x85: {  	_ =	shalt  }
0x86: {  	_ =	shalt  }
0x87: {  	_ =	shalt  }
.Lfunc_end0:
.L_simem_size_0:
called_computation.3_lowered:
.L_overlay_start_0:
0x88: {  	s2 =	sld [smem:$0x3FD9]  }
0x89: {  	s3 =	sld [smem:$0x3FFE];
	_ =	sdelay $0x1  }
0x8a: {  	s1 =	srdreg.scid  }
0x8b: {  	s0 =	sand.u32 $0x1, s1  }
0x8c: {  	s16 =	sshll.u32 s0, $0xA;
	s2 =	sadd.s32 s3, s2  }
0x8d: {  	s2 =	sadd.s32 s2, s16  }
0x8e: {  	[smem:$0x3FB2] =	sst s2  }
0x8f: {  	_ = 	snop  }
0x90: {  	(tm) =	ssettm $0x1  }
0x91: {  	s17 =	sld [smem:$0x3FFB];
	_ =	sdelay $0x3  }
0x92: {  	_ =	strace s17  }
0x93: {  	s2 =	sld [smem:$0x3FFC];
	_ =	sdelay $0x3  }
0x94: {  	_ =	strace s2  }
0x95: {  	s2 =	sld [smem:$0x3FFD];
	_ =	sdelay $0x3  }
0x96: {  	_ =	strace s2  }
0x97: {  	_ =	strace $0x8FFFFFFF  }
0x98: {  	s18 =	sld [smem:$0x3FDB];
	_ =	sdelay $0x1  }
0x99: {  	s19 =	simm.s32 $_scs_section_size  }
0x9a: {  	s4 =	simm.s32 $_size__tile_overlayer_lowered;
	s5 =	simm.s32 $_tile_overlayer_lowered  }
0x9b: {  	s22 =	simm.s32 $0x1BFF;
	s21 =	sshll.u32 s5, $0x1;
	s2 =	sadd.s32 s19, s18  }
0x9c: {  	s6 =	simm.s32 $0x0;
	s20 =	sshll.u32 s4, $0x1;
	s4 =	sadd.s32 s21, s2  }
0x9d: {  	[timem:s6], [sflag:s22] =	dma.local [hbm:s4], s20  }
0x9e: {  	_ =	swait.ge [sflag:s22], s20  }
0x9f: {  	s3 =	ssub.s32 $0x0, s20;
	[sflag:s22] =	ssyncset.done $0x0  }
0xa0: {  	[sflag:s22] =	ssyncadd.s32 s3;
	_ =	sdelay $0x1  }
0xa1: {  	s23 =	simm.s32 $0x1B8B  }
0xa2: {  	_ =	swait.ge [sflag:s23], $0x1  }
0xa3: {  	[sflag:s23] =	ssyncset.done $0x0  }
0xa4: {  	s25 =	simm.s32 $0x1B8E;
	s24 =	sld [smem:$0x3FFE];
	[sflag:s23] =	ssyncadd.s32 $0xFFFFFFFF  }
0xa5: {  	s26 =	simm.s32 $execute0_lowered;
	[smem:$0x3FD2] =	sst s25  }
0xa6: {  	s4 =	sshll.u32 s26, $0x1;
	_ =	strace $0x8000004F;
	[dreg:$0x1] =	wrdreg $0xFFFFFFFF  }
0xa7: {  	s28 =	simm.s32 $_size_execute0_lowered;
	s2 =	sadd.s32 s2, s4;
	[dreg:$0x0] =	wrdreg $0x0  }
0xa8: {  	s4 =	sshll.u32 s28, $0x1;
	[dreg:$0x2] =	wrdreg s2  }
0xa9: {  	[dreg:$0x3] =	wrdreg s4  }
0xaa: {  	[dreg:$0x4] =	wrdreg $0xC0  }
0xab: {  	_ =	task [dreg:s6], $0x5FFFF  }
0xac: {  	[dreg:$0x1] =	wrdreg $0xFFFFFFFF  }
0xad: {  	[dreg:$0x0] =	wrdreg $0x60  }
0xae: {  	[dreg:$0x2] =	wrdreg s24  }
0xaf: {  	[dreg:$0x3] =	wrdreg $0x9  }
0xb0: {  	_ =	task.clear_ibuf [dreg:s6], $0x4FFFF;
	_ =	strace $0x9000004F  }
0xb1: {  	s29 =	simm.s32 $0x9;
	_ =	strace $0x80000051  }
0xb2: {  	_ =	swait.ge [sflag:s29], $0x1  }
0xb3: {  	[sflag:s29] =	ssyncadd.s32 $0xFFFFFFFF  }
0xb4: {  	_ =	strace $0x90000051  }
0xb5: {  	_ =	sfence  }
0xb6: {  	s30 =	sld [smem:$0x0];
	_ =	sdelay $0x2  }
0xb7: {  	s31 =	sshll.u32 s1, $0xD;
	s1 =	sshrl.u32 s1, $0x2  }
0xb8: {  	s3 =	sand.u32 $0x4000, s31;
	s1 =	sadd.s32 s1, s30  }
0xb9: {  	s0 =	sor.u32 s3, s0;
	s1 =	sshll.u32 s1, $0x11  }
0xba: {  	s0 =	sor.u32 s1, s0  }
0xbb: {  	s0 =	sadd.s32 $0x8F2B, s0  }
0xbc: {  	[sflag:s0] =	ssyncadd.remote.s32 $0x1  }
0xbd: {  	_ =	sfence.sel $0xFFFF  }
0xbe: {  	[dreg:$0x0] =	wrdreg $0xFFFFFFFF;
	(pc) =	sbr.abs _section_cstart, $3  }
0xbf: {  	[dreg:$0x1] =	wrdreg $0xFFFFFFFF  }
0xc0: {  	_ =	task.clear_ibuf [dreg:s6], $0x2FFFF;
	_ =	strace $0x9FFFFFFF  }
0xc1: {  	(tm) =	ssettm $0x7FFFFFFF  }
tec
execute0_lowered:
.L_overlay_start_1:
0x0: {  	(tag) =	ssettag $0x1  }
0x1: {  	s1 =	stileid.u32  }
0x2: {  	p0 =	sgt.u32 s1, $0xA  }
.Ltmp0:
0x3: {  	_ = 	snop;
	(pc) =	sbr.rel @p0 .LBB2_9-.Ltmp0, $4  }
0x4: {  	_ = 	snop  }
0x5: {  	s9 =	rddreg [dreg:$0x0];
	s2 =	simm.s32 $0x0  }
0x6: {  	[smem:$0x7FF] =	sst s2  }
0x7: {  	s0 =	rddreg [dreg:$0x1];
	_ =	strace $0x80000050  }
0x8: {  	s4 =	srdreg.scid;
	s10 =	sadd.s32 $0x36800, s9  }
0x9: {  	s3 =	sadd.s32 $0x35C00, s9;
	s5 =	sadd.s32 $0x2BE00, s9;
	s6 =	sadd.s32 $0x4AA00, s9  }
0xa: {  	s7 =	sadd.s32 $0x40C00, s9;
	s13 =	sadd.s32 $0x39A00, s9;
	s15 =	smin.u32 s1, $0x9  }
0xb: {  	s31 =	sadd.s32 $0x3FE00, s9;
	s11 =	sand.u32 $0x1, s4;
	s15 =	smul.u32 $0x500, s15  }
0xc: {  	p0 =	seq.s32 s1, $0xA;
	s17 =	simm.s32 $0xB900;
	s12 =	smul.u32 $0xA, s11  }
0xd: {  	s18 =	simm.s32 $0x2800;
	s19 =	simm.s32 $0x0;
	s8 =	smul.u32 $0x27100, s11  }
0xe: {  	s23 =	simm.s32 $0x0;
	s14 =	smul.u32 $0x500, s11;
	s11 =	ssub.s32 $0x2, s11  }
0xf: {  	s4 =	sadd.s32 $0x36200, s9;
	s16 =	sshrl.u32 s11, $0x1;
	s12 =	sadd.s32 s1, s12  }
0x10: {  	s10 =	sadd.s32 s10, s15;
	s15 =	simm.s32 $0xA000;
	s12 =	smul.u32 $0x500, s12  }
0x11: {  	s14 =	sadd.s32 s31, s14;
	s11 =	ssub.s32 s11, s16;
	s16 =	simm.s32 $0xAC80  }
0x12: {  	s11 =	smax.u32 s11, $0x1;
	s9 =	sadd.s32 s13, s12;
	s12 =	simm.s32 $0x1  }
0x13: {  	v0 =	vimm.f32 $0.0e+00;
	s13 =	simm.s32 $0x5000;
	s9 =	smov.u32 @p0 s14;
	s14 =	simm.s32 $0x7800  }
.LBB2_2:
0x14: {  	s20 =	simm.s32 $0x0  }
0x15: {  	[tilespmem:s20], [sflag:$0x1] =	stream.linear.gather [hbm4b:s10+s20], $0x2800, $0x38;
	[tilespmem:$0xC580] =	vst v63  }
0x16: {  	_ =	swait.ge [sflag:s12], $0x2800  }
0x17: {  	[sflag:s12] =	ssyncset.done $0x0  }
0x18: {  	[sflag:s12] =	ssyncadd.s32 $0xFFFFD800  }
0x19: {  	[tilespmem:s13], [sflag:$0x1] =	stream.linear.gather [hbm4b:s3+s20], $0x2800, $0x38;
	[tilespmem:$0xC580] =	vst v63  }
0x1a: {  	_ =	swait.ge [sflag:s12], $0x2800  }
0x1b: {  	[sflag:s12] =	ssyncset.done $0x0  }
0x1c: {  	[sflag:s12] =	ssyncadd.s32 $0xFFFFD800  }
0x1d: {  	[tilespmem:s14], [sflag:$0x1] =	stream.linear.gather [hbm4b:s4+s20], $0x2800, $0x38;
	[tilespmem:$0xC580] =	vst v63  }
0x1e: {  	_ =	swait.ge [sflag:s12], $0x2800  }
0x1f: {  	[sflag:s12] =	ssyncset.done $0x0  }
0x20: {  	s21 =	simm.s32 $0x40;
	s22 =	simm.s32 $0x0;
	[sflag:s12] =	ssyncadd.s32 $0xFFFFD800  }
.LBB2_3:
0x21: {  	p1 =	sne.s32 s21, $0x9FC0;
	[tilespmem:s22+$0x2800] =	vst v0;
	s22 =	smov.u32 s21;
	s21 =	sadd.s32 $0x40, s21  }
.Ltmp1:
0x22: {  	(pc) =	sbr.rel @p1 .LBB2_3-.Ltmp1, $2  }
0x23: {  	_ =	sdelay $0x2  }
0x24: {  	s22 =	sshra.s32 s22, $0x2  }
0x25: {  	[tilespmem:s22+$0x2800] =	vst v0  }
.LBB2_5:
0x26: {  	s21 =	smul.u32 $0xC80, s20;
	_ =	sdelay $0x1  }
0x27: {  	s21 =	sadd.s32 s8, s21  }
0x28: {  	s21 =	sshrl.u32 s21, $0x3  }
0x29: {  	s22 =	sadd.s32 s6, s21  }
0x2a: {  	[tilespmem:s15], [sflag:$0x1] =	stream.linear.gather [hbm4b:s22+s23], $0xC80, $0x38;
	[tilespmem:$0xC580] =	vst v63  }
0x2b: {  	_ =	swait.ge [sflag:s12], $0xC80  }
0x2c: {  	[sflag:s12] =	ssyncset.done $0x0  }
0x2d: {  	s31 =	sadd.s32 s7, s21;
	[sflag:s12] =	ssyncadd.s32 $0xFFFFF380  }
0x2e: {  	[tilespmem:s16], [sflag:$0x1] =	stream.linear.gather [hbm4b:s31+s23], $0xC80, $0x38;
	[tilespmem:$0xC580] =	vst v63  }
0x2f: {  	_ =	swait.ge [sflag:s12], $0xC80  }
0x30: {  	[sflag:s12] =	ssyncset.done $0x0  }
0x31: {  	s21 =	sadd.s32 s5, s21;
	[sflag:s12] =	ssyncadd.s32 $0xFFFFF380  }
0x32: {  	[tilespmem:s17], [sflag:$0x1] =	stream.linear.gather [hbm4b:s21+s23], $0xC80, $0x38;
	[tilespmem:$0xC580] =	vst v63  }
0x33: {  	_ =	swait.ge [sflag:s12], $0xC80  }
0x34: {  	[sflag:s12] =	ssyncset.done $0x0  }
0x35: {  	s22 =	simm.s32 $0x0;
	[sflag:s12] =	ssyncadd.s32 $0xFFFFF380  }
0x36: {  	s21 =	simm.s32 $0x40;
	v1 =	vld [tilespmem:s22+$0xAC80]  }
.LBB2_6:
0x37: {  	p1 =	sne.s32 s21, $0x31C0;
	v2 =	vld [tilespmem:s22+$0xA000];
	_ =	sdelay $0x6  }
0x38: {  	v3 =	vld.idx.msk [tilespmem:v1+s14+$0x0], $0xffff  }
0x39: {  	v4 =	vld.idx.msk [tilespmem:v2+s13+$0x0], $0xffff;
	_ =	sdelay $0x2  }
0x3a: {  	v5 =	vld [tilespmem:s22+$0xB900];
	_ =	sdelay $0x2  }
0x3b: {  	v3 =	vadd.f32 v3, v4;
	_ =	sdelay $0x1  }
0x3c: {  	v3 =	vadd.f32 v5, v3;
	_ =	sdelay $0x1  }
0x3d: {  	v4 =	vmul.f32 $2.000000030e-01, v3  }
0x3e: {  	vm0 =	vge.f32 v3, $0.0e+00  }
0x3f: {  	v3 =	vsel vm0, v3, v4  }
0x40: {  	v3 =	vmul.f32 $1.442695020e+00, v3;
	_ =	sdelay $0x1  }
0x41: {  	(erf) = vpow2.f32 v3;
	_ =	sdelay $0x3  }
0x42: {  	v2 =	vld.idx.msk [tilespmem:v2+s2+$0x0], $0xffff;
	_ =	sdelay $0x4  }
0x43: {  	v3 =	vpop (erf)  }
.Ltmp2:
0x44: {  	v2 =	vmul.f32 v3, v2;
	(pc) =	sbr.rel @p1 .LBB2_6-.Ltmp2, $4  }
0x45: {  	_ = 	snop  }
0x46: {  	v2 =	vpsel p0, v3, v2  }
0x47: {  	s22 =	sshra.s32 s21, $0x2;
	[tilespmem:v1+s18+$0x0] =	vst.idx.add.f32.msk $0xffff, v2  }
0x48: {  	s21 =	sadd.s32 $0x40, s21;
	v1 =	vld [tilespmem:s22+$0xAC80]  }
0x49: {  	_ = 	snop  }
0x4a: {  	v2 =	vld [tilespmem:s22+$0xA000];
	_ =	sdelay $0x6  }
0x4b: {  	v3 =	vld.idx.msk [tilespmem:v1+s14+$0x0], $0xffff  }
0x4c: {  	v4 =	vld.idx.msk [tilespmem:v2+s13+$0x0], $0xffff;
	_ =	sdelay $0x1  }
0x4d: {  	v5 =	vld [tilespmem:s22+$0xB900];
	_ =	sdelay $0x2  }
0x4e: {  	v3 =	vadd.f32 v3, v4;
	_ =	sdelay $0x1  }
0x4f: {  	v3 =	vadd.f32 v5, v3;
	_ =	sdelay $0x1  }
0x50: {  	v63 =	vmul.f32 $2.000000030e-01, v3  }
0x51: {  	vm0 =	vge.f32 v3, $0.0e+00  }
0x52: {  	v3 =	vsel vm0, v3, v63  }
0x53: {  	v3 =	vmul.f32 $1.442695020e+00, v3;
	_ =	sdelay $0x1  }
0x54: {  	(erf) = vpow2.f32 v3;
	_ =	sdelay $0x4  }
0x55: {  	v2 =	vld.idx.msk [tilespmem:v2+s2+$0x0], $0xffff;
	_ =	sdelay $0x1  }
0x56: {  	s20 =	sadd.s32 $0x1, s20  }
0x57: {  	p1 =	sne.s32 s20, $0x32  }
.Ltmp3:
0x58: {  	v3 =	vpop (erf);
	(pc) =	sbr.rel @p1 .LBB2_5-.Ltmp3, $3  }
0x59: {  	v2 =	vmul.f32 v3, v2;
	_ =	sdelay $0x1  }
0x5a: {  	v2 =	vpsel p0, v3, v2  }
0x5b: {  	[tilespmem:v1+s18+$0x0] =	vst.idx.add.f32.msk $0xffff, v2  }
0x5c: {  	s19 =	sadd.s32 $0x1, s19  }
0x5d: {  	p1 =	sne.s32 s19, s11  }
.Ltmp4:
0x5e: {  	_ = 	snop;
	(pc) =	sbr.rel @p1 .LBB2_2-.Ltmp4, $4  }
0x5f: {  	[hbm4b:s9+s2] =	stream.linear.scatter [tilespmem:s18], [sflag:$0x1], $0x2800, $0x38;
	[tilespmem:$0xC580] =	vst v63  }
0x60: {  	_ =	swait.ge [sflag:s12], $0x2800  }
0x61: {  	[sflag:s12] =	ssyncset.done $0x0  }
0x62: {  	[sflag:s12] =	ssyncadd.s32 $0xFFFFD800  }
.LBB2_9:
0x63: {  	_ =	sfence.sel $0x180000  }
0x64: {  	[bflag:$0x0] =	sbarrier.arrive $0xFFFF  }
0x65: {  	p0 =	sne.s32 s1, $0x0;
	_ =	strace $0x90000050  }
0x66: {  	s0 =	sadd.s32 @!p0 $0x100000, s0;
	[bflag:$0x2] =	sbarrier.arrive $0xFFFF  }
0x67: {  	[sflag:s0] =	ssyncadd.tile.s32 @!p0 $0x1;
	_ =	shalt  }
.Lfunc_end2:
_tile_overlayer_lowered:
.L_overlay_start_2:
0x68: {  	(tag) =	ssettag $0x2  }
0x69: {  	s0 =	rddreg [dreg:$0x0];
	s2 =	stileid.u32  }
0x6a: {  	s1 =	rddreg [dreg:$0x1];
	p0 =	sne.s32 s2, $0x0  }
0x6b: {  	s3 =	rddreg [dreg:$0x2];
	[bflag:$0x3] =	sbarrier.arrive $0xFFFF;
	s2 =	simm.s32 @!p0 $0x1C01  }
0x6c: {  	[timem:s3], [sflag:s2] =	dma.local @!p0 [hbm:s0], s1  }
0x6d: {  	s0 =	simm.s32 @!p0 $0x1  }
0x6e: {  	_ =	swait.ge @!p0 [sflag:s0], s1  }
0x6f: {  	s1 =	ssub.s32 @!p0 $0x0, s1;
	[sflag:s0] =	ssyncset.done @!p0 $0x0  }
0x70: {  	[sflag:s0] =	ssyncadd.s32 @!p0 s1  }
0x71: {  	[bflag:$0x3] =	sbarrier.arrive $0xFFFF  }
0x72: {  	_ =	shalt  }

</sc_bundles>
